<compile_context>
chip_gen: v7x
topology: tpu7x:2x2x1
jax: 0.10.2.dev20260603
libtpu: 0.0.44.dev20260713+nightly
codegen_flags: <defaults>
</compile_context>

<pallas_src>
import functools

import jax
import jax.numpy as jnp
from jax import lax
from jax.experimental import pallas as pl
from jax.experimental.pallas import tpu as pltpu
from jax.experimental.pallas import tpu_sc as plsc

NC = 2
NS = 16
NW = NC * NS
LANES = 16
CHUNK = 80


def _mm_bias(x, w, b, block_rows):
    rows, k = x.shape
    dout = w.shape[1]

    def body(x_ref, w_ref, b_ref, o_ref):
        o_ref[...] = (
            jnp.dot(x_ref[...], w_ref[...], preferred_element_type=jnp.float32)
            + b_ref[...]
        )

    return pl.pallas_call(
        body,
        grid=(rows // block_rows,),
        in_specs=[
            pl.BlockSpec((block_rows, k), lambda i: (i, 0)),
            pl.BlockSpec((k, dout), lambda i: (0, 0)),
            pl.BlockSpec((1, dout), lambda i: (0, 0)),
        ],
        out_specs=pl.BlockSpec((block_rows, dout), lambda i: (i, 0)),
        out_shape=jax.ShapeDtypeStruct((rows, dout), jnp.float32),
    )(x, w, b)


def _sc_gather_relu_scatter(ewb, g, src3, dst3, n_pad):
    e_total, d = ewb.shape
    nch = e_total // (NW * CHUNK)
    zr = n_pad // NS
    mesh = plsc.VectorSubcoreMesh(core_axis_name="c", subcore_axis_name="s")

    assert nch % 2 == 1 and nch >= 3

    @functools.partial(
        pl.kernel,
        out_type=jax.ShapeDtypeStruct((NC, n_pad, d), jnp.float32),
        mesh=mesh,
        scratch_types=[
            pltpu.VMEM_SHARED((n_pad, d), jnp.float32),
            pltpu.VMEM((CHUNK,), jnp.int32),
            pltpu.VMEM((CHUNK,), jnp.int32),
            pltpu.VMEM((CHUNK,), jnp.int32),
            pltpu.VMEM((CHUNK,), jnp.int32),
            pltpu.VMEM((CHUNK, d), jnp.float32),
            pltpu.VMEM((CHUNK, d), jnp.float32),
            pltpu.VMEM((CHUNK, d), jnp.float32),
            pltpu.VMEM((CHUNK, d), jnp.float32),
            pltpu.SemaphoreType.DMA,
            pltpu.SemaphoreType.DMA,
            pltpu.SemaphoreType.DMA,
            pltpu.SemaphoreType.DMA,
        ],
    )
    def k(ewb_hbm, g_hbm, src_hbm, dst_hbm, s_out,
          s_sh, src0, dst0, src1, dst1,
          ewb0, ewb1, grow0, grow1, sin0, sin1, gs0, gs1):
        c = lax.axis_index("c")
        s = lax.axis_index("s")
        wid = s * NC + c
        z16 = jnp.zeros((LANES,), jnp.float32)
        slot0 = (src0, dst0, ewb0, grow0, sin0, gs0)
        slot1 = (src1, dst1, ewb1, grow1, sin1, gs1)

        def issue_in(j, sl):
            src_b, dst_b, ewb_b, _, sem, _ = sl
            pltpu.async_copy(src_hbm.at[wid, j], src_b, sem)
            pltpu.async_copy(dst_hbm.at[wid, j], dst_b, sem)
            base = (wid * nch + j) * CHUNK
            pltpu.async_copy(ewb_hbm.at[pl.ds(base, CHUNK)], ewb_b, sem)

        def wait_in(sl):
            src_b, dst_b, ewb_b, _, sem, _ = sl
            pltpu.make_async_copy(src_hbm.at[wid, 0], src_b, sem).wait()
            pltpu.make_async_copy(dst_hbm.at[wid, 0], dst_b, sem).wait()
            pltpu.make_async_copy(ewb_hbm.at[pl.ds(0, CHUNK)], ewb_b, sem).wait()

        def issue_gather(sl):
            src_b, _, _, grow_b, _, gsem = sl
            pltpu.async_copy(g_hbm.at[src_b], grow_b, gsem)

        def wait_gather(sl):
            src_b, _, _, grow_b, _, gsem = sl
            pltpu.make_async_copy(g_hbm.at[src_b], grow_b, gsem).wait()

        def compute_scatter(sl):
            _, dst_b, ewb_b, grow_b, _, _ = sl

            @plsc.parallel_loop(0, CHUNK, unroll=4)
            def vrow(r):
                for cc in range(d // LANES):
                    vs = pl.ds(cc * LANES, LANES)
                    grow_b[r, vs] = jnp.maximum(grow_b[r, vs] + ewb_b[r, vs], 0.0)

            pltpu.sync_copy(grow_b, s_sh.at[dst_b], add=True)

        def zrow(r, carry):
            for cc in range(d // LANES):
                grow0[r, pl.ds(cc * LANES, LANES)] = z16
            return carry

        lax.fori_loop(0, CHUNK, zrow, 0)
        for kk in range(zr // CHUNK):
            pltpu.sync_copy(grow0, s_sh.at[pl.ds(s * zr + kk * CHUNK, CHUNK)])

        plsc.subcore_barrier()

        issue_in(0, slot0)
        issue_in(1, slot1)
        wait_in(slot0)
        issue_gather(slot0)

        def pairbody(kk, carry):
            j0 = 2 * kk
            wait_in(slot1)
            issue_gather(slot1)
            wait_gather(slot0)
            compute_scatter(slot0)
            issue_in(j0 + 2, slot0)
            wait_gather(slot1)
            compute_scatter(slot1)
            issue_in(jnp.minimum(j0 + 3, nch - 1), slot1)
            wait_in(slot0)
            issue_gather(slot0)
            return carry

        lax.fori_loop(0, (nch - 1) // 2, pairbody, 0)
        wait_gather(slot0)
        compute_scatter(slot0)
        wait_in(slot1)
        plsc.subcore_barrier()
        for kk in range(zr // CHUNK):
            off = s * zr + kk * CHUNK
            pltpu.sync_copy(s_sh.at[pl.ds(off, CHUNK)], grow0)
            pltpu.sync_copy(grow0, s_out.at[c, pl.ds(off, CHUNK)])

    return k(ewb, g, src3, dst3)


def _sc_degree(dst3, n_pad, e_total):
    nch = e_total // (NW * CHUNK)
    slots = 5
    assert nch % slots == 0
    groups = nch // slots
    dzr = n_pad // NS
    mesh = plsc.VectorSubcoreMesh(core_axis_name="c", subcore_axis_name="s")

    @functools.partial(
        pl.kernel,
        out_type=jax.ShapeDtypeStruct((NC, n_pad), jnp.float32),
        mesh=mesh,
        scratch_types=[
            pltpu.VMEM_SHARED((n_pad,), jnp.float32),
            pltpu.VMEM((n_pad,), jnp.float32),
            pltpu.VMEM((CHUNK,), jnp.float32),
            [pltpu.VMEM((CHUNK,), jnp.int32) for _ in range(slots)],
            [pltpu.SemaphoreType.DMA for _ in range(slots)],
            pltpu.SemaphoreType.DMA,
        ],
    )
    def k(dst_hbm, deg_out, deg_sh, deg_t, ones_c, idx_b, isem, ssem):
        c = lax.axis_index("c")
        s = lax.axis_index("s")
        wid = s * NC + c
        z16 = jnp.zeros((LANES,), jnp.float32)
        o16 = jnp.full((LANES,), 1.0, jnp.float32)

        def zdeg(i, carry):
            deg_t[pl.ds(i * LANES, LANES)] = z16
            return carry

        lax.fori_loop(0, n_pad // LANES, zdeg, 0)

        @pl.when(s == 0)
        def _():
            pltpu.sync_copy(deg_t, deg_sh)

        def orow(i, carry):
            ones_c[pl.ds(i * LANES, LANES)] = o16
            return carry

        lax.fori_loop(0, CHUNK // LANES, orow, 0)
        plsc.subcore_barrier()

        for b in range(slots):
            pltpu.async_copy(dst_hbm.at[wid, b], idx_b[b], isem[b])

        def gbody(gg, carry):
            for b in range(slots):
                pltpu.make_async_copy(dst_hbm.at[wid, 0], idx_b[b], isem[b]).wait()
                pltpu.async_copy(ones_c, deg_sh.at[idx_b[b]], ssem, add=True)
            for b in range(slots):
                pltpu.make_async_copy(ones_c, deg_sh.at[idx_b[b]], ssem).wait()
            jn = (gg + 1) * slots
            for b in range(slots):
                pltpu.async_copy(
                    dst_hbm.at[wid, jnp.minimum(jn + b, nch - 1)], idx_b[b], isem[b])
            return carry

        lax.fori_loop(0, groups, gbody, 0)
        for b in range(slots):
            pltpu.make_async_copy(dst_hbm.at[wid, 0], idx_b[b], isem[b]).wait()
        plsc.subcore_barrier()
        pltpu.sync_copy(deg_sh.at[pl.ds(s * dzr, dzr)], deg_t.at[pl.ds(0, dzr)])
        pltpu.sync_copy(deg_t.at[pl.ds(0, dzr)], deg_out.at[c, pl.ds(s * dzr, dzr)])

    return k(dst3)


def _sum_partials(dp):
    nparts, npd = dp.shape
    blk = 1024

    def body(d_ref, o_ref):
        o_ref[...] = jnp.sum(d_ref[...], axis=0)[:, None]

    return pl.pallas_call(
        body,
        grid=(npd // blk,),
        in_specs=[pl.BlockSpec((nparts, blk), lambda i: (0, i))],
        out_specs=pl.BlockSpec((blk, 1), lambda i: (i, 0)),
        out_shape=jax.ShapeDtypeStruct((npd, 1), jnp.float32),
    )(dp)


def _final_mlp(s_parts, deg, node, w1b, b1b, w2a, b2a, w2b, b2b, block_rows):
    n, d = node.shape

    def body(sp, dp, nd, w1, v1, w2, v2, w3, v3, o):
        seg = sp[0] + sp[1]
        agg = jnp.dot(seg, w1[...], preferred_element_type=jnp.float32) + dp[...] * v1[...]
        h = agg + nd[...]
        hid = jnp.maximum(
            jnp.dot(h, w2[...], preferred_element_type=jnp.float32) + v2[...], 0.0)
        o[...] = jnp.dot(hid, w3[...], preferred_element_type=jnp.float32) + v3[...]

    wspec = pl.BlockSpec((d, d), lambda i: (0, 0))
    bspec = pl.BlockSpec((1, d), lambda i: (0, 0))
    return pl.pallas_call(
        body,
        grid=(n // block_rows,),
        in_specs=[
            pl.BlockSpec((NC, block_rows, d), lambda i: (0, i, 0)),
            pl.BlockSpec((block_rows, 1), lambda i: (i, 0)),
            pl.BlockSpec((block_rows, d), lambda i: (i, 0)),
            wspec, bspec, wspec, bspec, wspec, bspec,
        ],
        out_specs=pl.BlockSpec((block_rows, d), lambda i: (i, 0)),
        out_shape=jax.ShapeDtypeStruct((n, d), jnp.float32),
    )(s_parts, deg, node, w1b, b1b, w2a, b2a, w2b, b2b)


def kernel(node_feats, edge_feats, edge_index, W1a, b1a, W1b, b1b, W2a, b2a, W2b, b2b):
    n, d = node_feats.shape
    e = edge_feats.shape[0]
    src = edge_index[0].astype(jnp.int32)
    dst = edge_index[1].astype(jnp.int32)
    nch = e // (NW * CHUNK)
    src3 = src.reshape(NW, nch, CHUNK)
    dst3 = dst.reshape(NW, nch, CHUNK)
    tile_rows = NS * CHUNK
    n_pad = ((n + tile_rows - 1) // tile_rows) * tile_rows

    g = _mm_bias(node_feats, W1a[:d], jnp.zeros((1, d), jnp.float32), 2000)
    ewb = _mm_bias(edge_feats, W1a[d:], b1a.reshape(1, d), 2560)
    s_parts = _sc_gather_relu_scatter(ewb, g, src3, dst3, n_pad)
    deg_parts = _sc_degree(dst3, n_pad, e)
    deg = _sum_partials(deg_parts)
    return _final_mlp(s_parts, deg, node_feats,
                      W1b, b1b.reshape(1, d), W2a, b2a.reshape(1, d),
                      W2b, b2b.reshape(1, d), 2000)

# --- scband reference (transcript-rebuilt; emitter-appended) ---
"""Pipeline reference for scband-custom-graph-conv-24988119728418 (READ-ONLY COPY).

The authoritative reference and input builder live on the scoring server;
editing this copy changes nothing except your own understanding.
"""

import jax, jax.numpy as jnp
import numpy as np

N = 10000
E = 320000
D = 128

def _mlp2layer(x, Wa, ba, Wb, bb):
    h = jnp.maximum(x @ Wa + ba, 0.0)
    return h @ Wb + bb

def setup_inputs(seed: int = 0) -> dict:
    key = jax.random.key(seed)
    ks = jax.random.split(key, 12)
    node_feats = jax.random.normal(ks[0], (N, D), dtype=jnp.float32)
    edge_feats = jax.random.normal(ks[1], (E, D), dtype=jnp.float32)
    edge_index = jax.random.randint(ks[2], (2, E), 0, N, dtype=jnp.int64)
    s = lambda f: 1.0 / np.sqrt(f)
    W1a = jax.random.uniform(ks[3], (2 * D, D), jnp.float32, -s(2 * D), s(2 * D))
    b1a = jax.random.uniform(ks[4], (D,), jnp.float32, -s(2 * D), s(2 * D))
    W1b = jax.random.uniform(ks[5], (D, D), jnp.float32, -s(D), s(D))
    b1b = jax.random.uniform(ks[6], (D,), jnp.float32, -s(D), s(D))
    W2a = jax.random.uniform(ks[7], (D, D), jnp.float32, -s(D), s(D))
    b2a = jax.random.uniform(ks[8], (D,), jnp.float32, -s(D), s(D))
    W2b = jax.random.uniform(ks[9], (D, D), jnp.float32, -s(D), s(D))
    b2b = jax.random.uniform(ks[10], (D,), jnp.float32, -s(D), s(D))
    return {"node_feats": node_feats, "edge_feats": edge_feats, "edge_index": edge_index,
            "W1a": W1a, "b1a": b1a, "W1b": W1b, "b1b": b1b,
            "W2a": W2a, "b2a": b2a, "W2b": W2b, "b2b": b2b}

def reference(node_feats, edge_feats, edge_index, W1a, b1a, W1b, b1b, W2a, b2a, W2b, b2b):
    src = edge_index[0]
    dst = edge_index[1]
    # message: mlp1(cat([h_src, e], dim=1))
    msg_in = jnp.concatenate([jnp.take(node_feats, src, axis=0), edge_feats], axis=1)
    m = _mlp2layer(msg_in, W1a, b1a, W1b, b1b)
    # reduce: sum of incoming messages + self feature
    agg = jax.ops.segment_sum(m, dst, num_segments=N)
    h = agg + node_feats
    # node update: mlp2
    out = _mlp2layer(h, W2a, b2a, W2b, b2b)
    return out

if __name__ == "__main__":
    import jax
    _d = setup_inputs()
    print(jax.jit(kernel)(*tuple(_d.values())))

</pallas_src>

<mosaic_0001>
#map = affine_map<(d0, d1) -> (0, 0, 0)>
#map1 = affine_map<(d0, d1) -> (0, 0)>
module attributes {stable_mosaic.version = 14 : i64} {
  func.func @k(%arg0: i32, %arg1: i32, %arg2: memref<32x125x80xi32, #tpu.memory_space<hbm>>, %arg3: memref<2x10240xf32, #tpu.memory_space<hbm>>, %arg4: memref<10240xf32, #tpu.memory_space<vmem_shared>>, %arg5: memref<10240xf32, #tpu.memory_space<vmem>>, %arg6: memref<80xf32, #tpu.memory_space<vmem>>, %arg7: memref<80xi32, #tpu.memory_space<vmem>>, %arg8: memref<80xi32, #tpu.memory_space<vmem>>, %arg9: memref<80xi32, #tpu.memory_space<vmem>>, %arg10: memref<80xi32, #tpu.memory_space<vmem>>, %arg11: memref<80xi32, #tpu.memory_space<vmem>>, %arg12: memref<!tpu.dma_semaphore, #tpu.memory_space<semaphore_mem>>, %arg13: memref<!tpu.dma_semaphore, #tpu.memory_space<semaphore_mem>>, %arg14: memref<!tpu.dma_semaphore, #tpu.memory_space<semaphore_mem>>, %arg15: memref<!tpu.dma_semaphore, #tpu.memory_space<semaphore_mem>>, %arg16: memref<!tpu.dma_semaphore, #tpu.memory_space<semaphore_mem>>, %arg17: memref<!tpu.dma_semaphore, #tpu.memory_space<semaphore_mem>>) attributes {dimension_semantics = [#tpu.dimension_semantics<core_parallel>, #tpu.dimension_semantics<subcore_parallel>], iteration_bounds = array<i64: 2, 16>, scalar_prefetch = 0 : i64, scratch_operands = 14 : i64, tpu.core_type = #tpu.core_type<sc_vector_subcore>, window_params = [{transform_indices = #map}, {transform_indices = #map1}]} {
    %mul3A = arith.constant 2 : i32
    %mul3A_0 = arith.muli %arg1, %mul3A : i32
    %add3A = arith.addi %mul3A_0, %arg0 : i32
    %broadcast_in_dim3A = arith.constant 0.000000e+00 : f32
    %broadcast_in_dim3A_1 = vector.broadcast %broadcast_in_dim3A : f32 to vector<16xf32>
    %broadcast_in_dim3A_2 = arith.constant 1.000000e+00 : f32
    %broadcast_in_dim3A_3 = vector.broadcast %broadcast_in_dim3A_2 : f32 to vector<16xf32>
    %scan3A = arith.constant 0 : i32
    %scan3A_4 = arith.constant 0 : i32
    %scan3A_5 = arith.constant 640 : i32
    %scan3A_6 = arith.addi %scan3A_4, %scan3A_5 : i32
    %scan3A_7 = arith.constant 1 : i32
    scf.for %scan3A_96 = %scan3A_4 to %scan3A_6 step %scan3A_7  : i32 {
      %mul3A_97 = arith.constant 16 : i32
      %mul3A_98 = arith.muli %scan3A_96, %mul3A_97 : i32
      %swap3A = arith.index_cast %mul3A_98 : i32 to index
      %swap3A_99 = tpu.vector_load %arg5[%swap3A] {strides = array<i32>} : memref<10240xf32, #tpu.memory_space<vmem>>, vector<16xf32>,
      %swap3A_100 = vector.shape_cast %swap3A_99 : vector<16xf32> to vector<16xf32>
      %swap3A_101 = vector.shape_cast %broadcast_in_dim3A_1 : vector<16xf32> to vector<16xf32>
      tpu.vector_store %arg5[%swap3A], %swap3A_101 {strides = array<i32>} : memref<10240xf32, #tpu.memory_space<vmem>>, vector<16xf32>,
    }
    %scan3A_8 = arith.constant 640 : i32
    %eq3A = arith.constant 0 : i32
    %eq3A_9 = arith.cmpi eq, %arg1, %eq3A : i32
    %convert_element_type3A = arith.extui %eq3A_9 : i1 to i32
    %cond3A = arith.constant 0 : i32
    %cond3A_10 = arith.cmpi ne, %convert_element_type3A, %cond3A : i32
    scf.if %cond3A_10 {
      "tpu.region"() ({
        %run_scoped3A = tpu.sem_alloc : memref<!tpu.dma_semaphore, #tpu.memory_space<semaphore_mem>>
        tpu.enqueue_dma source(%arg5 : memref<10240xf32, #tpu.memory_space<vmem>>) target(%arg4 : memref<10240xf32, #tpu.memory_space<vmem_shared>>) target_semaphore(%run_scoped3A : memref<!tpu.dma_semaphore, #tpu.memory_space<semaphore_mem>>)
        tpu.wait_dma2 semaphore(%run_scoped3A : memref<!tpu.dma_semaphore, #tpu.memory_space<semaphore_mem>>) src(%arg5 : memref<10240xf32, #tpu.memory_space<vmem>>) dst(%arg4 : memref<10240xf32, #tpu.memory_space<vmem_shared>>)
        tpu.yield
      }) : () -> ()
    } else {
    }
    %scan3A_11 = arith.constant 0 : i32
    %scan3A_12 = arith.constant 0 : i32
    %scan3A_13 = arith.constant 5 : i32
    %scan3A_14 = arith.addi %scan3A_12, %scan3A_13 : i32
    %scan3A_15 = arith.constant 1 : i32
    scf.for %scan3A_96 = %scan3A_12 to %scan3A_14 step %scan3A_15  : i32 {
      %mul3A_97 = arith.constant 16 : i32
      %mul3A_98 = arith.muli %scan3A_96, %mul3A_97 : i32
      %swap3A = arith.index_cast %mul3A_98 : i32 to index
      %swap3A_99 = tpu.vector_load %arg6[%swap3A] {strides = array<i32>} : memref<80xf32, #tpu.memory_space<vmem>>, vector<16xf32>,
      %swap3A_100 = vector.shape_cast %swap3A_99 : vector<16xf32> to vector<16xf32>
      %swap3A_101 = vector.shape_cast %broadcast_in_dim3A_3 : vector<16xf32> to vector<16xf32>
      tpu.vector_store %arg6[%swap3A], %swap3A_101 {strides = array<i32>} : memref<80xf32, #tpu.memory_space<vmem>>, vector<16xf32>,
    }
    %scan3A_16 = arith.constant 5 : i32
    %barrier3A = arith.constant 0 : index
    tpu.barrier barrier_id(%barrier3A)
    %dma_start3A = arith.constant 0 : i32
    %dma_start3A_17 = arith.constant 0 : i32
    %dma_start3A_18 = tpu.memref_slice %arg2[%add3A, %dma_start3A, %dma_start3A_17] : memref<32x125x80xi32, #tpu.memory_space<hbm>> -> memref<1x1x80xi32, #tpu.memory_space<hbm>>
    %dma_start3A_19 = tpu.memref_squeeze %dma_start3A_18 : memref<1x1x80xi32, #tpu.memory_space<hbm>> -> memref<80xi32, #tpu.memory_space<hbm>>
    %dma_start3A_20 = arith.constant 0 : i32
    %dma_start3A_21 = tpu.memref_slice %arg2[%add3A, %dma_start3A, %dma_start3A_20] : memref<32x125x80xi32, #tpu.memory_space<hbm>> -> memref<1x1x80xi32, #tpu.memory_space<hbm>>
    %dma_start3A_22 = tpu.memref_squeeze %dma_start3A_21 : memref<1x1x80xi32, #tpu.memory_space<hbm>> -> memref<80xi32, #tpu.memory_space<hbm>>
    tpu.enqueue_dma source(%dma_start3A_22 : memref<80xi32, #tpu.memory_space<hbm>>) target(%arg7 : memref<80xi32, #tpu.memory_space<vmem>>) target_semaphore(%arg12 : memref<!tpu.dma_semaphore, #tpu.memory_space<semaphore_mem>>)
    %dma_start3A_23 = arith.constant 1 : i32
    %dma_start3A_24 = arith.constant 0 : i32
    %dma_start3A_25 = tpu.memref_slice %arg2[%add3A, %dma_start3A_23, %dma_start3A_24] : memref<32x125x80xi32, #tpu.memory_space<hbm>> -> memref<1x1x80xi32, #tpu.memory_space<hbm>>
    %dma_start3A_26 = tpu.memref_squeeze %dma_start3A_25 : memref<1x1x80xi32, #tpu.memory_space<hbm>> -> memref<80xi32, #tpu.memory_space<hbm>>
    %dma_start3A_27 = arith.constant 0 : i32
    %dma_start3A_28 = tpu.memref_slice %arg2[%add3A, %dma_start3A_23, %dma_start3A_27] : memref<32x125x80xi32, #tpu.memory_space<hbm>> -> memref<1x1x80xi32, #tpu.memory_space<hbm>>
    %dma_start3A_29 = tpu.memref_squeeze %dma_start3A_28 : memref<1x1x80xi32, #tpu.memory_space<hbm>> -> memref<80xi32, #tpu.memory_space<hbm>>
    tpu.enqueue_dma source(%dma_start3A_29 : memref<80xi32, #tpu.memory_space<hbm>>) target(%arg8 : memref<80xi32, #tpu.memory_space<vmem>>) target_semaphore(%arg13 : memref<!tpu.dma_semaphore, #tpu.memory_space<semaphore_mem>>)
    %dma_start3A_30 = arith.constant 2 : i32
    %dma_start3A_31 = arith.constant 0 : i32
    %dma_start3A_32 = tpu.memref_slice %arg2[%add3A, %dma_start3A_30, %dma_start3A_31] : memref<32x125x80xi32, #tpu.memory_space<hbm>> -> memref<1x1x80xi32, #tpu.memory_space<hbm>>
    %dma_start3A_33 = tpu.memref_squeeze %dma_start3A_32 : memref<1x1x80xi32, #tpu.memory_space<hbm>> -> memref<80xi32, #tpu.memory_space<hbm>>
    %dma_start3A_34 = arith.constant 0 : i32
    %dma_start3A_35 = tpu.memref_slice %arg2[%add3A, %dma_start3A_30, %dma_start3A_34] : memref<32x125x80xi32, #tpu.memory_space<hbm>> -> memref<1x1x80xi32, #tpu.memory_space<hbm>>
    %dma_start3A_36 = tpu.memref_squeeze %dma_start3A_35 : memref<1x1x80xi32, #tpu.memory_space<hbm>> -> memref<80xi32, #tpu.memory_space<hbm>>
    tpu.enqueue_dma source(%dma_start3A_36 : memref<80xi32, #tpu.memory_space<hbm>>) target(%arg9 : memref<80xi32, #tpu.memory_space<vmem>>) target_semaphore(%arg14 : memref<!tpu.dma_semaphore, #tpu.memory_space<semaphore_mem>>)
    %dma_start3A_37 = arith.constant 3 : i32
    %dma_start3A_38 = arith.constant 0 : i32
    %dma_start3A_39 = tpu.memref_slice %arg2[%add3A, %dma_start3A_37, %dma_start3A_38] : memref<32x125x80xi32, #tpu.memory_space<hbm>> -> memref<1x1x80xi32, #tpu.memory_space<hbm>>
    %dma_start3A_40 = tpu.memref_squeeze %dma_start3A_39 : memref<1x1x80xi32, #tpu.memory_space<hbm>> -> memref<80xi32, #tpu.memory_space<hbm>>
    %dma_start3A_41 = arith.constant 0 : i32
    %dma_start3A_42 = tpu.memref_slice %arg2[%add3A, %dma_start3A_37, %dma_start3A_41] : memref<32x125x80xi32, #tpu.memory_space<hbm>> -> memref<1x1x80xi32, #tpu.memory_space<hbm>>
    %dma_start3A_43 = tpu.memref_squeeze %dma_start3A_42 : memref<1x1x80xi32, #tpu.memory_space<hbm>> -> memref<80xi32, #tpu.memory_space<hbm>>
    tpu.enqueue_dma source(%dma_start3A_43 : memref<80xi32, #tpu.memory_space<hbm>>) target(%arg10 : memref<80xi32, #tpu.memory_space<vmem>>) target_semaphore(%arg15 : memref<!tpu.dma_semaphore, #tpu.memory_space<semaphore_mem>>)
    %dma_start3A_44 = arith.constant 4 : i32
    %dma_start3A_45 = arith.constant 0 : i32
    %dma_start3A_46 = tpu.memref_slice %arg2[%add3A, %dma_start3A_44, %dma_start3A_45] : memref<32x125x80xi32, #tpu.memory_space<hbm>> -> memref<1x1x80xi32, #tpu.memory_space<hbm>>
    %dma_start3A_47 = tpu.memref_squeeze %dma_start3A_46 : memref<1x1x80xi32, #tpu.memory_space<hbm>> -> memref<80xi32, #tpu.memory_space<hbm>>
    %dma_start3A_48 = arith.constant 0 : i32
    %dma_start3A_49 = tpu.memref_slice %arg2[%add3A, %dma_start3A_44, %dma_start3A_48] : memref<32x125x80xi32, #tpu.memory_space<hbm>> -> memref<1x1x80xi32, #tpu.memory_space<hbm>>
    %dma_start3A_50 = tpu.memref_squeeze %dma_start3A_49 : memref<1x1x80xi32, #tpu.memory_space<hbm>> -> memref<80xi32, #tpu.memory_space<hbm>>
    tpu.enqueue_dma source(%dma_start3A_50 : memref<80xi32, #tpu.memory_space<hbm>>) target(%arg11 : memref<80xi32, #tpu.memory_space<vmem>>) target_semaphore(%arg16 : memref<!tpu.dma_semaphore, #tpu.memory_space<semaphore_mem>>)
    %scan3A_51 = arith.constant 0 : i32
    %scan3A_52 = arith.constant 0 : i32
    %scan3A_53 = arith.constant 25 : i32
    %scan3A_54 = arith.addi %scan3A_52, %scan3A_53 : i32
    %scan3A_55 = arith.constant 1 : i32
    scf.for %scan3A_96 = %scan3A_52 to %scan3A_54 step %scan3A_55  : i32 {
      %dma_wait3A_97 = arith.constant 0 : i32
      %dma_wait3A_98 = arith.constant 0 : i32
      %dma_wait3A_99 = tpu.memref_slice %arg2[%add3A, %dma_wait3A_97, %dma_wait3A_98] : memref<32x125x80xi32, #tpu.memory_space<hbm>> -> memref<1x1x80xi32, #tpu.memory_space<hbm>>
      %dma_wait3A_100 = tpu.memref_squeeze %dma_wait3A_99 : memref<1x1x80xi32, #tpu.memory_space<hbm>> -> memref<80xi32, #tpu.memory_space<hbm>>
      %dma_wait3A_101 = arith.constant 0 : i32
      %dma_wait3A_102 = tpu.memref_slice %arg2[%add3A, %dma_wait3A_97, %dma_wait3A_101] : memref<32x125x80xi32, #tpu.memory_space<hbm>> -> memref<1x1x80xi32, #tpu.memory_space<hbm>>
      %dma_wait3A_103 = tpu.memref_squeeze %dma_wait3A_102 : memref<1x1x80xi32, #tpu.memory_space<hbm>> -> memref<80xi32, #tpu.memory_space<hbm>>
      tpu.wait_dma2 semaphore(%arg12 : memref<!tpu.dma_semaphore, #tpu.memory_space<semaphore_mem>>) src(%dma_wait3A_103 : memref<80xi32, #tpu.memory_space<hbm>>) dst(%arg7 : memref<80xi32, #tpu.memory_space<vmem>>)
      %dma_start3A_104 = arith.constant 0 : i32
      %dma_start3A_105 = tpu.memref_slice %arg4[%dma_start3A_104] : memref<10240xf32, #tpu.memory_space<vmem_shared>> -> memref<10240xf32, #tpu.memory_space<vmem_shared>>
      tpu.enqueue_indirect_dma source(%arg6 : memref<80xf32, #tpu.memory_space<vmem>>) target(%dma_start3A_105 : memref<10240xf32, #tpu.memory_space<vmem_shared>>) offsets(%arg7 : memref<80xi32, #tpu.memory_space<vmem>>) semaphore(%arg17 : memref<!tpu.dma_semaphore, #tpu.memory_space<semaphore_mem>>) {add = true}
      %dma_wait3A_106 = arith.constant 0 : i32
      %dma_wait3A_107 = arith.constant 0 : i32
      %dma_wait3A_108 = tpu.memref_slice %arg2[%add3A, %dma_wait3A_106, %dma_wait3A_107] : memref<32x125x80xi32, #tpu.memory_space<hbm>> -> memref<1x1x80xi32, #tpu.memory_space<hbm>>
      %dma_wait3A_109 = tpu.memref_squeeze %dma_wait3A_108 : memref<1x1x80xi32, #tpu.memory_space<hbm>> -> memref<80xi32, #tpu.memory_space<hbm>>
      %dma_wait3A_110 = arith.constant 0 : i32
      %dma_wait3A_111 = tpu.memref_slice %arg2[%add3A, %dma_wait3A_106, %dma_wait3A_110] : memref<32x125x80xi32, #tpu.memory_space<hbm>> -> memref<1x1x80xi32, #tpu.memory_space<hbm>>
      %dma_wait3A_112 = tpu.memref_squeeze %dma_wait3A_111 : memref<1x1x80xi32, #tpu.memory_space<hbm>> -> memref<80xi32, #tpu.memory_space<hbm>>
      tpu.wait_dma2 semaphore(%arg13 : memref<!tpu.dma_semaphore, #tpu.memory_space<semaphore_mem>>) src(%dma_wait3A_112 : memref<80xi32, #tpu.memory_space<hbm>>) dst(%arg8 : memref<80xi32, #tpu.memory_space<vmem>>)
      %dma_start3A_113 = arith.constant 0 : i32
      %dma_start3A_114 = tpu.memref_slice %arg4[%dma_start3A_113] : memref<10240xf32, #tpu.memory_space<vmem_shared>> -> memref<10240xf32, #tpu.memory_space<vmem_shared>>
      tpu.enqueue_indirect_dma source(%arg6 : memref<80xf32, #tpu.memory_space<vmem>>) target(%dma_start3A_114 : memref<10240xf32, #tpu.memory_space<vmem_shared>>) offsets(%arg8 : memref<80xi32, #tpu.memory_space<vmem>>) semaphore(%arg17 : memref<!tpu.dma_semaphore, #tpu.memory_space<semaphore_mem>>) {add = true}
      %dma_wait3A_115 = arith.constant 0 : i32
      %dma_wait3A_116 = arith.constant 0 : i32
      %dma_wait3A_117 = tpu.memref_slice %arg2[%add3A, %dma_wait3A_115, %dma_wait3A_116] : memref<32x125x80xi32, #tpu.memory_space<hbm>> -> memref<1x1x80xi32, #tpu.memory_space<hbm>>
      %dma_wait3A_118 = tpu.memref_squeeze %dma_wait3A_117 : memref<1x1x80xi32, #tpu.memory_space<hbm>> -> memref<80xi32, #tpu.memory_space<hbm>>
      %dma_wait3A_119 = arith.constant 0 : i32
      %dma_wait3A_120 = tpu.memref_slice %arg2[%add3A, %dma_wait3A_115, %dma_wait3A_119] : memref<32x125x80xi32, #tpu.memory_space<hbm>> -> memref<1x1x80xi32, #tpu.memory_space<hbm>>
      %dma_wait3A_121 = tpu.memref_squeeze %dma_wait3A_120 : memref<1x1x80xi32, #tpu.memory_space<hbm>> -> memref<80xi32, #tpu.memory_space<hbm>>
      tpu.wait_dma2 semaphore(%arg14 : memref<!tpu.dma_semaphore, #tpu.memory_space<semaphore_mem>>) src(%dma_wait3A_121 : memref<80xi32, #tpu.memory_space<hbm>>) dst(%arg9 : memref<80xi32, #tpu.memory_space<vmem>>)
      %dma_start3A_122 = arith.constant 0 : i32
      %dma_start3A_123 = tpu.memref_slice %arg4[%dma_start3A_122] : memref<10240xf32, #tpu.memory_space<vmem_shared>> -> memref<10240xf32, #tpu.memory_space<vmem_shared>>
      tpu.enqueue_indirect_dma source(%arg6 : memref<80xf32, #tpu.memory_space<vmem>>) target(%dma_start3A_123 : memref<10240xf32, #tpu.memory_space<vmem_shared>>) offsets(%arg9 : memref<80xi32, #tpu.memory_space<vmem>>) semaphore(%arg17 : memref<!tpu.dma_semaphore, #tpu.memory_space<semaphore_mem>>) {add = true}
      %dma_wait3A_124 = arith.constant 0 : i32
      %dma_wait3A_125 = arith.constant 0 : i32
      %dma_wait3A_126 = tpu.memref_slice %arg2[%add3A, %dma_wait3A_124, %dma_wait3A_125] : memref<32x125x80xi32, #tpu.memory_space<hbm>> -> memref<1x1x80xi32, #tpu.memory_space<hbm>>
      %dma_wait3A_127 = tpu.memref_squeeze %dma_wait3A_126 : memref<1x1x80xi32, #tpu.memory_space<hbm>> -> memref<80xi32, #tpu.memory_space<hbm>>
      %dma_wait3A_128 = arith.constant 0 : i32
      %dma_wait3A_129 = tpu.memref_slice %arg2[%add3A, %dma_wait3A_124, %dma_wait3A_128] : memref<32x125x80xi32, #tpu.memory_space<hbm>> -> memref<1x1x80xi32, #tpu.memory_space<hbm>>
      %dma_wait3A_130 = tpu.memref_squeeze %dma_wait3A_129 : memref<1x1x80xi32, #tpu.memory_space<hbm>> -> memref<80xi32, #tpu.memory_space<hbm>>
      tpu.wait_dma2 semaphore(%arg15 : memref<!tpu.dma_semaphore, #tpu.memory_space<semaphore_mem>>) src(%dma_wait3A_130 : memref<80xi32, #tpu.memory_space<hbm>>) dst(%arg10 : memref<80xi32, #tpu.memory_space<vmem>>)
      %dma_start3A_131 = arith.constant 0 : i32
      %dma_start3A_132 = tpu.memref_slice %arg4[%dma_start3A_131] : memref<10240xf32, #tpu.memory_space<vmem_shared>> -> memref<10240xf32, #tpu.memory_space<vmem_shared>>
      tpu.enqueue_indirect_dma source(%arg6 : memref<80xf32, #tpu.memory_space<vmem>>) target(%dma_start3A_132 : memref<10240xf32, #tpu.memory_space<vmem_shared>>) offsets(%arg10 : memref<80xi32, #tpu.memory_space<vmem>>) semaphore(%arg17 : memref<!tpu.dma_semaphore, #tpu.memory_space<semaphore_mem>>) {add = true}
      %dma_wait3A_133 = arith.constant 0 : i32
      %dma_wait3A_134 = arith.constant 0 : i32
      %dma_wait3A_135 = tpu.memref_slice %arg2[%add3A, %dma_wait3A_133, %dma_wait3A_134] : memref<32x125x80xi32, #tpu.memory_space<hbm>> -> memref<1x1x80xi32, #tpu.memory_space<hbm>>
      %dma_wait3A_136 = tpu.memref_squeeze %dma_wait3A_135 : memref<1x1x80xi32, #tpu.memory_space<hbm>> -> memref<80xi32, #tpu.memory_space<hbm>>
      %dma_wait3A_137 = arith.constant 0 : i32
      %dma_wait3A_138 = tpu.memref_slice %arg2[%add3A, %dma_wait3A_133, %dma_wait3A_137] : memref<32x125x80xi32, #tpu.memory_space<hbm>> -> memref<1x1x80xi32, #tpu.memory_space<hbm>>
      %dma_wait3A_139 = tpu.memref_squeeze %dma_wait3A_138 : memref<1x1x80xi32, #tpu.memory_space<hbm>> -> memref<80xi32, #tpu.memory_space<hbm>>
      tpu.wait_dma2 semaphore(%arg16 : memref<!tpu.dma_semaphore, #tpu.memory_space<semaphore_mem>>) src(%dma_wait3A_139 : memref<80xi32, #tpu.memory_space<hbm>>) dst(%arg11 : memref<80xi32, #tpu.memory_space<vmem>>)
      %dma_start3A_140 = arith.constant 0 : i32
      %dma_start3A_141 = tpu.memref_slice %arg4[%dma_start3A_140] : memref<10240xf32, #tpu.memory_space<vmem_shared>> -> memref<10240xf32, #tpu.memory_space<vmem_shared>>
      tpu.enqueue_indirect_dma source(%arg6 : memref<80xf32, #tpu.memory_space<vmem>>) target(%dma_start3A_141 : memref<10240xf32, #tpu.memory_space<vmem_shared>>) offsets(%arg11 : memref<80xi32, #tpu.memory_space<vmem>>) semaphore(%arg17 : memref<!tpu.dma_semaphore, #tpu.memory_space<semaphore_mem>>) {add = true}
      %dma_wait3A_142 = arith.constant 0 : i32
      %dma_wait3A_143 = tpu.memref_slice %arg4[%dma_wait3A_142] : memref<10240xf32, #tpu.memory_space<vmem_shared>> -> memref<10240xf32, #tpu.memory_space<vmem_shared>>
      tpu.wait_indirect_dma semaphore(%arg17 : memref<!tpu.dma_semaphore, #tpu.memory_space<semaphore_mem>>) src(%arg6 : memref<80xf32, #tpu.memory_space<vmem>>) dst(%dma_wait3A_143 : memref<10240xf32, #tpu.memory_space<vmem_shared>>)
      %dma_wait3A_144 = arith.constant 0 : i32
      %dma_wait3A_145 = tpu.memref_slice %arg4[%dma_wait3A_144] : memref<10240xf32, #tpu.memory_space<vmem_shared>> -> memref<10240xf32, #tpu.memory_space<vmem_shared>>
      tpu.wait_indirect_dma semaphore(%arg17 : memref<!tpu.dma_semaphore, #tpu.memory_space<semaphore_mem>>) src(%arg6 : memref<80xf32, #tpu.memory_space<vmem>>) dst(%dma_wait3A_145 : memref<10240xf32, #tpu.memory_space<vmem_shared>>)
      %dma_wait3A_146 = arith.constant 0 : i32
      %dma_wait3A_147 = tpu.memref_slice %arg4[%dma_wait3A_146] : memref<10240xf32, #tpu.memory_space<vmem_shared>> -> memref<10240xf32, #tpu.memory_space<vmem_shared>>
      tpu.wait_indirect_dma semaphore(%arg17 : memref<!tpu.dma_semaphore, #tpu.memory_space<semaphore_mem>>) src(%arg6 : memref<80xf32, #tpu.memory_space<vmem>>) dst(%dma_wait3A_147 : memref<10240xf32, #tpu.memory_space<vmem_shared>>)
      %dma_wait3A_148 = arith.constant 0 : i32
      %dma_wait3A_149 = tpu.memref_slice %arg4[%dma_wait3A_148] : memref<10240xf32, #tpu.memory_space<vmem_shared>> -> memref<10240xf32, #tpu.memory_space<vmem_shared>>
      tpu.wait_indirect_dma semaphore(%arg17 : memref<!tpu.dma_semaphore, #tpu.memory_space<semaphore_mem>>) src(%arg6 : memref<80xf32, #tpu.memory_space<vmem>>) dst(%dma_wait3A_149 : memref<10240xf32, #tpu.memory_space<vmem_shared>>)
      %dma_wait3A_150 = arith.constant 0 : i32
      %dma_wait3A_151 = tpu.memref_slice %arg4[%dma_wait3A_150] : memref<10240xf32, #tpu.memory_space<vmem_shared>> -> memref<10240xf32, #tpu.memory_space<vmem_shared>>
      tpu.wait_indirect_dma semaphore(%arg17 : memref<!tpu.dma_semaphore, #tpu.memory_space<semaphore_mem>>) src(%arg6 : memref<80xf32, #tpu.memory_space<vmem>>) dst(%dma_wait3A_151 : memref<10240xf32, #tpu.memory_space<vmem_shared>>)
      %add3A_152 = arith.constant 1 : i32
      %add3A_153 = arith.addi %scan3A_96, %add3A_152 : i32
      %mul3A_154 = arith.constant 5 : i32
      %mul3A_155 = arith.muli %add3A_153, %mul3A_154 : i32
      %add3A_156 = arith.constant 0 : i32
      %add3A_157 = arith.addi %mul3A_155, %add3A_156 : i32
      %min3A = arith.constant 124 : i32
      %min3A_158 = arith.minsi %add3A_157, %min3A : i32
      %dma_start3A_159 = arith.constant 0 : i32
      %dma_start3A_160 = tpu.memref_slice %arg2[%add3A, %min3A_158, %dma_start3A_159] : memref<32x125x80xi32, #tpu.memory_space<hbm>> -> memref<1x1x80xi32, #tpu.memory_space<hbm>>
      %dma_start3A_161 = tpu.memref_squeeze %dma_start3A_160 : memref<1x1x80xi32, #tpu.memory_space<hbm>> -> memref<80xi32, #tpu.memory_space<hbm>>
      %dma_start3A_162 = arith.constant 0 : i32
      %dma_start3A_163 = tpu.memref_slice %arg2[%add3A, %min3A_158, %dma_start3A_162] : memref<32x125x80xi32, #tpu.memory_space<hbm>> -> memref<1x1x80xi32, #tpu.memory_space<hbm>>
      %dma_start3A_164 = tpu.memref_squeeze %dma_start3A_163 : memref<1x1x80xi32, #tpu.memory_space<hbm>> -> memref<80xi32, #tpu.memory_space<hbm>>
      tpu.enqueue_dma source(%dma_start3A_164 : memref<80xi32, #tpu.memory_space<hbm>>) target(%arg7 : memref<80xi32, #tpu.memory_space<vmem>>) target_semaphore(%arg12 : memref<!tpu.dma_semaphore, #tpu.memory_space<semaphore_mem>>)
      %add3A_165 = arith.constant 1 : i32
      %add3A_166 = arith.addi %mul3A_155, %add3A_165 : i32
      %min3A_167 = arith.constant 124 : i32
      %min3A_168 = arith.minsi %add3A_166, %min3A_167 : i32
      %dma_start3A_169 = arith.constant 0 : i32
      %dma_start3A_170 = tpu.memref_slice %arg2[%add3A, %min3A_168, %dma_start3A_169] : memref<32x125x80xi32, #tpu.memory_space<hbm>> -> memref<1x1x80xi32, #tpu.memory_space<hbm>>
      %dma_start3A_171 = tpu.memref_squeeze %dma_start3A_170 : memref<1x1x80xi32, #tpu.memory_space<hbm>> -> memref<80xi32, #tpu.memory_space<hbm>>
      %dma_start3A_172 = arith.constant 0 : i32
      %dma_start3A_173 = tpu.memref_slice %arg2[%add3A, %min3A_168, %dma_start3A_172] : memref<32x125x80xi32, #tpu.memory_space<hbm>> -> memref<1x1x80xi32, #tpu.memory_space<hbm>>
      %dma_start3A_174 = tpu.memref_squeeze %dma_start3A_173 : memref<1x1x80xi32, #tpu.memory_space<hbm>> -> memref<80xi32, #tpu.memory_space<hbm>>
      tpu.enqueue_dma source(%dma_start3A_174 : memref<80xi32, #tpu.memory_space<hbm>>) target(%arg8 : memref<80xi32, #tpu.memory_space<vmem>>) target_semaphore(%arg13 : memref<!tpu.dma_semaphore, #tpu.memory_space<semaphore_mem>>)
      %add3A_175 = arith.constant 2 : i32
      %add3A_176 = arith.addi %mul3A_155, %add3A_175 : i32
      %min3A_177 = arith.constant 124 : i32
      %min3A_178 = arith.minsi %add3A_176, %min3A_177 : i32
      %dma_start3A_179 = arith.constant 0 : i32
      %dma_start3A_180 = tpu.memref_slice %arg2[%add3A, %min3A_178, %dma_start3A_179] : memref<32x125x80xi32, #tpu.memory_space<hbm>> -> memref<1x1x80xi32, #tpu.memory_space<hbm>>
      %dma_start3A_181 = tpu.memref_squeeze %dma_start3A_180 : memref<1x1x80xi32, #tpu.memory_space<hbm>> -> memref<80xi32, #tpu.memory_space<hbm>>
      %dma_start3A_182 = arith.constant 0 : i32
      %dma_start3A_183 = tpu.memref_slice %arg2[%add3A, %min3A_178, %dma_start3A_182] : memref<32x125x80xi32, #tpu.memory_space<hbm>> -> memref<1x1x80xi32, #tpu.memory_space<hbm>>
      %dma_start3A_184 = tpu.memref_squeeze %dma_start3A_183 : memref<1x1x80xi32, #tpu.memory_space<hbm>> -> memref<80xi32, #tpu.memory_space<hbm>>
      tpu.enqueue_dma source(%dma_start3A_184 : memref<80xi32, #tpu.memory_space<hbm>>) target(%arg9 : memref<80xi32, #tpu.memory_space<vmem>>) target_semaphore(%arg14 : memref<!tpu.dma_semaphore, #tpu.memory_space<semaphore_mem>>)
      %add3A_185 = arith.constant 3 : i32
      %add3A_186 = arith.addi %mul3A_155, %add3A_185 : i32
      %min3A_187 = arith.constant 124 : i32
      %min3A_188 = arith.minsi %add3A_186, %min3A_187 : i32
      %dma_start3A_189 = arith.constant 0 : i32
      %dma_start3A_190 = tpu.memref_slice %arg2[%add3A, %min3A_188, %dma_start3A_189] : memref<32x125x80xi32, #tpu.memory_space<hbm>> -> memref<1x1x80xi32, #tpu.memory_space<hbm>>
      %dma_start3A_191 = tpu.memref_squeeze %dma_start3A_190 : memref<1x1x80xi32, #tpu.memory_space<hbm>> -> memref<80xi32, #tpu.memory_space<hbm>>
      %dma_start3A_192 = arith.constant 0 : i32
      %dma_start3A_193 = tpu.memref_slice %arg2[%add3A, %min3A_188, %dma_start3A_192] : memref<32x125x80xi32, #tpu.memory_space<hbm>> -> memref<1x1x80xi32, #tpu.memory_space<hbm>>
      %dma_start3A_194 = tpu.memref_squeeze %dma_start3A_193 : memref<1x1x80xi32, #tpu.memory_space<hbm>> -> memref<80xi32, #tpu.memory_space<hbm>>
      tpu.enqueue_dma source(%dma_start3A_194 : memref<80xi32, #tpu.memory_space<hbm>>) target(%arg10 : memref<80xi32, #tpu.memory_space<vmem>>) target_semaphore(%arg15 : memref<!tpu.dma_semaphore, #tpu.memory_space<semaphore_mem>>)
      %add3A_195 = arith.constant 4 : i32
      %add3A_196 = arith.addi %mul3A_155, %add3A_195 : i32
      %min3A_197 = arith.constant 124 : i32
      %min3A_198 = arith.minsi %add3A_196, %min3A_197 : i32
      %dma_start3A_199 = arith.constant 0 : i32
      %dma_start3A_200 = tpu.memref_slice %arg2[%add3A, %min3A_198, %dma_start3A_199] : memref<32x125x80xi32, #tpu.memory_space<hbm>> -> memref<1x1x80xi32, #tpu.memory_space<hbm>>
      %dma_start3A_201 = tpu.memref_squeeze %dma_start3A_200 : memref<1x1x80xi32, #tpu.memory_space<hbm>> -> memref<80xi32, #tpu.memory_space<hbm>>
      %dma_start3A_202 = arith.constant 0 : i32
      %dma_start3A_203 = tpu.memref_slice %arg2[%add3A, %min3A_198, %dma_start3A_202] : memref<32x125x80xi32, #tpu.memory_space<hbm>> -> memref<1x1x80xi32, #tpu.memory_space<hbm>>
      %dma_start3A_204 = tpu.memref_squeeze %dma_start3A_203 : memref<1x1x80xi32, #tpu.memory_space<hbm>> -> memref<80xi32, #tpu.memory_space<hbm>>
      tpu.enqueue_dma source(%dma_start3A_204 : memref<80xi32, #tpu.memory_space<hbm>>) target(%arg11 : memref<80xi32, #tpu.memory_space<vmem>>) target_semaphore(%arg16 : memref<!tpu.dma_semaphore, #tpu.memory_space<semaphore_mem>>)
    }
    %scan3A_56 = arith.constant 25 : i32
    %dma_wait3A = arith.constant 0 : i32
    %dma_wait3A_57 = arith.constant 0 : i32
    %dma_wait3A_58 = tpu.memref_slice %arg2[%add3A, %dma_wait3A, %dma_wait3A_57] : memref<32x125x80xi32, #tpu.memory_space<hbm>> -> memref<1x1x80xi32, #tpu.memory_space<hbm>>
    %dma_wait3A_59 = tpu.memref_squeeze %dma_wait3A_58 : memref<1x1x80xi32, #tpu.memory_space<hbm>> -> memref<80xi32, #tpu.memory_space<hbm>>
    %dma_wait3A_60 = arith.constant 0 : i32
    %dma_wait3A_61 = tpu.memref_slice %arg2[%add3A, %dma_wait3A, %dma_wait3A_60] : memref<32x125x80xi32, #tpu.memory_space<hbm>> -> memref<1x1x80xi32, #tpu.memory_space<hbm>>
    %dma_wait3A_62 = tpu.memref_squeeze %dma_wait3A_61 : memref<1x1x80xi32, #tpu.memory_space<hbm>> -> memref<80xi32, #tpu.memory_space<hbm>>
    tpu.wait_dma2 semaphore(%arg12 : memref<!tpu.dma_semaphore, #tpu.memory_space<semaphore_mem>>) src(%dma_wait3A_62 : memref<80xi32, #tpu.memory_space<hbm>>) dst(%arg7 : memref<80xi32, #tpu.memory_space<vmem>>)
    %dma_wait3A_63 = arith.constant 0 : i32
    %dma_wait3A_64 = arith.constant 0 : i32
    %dma_wait3A_65 = tpu.memref_slice %arg2[%add3A, %dma_wait3A_63, %dma_wait3A_64] : memref<32x125x80xi32, #tpu.memory_space<hbm>> -> memref<1x1x80xi32, #tpu.memory_space<hbm>>
    %dma_wait3A_66 = tpu.memref_squeeze %dma_wait3A_65 : memref<1x1x80xi32, #tpu.memory_space<hbm>> -> memref<80xi32, #tpu.memory_space<hbm>>
    %dma_wait3A_67 = arith.constant 0 : i32
    %dma_wait3A_68 = tpu.memref_slice %arg2[%add3A, %dma_wait3A_63, %dma_wait3A_67] : memref<32x125x80xi32, #tpu.memory_space<hbm>> -> memref<1x1x80xi32, #tpu.memory_space<hbm>>
    %dma_wait3A_69 = tpu.memref_squeeze %dma_wait3A_68 : memref<1x1x80xi32, #tpu.memory_space<hbm>> -> memref<80xi32, #tpu.memory_space<hbm>>
    tpu.wait_dma2 semaphore(%arg13 : memref<!tpu.dma_semaphore, #tpu.memory_space<semaphore_mem>>) src(%dma_wait3A_69 : memref<80xi32, #tpu.memory_space<hbm>>) dst(%arg8 : memref<80xi32, #tpu.memory_space<vmem>>)
    %dma_wait3A_70 = arith.constant 0 : i32
    %dma_wait3A_71 = arith.constant 0 : i32
    %dma_wait3A_72 = tpu.memref_slice %arg2[%add3A, %dma_wait3A_70, %dma_wait3A_71] : memref<32x125x80xi32, #tpu.memory_space<hbm>> -> memref<1x1x80xi32, #tpu.memory_space<hbm>>
    %dma_wait3A_73 = tpu.memref_squeeze %dma_wait3A_72 : memref<1x1x80xi32, #tpu.memory_space<hbm>> -> memref<80xi32, #tpu.memory_space<hbm>>
    %dma_wait3A_74 = arith.constant 0 : i32
    %dma_wait3A_75 = tpu.memref_slice %arg2[%add3A, %dma_wait3A_70, %dma_wait3A_74] : memref<32x125x80xi32, #tpu.memory_space<hbm>> -> memref<1x1x80xi32, #tpu.memory_space<hbm>>
    %dma_wait3A_76 = tpu.memref_squeeze %dma_wait3A_75 : memref<1x1x80xi32, #tpu.memory_space<hbm>> -> memref<80xi32, #tpu.memory_space<hbm>>
    tpu.wait_dma2 semaphore(%arg14 : memref<!tpu.dma_semaphore, #tpu.memory_space<semaphore_mem>>) src(%dma_wait3A_76 : memref<80xi32, #tpu.memory_space<hbm>>) dst(%arg9 : memref<80xi32, #tpu.memory_space<vmem>>)
    %dma_wait3A_77 = arith.constant 0 : i32
    %dma_wait3A_78 = arith.constant 0 : i32
    %dma_wait3A_79 = tpu.memref_slice %arg2[%add3A, %dma_wait3A_77, %dma_wait3A_78] : memref<32x125x80xi32, #tpu.memory_space<hbm>> -> memref<1x1x80xi32, #tpu.memory_space<hbm>>
    %dma_wait3A_80 = tpu.memref_squeeze %dma_wait3A_79 : memref<1x1x80xi32, #tpu.memory_space<hbm>> -> memref<80xi32, #tpu.memory_space<hbm>>
    %dma_wait3A_81 = arith.constant 0 : i32
    %dma_wait3A_82 = tpu.memref_slice %arg2[%add3A, %dma_wait3A_77, %dma_wait3A_81] : memref<32x125x80xi32, #tpu.memory_space<hbm>> -> memref<1x1x80xi32, #tpu.memory_space<hbm>>
    %dma_wait3A_83 = tpu.memref_squeeze %dma_wait3A_82 : memref<1x1x80xi32, #tpu.memory_space<hbm>> -> memref<80xi32, #tpu.memory_space<hbm>>
    tpu.wait_dma2 semaphore(%arg15 : memref<!tpu.dma_semaphore, #tpu.memory_space<semaphore_mem>>) src(%dma_wait3A_83 : memref<80xi32, #tpu.memory_space<hbm>>) dst(%arg10 : memref<80xi32, #tpu.memory_space<vmem>>)
    %dma_wait3A_84 = arith.constant 0 : i32
    %dma_wait3A_85 = arith.constant 0 : i32
    %dma_wait3A_86 = tpu.memref_slice %arg2[%add3A, %dma_wait3A_84, %dma_wait3A_85] : memref<32x125x80xi32, #tpu.memory_space<hbm>> -> memref<1x1x80xi32, #tpu.memory_space<hbm>>
    %dma_wait3A_87 = tpu.memref_squeeze %dma_wait3A_86 : memref<1x1x80xi32, #tpu.memory_space<hbm>> -> memref<80xi32, #tpu.memory_space<hbm>>
    %dma_wait3A_88 = arith.constant 0 : i32
    %dma_wait3A_89 = tpu.memref_slice %arg2[%add3A, %dma_wait3A_84, %dma_wait3A_88] : memref<32x125x80xi32, #tpu.memory_space<hbm>> -> memref<1x1x80xi32, #tpu.memory_space<hbm>>
    %dma_wait3A_90 = tpu.memref_squeeze %dma_wait3A_89 : memref<1x1x80xi32, #tpu.memory_space<hbm>> -> memref<80xi32, #tpu.memory_space<hbm>>
    tpu.wait_dma2 semaphore(%arg16 : memref<!tpu.dma_semaphore, #tpu.memory_space<semaphore_mem>>) src(%dma_wait3A_90 : memref<80xi32, #tpu.memory_space<hbm>>) dst(%arg11 : memref<80xi32, #tpu.memory_space<vmem>>)
    %barrier3A_91 = arith.constant 0 : index
    tpu.barrier barrier_id(%barrier3A_91)
    %mul3A_92 = arith.constant 640 : i32
    %mul3A_93 = arith.muli %arg1, %mul3A_92 : i32
    "tpu.region"() ({
      %run_scoped3A = tpu.sem_alloc : memref<!tpu.dma_semaphore, #tpu.memory_space<semaphore_mem>>
      %dma_start3A_96 = arith.constant 0 : i32
      %dma_start3A_97 = tpu.memref_slice %arg5[%dma_start3A_96] : memref<10240xf32, #tpu.memory_space<vmem>> -> memref<640xf32, #tpu.memory_space<vmem>>
      %dma_start3A_98 = tpu.memref_slice %arg4[%mul3A_93] : memref<10240xf32, #tpu.memory_space<vmem_shared>> -> memref<640xf32, #tpu.memory_space<vmem_shared>>
      %dma_start3A_99 = arith.constant 0 : i32
      %dma_start3A_100 = tpu.memref_slice %arg5[%dma_start3A_99] : memref<10240xf32, #tpu.memory_space<vmem>> -> memref<640xf32, #tpu.memory_space<vmem>>
      %dma_start3A_101 = tpu.memref_slice %arg4[%mul3A_93] : memref<10240xf32, #tpu.memory_space<vmem_shared>> -> memref<640xf32, #tpu.memory_space<vmem_shared>>
      tpu.enqueue_dma source(%dma_start3A_101 : memref<640xf32, #tpu.memory_space<vmem_shared>>) target(%dma_start3A_100 : memref<640xf32, #tpu.memory_space<vmem>>) target_semaphore(%run_scoped3A : memref<!tpu.dma_semaphore, #tpu.memory_space<semaphore_mem>>)
      %dma_wait3A_102 = arith.constant 0 : i32
      %dma_wait3A_103 = tpu.memref_slice %arg5[%dma_wait3A_102] : memref<10240xf32, #tpu.memory_space<vmem>> -> memref<640xf32, #tpu.memory_space<vmem>>
      %dma_wait3A_104 = tpu.memref_slice %arg4[%mul3A_93] : memref<10240xf32, #tpu.memory_space<vmem_shared>> -> memref<640xf32, #tpu.memory_space<vmem_shared>>
      %dma_wait3A_105 = arith.constant 0 : i32
      %dma_wait3A_106 = tpu.memref_slice %arg5[%dma_wait3A_105] : memref<10240xf32, #tpu.memory_space<vmem>> -> memref<640xf32, #tpu.memory_space<vmem>>
      %dma_wait3A_107 = tpu.memref_slice %arg4[%mul3A_93] : memref<10240xf32, #tpu.memory_space<vmem_shared>> -> memref<640xf32, #tpu.memory_space<vmem_shared>>
      tpu.wait_dma2 semaphore(%run_scoped3A : memref<!tpu.dma_semaphore, #tpu.memory_space<semaphore_mem>>) src(%dma_wait3A_107 : memref<640xf32, #tpu.memory_space<vmem_shared>>) dst(%dma_wait3A_106 : memref<640xf32, #tpu.memory_space<vmem>>)
      tpu.yield
    }) : () -> ()
    %mul3A_94 = arith.constant 640 : i32
    %mul3A_95 = arith.muli %arg1, %mul3A_94 : i32
    "tpu.region"() ({
      %run_scoped3A = tpu.sem_alloc : memref<!tpu.dma_semaphore, #tpu.memory_space<semaphore_mem>>
      %dma_start3A_96 = arith.constant 0 : i32
      %dma_start3A_97 = tpu.memref_slice %arg5[%dma_start3A_96] : memref<10240xf32, #tpu.memory_space<vmem>> -> memref<640xf32, #tpu.memory_space<vmem>>
      %dma_start3A_98 = tpu.memref_slice %arg3[%arg0, %mul3A_95] : memref<2x10240xf32, #tpu.memory_space<hbm>> -> memref<1x640xf32, #tpu.memory_space<hbm>>
      %dma_start3A_99 = tpu.memref_squeeze %dma_start3A_98 : memref<1x640xf32, #tpu.memory_space<hbm>> -> memref<640xf32, #tpu.memory_space<hbm>>
      %dma_start3A_100 = tpu.memref_slice %arg3[%arg0, %mul3A_95] : memref<2x10240xf32, #tpu.memory_space<hbm>> -> memref<1x640xf32, #tpu.memory_space<hbm>>
      %dma_start3A_101 = tpu.memref_squeeze %dma_start3A_100 : memref<1x640xf32, #tpu.memory_space<hbm>> -> memref<640xf32, #tpu.memory_space<hbm>>
      %dma_start3A_102 = arith.constant 0 : i32
      %dma_start3A_103 = tpu.memref_slice %arg5[%dma_start3A_102] : memref<10240xf32, #tpu.memory_space<vmem>> -> memref<640xf32, #tpu.memory_space<vmem>>
      tpu.enqueue_dma source(%dma_start3A_103 : memref<640xf32, #tpu.memory_space<vmem>>) target(%dma_start3A_101 : memref<640xf32, #tpu.memory_space<hbm>>) target_semaphore(%run_scoped3A : memref<!tpu.dma_semaphore, #tpu.memory_space<semaphore_mem>>)
      %dma_wait3A_104 = arith.constant 0 : i32
      %dma_wait3A_105 = tpu.memref_slice %arg5[%dma_wait3A_104] : memref<10240xf32, #tpu.memory_space<vmem>> -> memref<640xf32, #tpu.memory_space<vmem>>
      %dma_wait3A_106 = tpu.memref_slice %arg3[%arg0, %mul3A_95] : memref<2x10240xf32, #tpu.memory_space<hbm>> -> memref<1x640xf32, #tpu.memory_space<hbm>>
      %dma_wait3A_107 = tpu.memref_squeeze %dma_wait3A_106 : memref<1x640xf32, #tpu.memory_space<hbm>> -> memref<640xf32, #tpu.memory_space<hbm>>
      %dma_wait3A_108 = tpu.memref_slice %arg3[%arg0, %mul3A_95] : memref<2x10240xf32, #tpu.memory_space<hbm>> -> memref<1x640xf32, #tpu.memory_space<hbm>>
      %dma_wait3A_109 = tpu.memref_squeeze %dma_wait3A_108 : memref<1x640xf32, #tpu.memory_space<hbm>> -> memref<640xf32, #tpu.memory_space<hbm>>
      %dma_wait3A_110 = arith.constant 0 : i32
      %dma_wait3A_111 = tpu.memref_slice %arg5[%dma_wait3A_110] : memref<10240xf32, #tpu.memory_space<vmem>> -> memref<640xf32, #tpu.memory_space<vmem>>
      tpu.wait_dma2 semaphore(%run_scoped3A : memref<!tpu.dma_semaphore, #tpu.memory_space<semaphore_mem>>) src(%dma_wait3A_111 : memref<640xf32, #tpu.memory_space<vmem>>) dst(%dma_wait3A_109 : memref<640xf32, #tpu.memory_space<hbm>>)
      tpu.yield
    }) : () -> ()
    return
  }
}

#map = affine_map<(d0, d1) -> (0, 0)>
#map1 = affine_map<(d0, d1) -> (0, 0, 0)>
module attributes {stable_mosaic.version = 14 : i64} {
  func.func @k(%arg0: i32, %arg1: i32, %arg2: memref<320000x128xf32, #tpu.memory_space<hbm>>, %arg3: memref<10000x128xf32, #tpu.memory_space<hbm>>, %arg4: memref<32x125x80xi32, #tpu.memory_space<hbm>>, %arg5: memref<32x125x80xi32, #tpu.memory_space<hbm>>, %arg6: memref<2x10240x128xf32, #tpu.memory_space<hbm>>, %arg7: memref<10240x128xf32, #tpu.memory_space<vmem_shared>>, %arg8: memref<80xi32, #tpu.memory_space<vmem>>, %arg9: memref<80xi32, #tpu.memory_space<vmem>>, %arg10: memref<80xi32, #tpu.memory_space<vmem>>, %arg11: memref<80xi32, #tpu.memory_space<vmem>>, %arg12: memref<80x128xf32, #tpu.memory_space<vmem>>, %arg13: memref<80x128xf32, #tpu.memory_space<vmem>>, %arg14: memref<80x128xf32, #tpu.memory_space<vmem>>, %arg15: memref<80x128xf32, #tpu.memory_space<vmem>>, %arg16: memref<!tpu.dma_semaphore, #tpu.memory_space<semaphore_mem>>, %arg17: memref<!tpu.dma_semaphore, #tpu.memory_space<semaphore_mem>>, %arg18: memref<!tpu.dma_semaphore, #tpu.memory_space<semaphore_mem>>, %arg19: memref<!tpu.dma_semaphore, #tpu.memory_space<semaphore_mem>>) attributes {dimension_semantics = [#tpu.dimension_semantics<core_parallel>, #tpu.dimension_semantics<subcore_parallel>], iteration_bounds = array<i64: 2, 16>, scalar_prefetch = 0 : i64, scratch_operands = 13 : i64, tpu.core_type = #tpu.core_type<sc_vector_subcore>, window_params = [{transform_indices = #map}, {transform_indices = #map}, {transform_indices = #map1}, {transform_indices = #map1}, {transform_indices = #map1}]} {
    %mul3A = arith.constant 2 : i32
    %mul3A_0 = arith.muli %arg1, %mul3A : i32
    %add3A = arith.addi %mul3A_0, %arg0 : i32
    %broadcast_in_dim3A = arith.constant 0.000000e+00 : f32
    %broadcast_in_dim3A_1 = vector.broadcast %broadcast_in_dim3A : f32 to vector<16xf32>
    %scan3A = arith.constant 0 : i32
    %scan3A_2 = arith.constant 0 : i32
    %scan3A_3 = arith.constant 80 : i32
    %scan3A_4 = arith.addi %scan3A_2, %scan3A_3 : i32
    %scan3A_5 = arith.constant 1 : i32
    scf.for %scan3A_172 = %scan3A_2 to %scan3A_4 step %scan3A_5  : i32 {
      %swap3A = arith.index_cast %scan3A_172 : i32 to index
      %swap3A_173 = arith.constant 0 : index
      %swap3A_174 = tpu.vector_load %arg14[%swap3A, %swap3A_173] {strides = array<i32>} : memref<80x128xf32, #tpu.memory_space<vmem>>, vector<1x16xf32>,
      %swap3A_175 = vector.shape_cast %swap3A_174 : vector<1x16xf32> to vector<16xf32>
      %swap3A_176 = vector.shape_cast %broadcast_in_dim3A_1 : vector<16xf32> to vector<1x16xf32>
      tpu.vector_store %arg14[%swap3A, %swap3A_173], %swap3A_176 {strides = array<i32>} : memref<80x128xf32, #tpu.memory_space<vmem>>, vector<1x16xf32>,
      %swap3A_177 = arith.index_cast %scan3A_172 : i32 to index
      %swap3A_178 = arith.constant 16 : index
      %swap3A_179 = tpu.vector_load %arg14[%swap3A_177, %swap3A_178] {strides = array<i32>} : memref<80x128xf32, #tpu.memory_space<vmem>>, vector<1x16xf32>,
      %swap3A_180 = vector.shape_cast %swap3A_179 : vector<1x16xf32> to vector<16xf32>
      %swap3A_181 = vector.shape_cast %broadcast_in_dim3A_1 : vector<16xf32> to vector<1x16xf32>
      tpu.vector_store %arg14[%swap3A_177, %swap3A_178], %swap3A_181 {strides = array<i32>} : memref<80x128xf32, #tpu.memory_space<vmem>>, vector<1x16xf32>,
      %swap3A_182 = arith.index_cast %scan3A_172 : i32 to index
      %swap3A_183 = arith.constant 32 : index
      %swap3A_184 = tpu.vector_load %arg14[%swap3A_182, %swap3A_183] {strides = array<i32>} : memref<80x128xf32, #tpu.memory_space<vmem>>, vector<1x16xf32>,
      %swap3A_185 = vector.shape_cast %swap3A_184 : vector<1x16xf32> to vector<16xf32>
      %swap3A_186 = vector.shape_cast %broadcast_in_dim3A_1 : vector<16xf32> to vector<1x16xf32>
      tpu.vector_store %arg14[%swap3A_182, %swap3A_183], %swap3A_186 {strides = array<i32>} : memref<80x128xf32, #tpu.memory_space<vmem>>, vector<1x16xf32>,
      %swap3A_187 = arith.index_cast %scan3A_172 : i32 to index
      %swap3A_188 = arith.constant 48 : index
      %swap3A_189 = tpu.vector_load %arg14[%swap3A_187, %swap3A_188] {strides = array<i32>} : memref<80x128xf32, #tpu.memory_space<vmem>>, vector<1x16xf32>,
      %swap3A_190 = vector.shape_cast %swap3A_189 : vector<1x16xf32> to vector<16xf32>
      %swap3A_191 = vector.shape_cast %broadcast_in_dim3A_1 : vector<16xf32> to vector<1x16xf32>
      tpu.vector_store %arg14[%swap3A_187, %swap3A_188], %swap3A_191 {strides = array<i32>} : memref<80x128xf32, #tpu.memory_space<vmem>>, vector<1x16xf32>,
      %swap3A_192 = arith.index_cast %scan3A_172 : i32 to index
      %swap3A_193 = arith.constant 64 : index
      %swap3A_194 = tpu.vector_load %arg14[%swap3A_192, %swap3A_193] {strides = array<i32>} : memref<80x128xf32, #tpu.memory_space<vmem>>, vector<1x16xf32>,
      %swap3A_195 = vector.shape_cast %swap3A_194 : vector<1x16xf32> to vector<16xf32>
      %swap3A_196 = vector.shape_cast %broadcast_in_dim3A_1 : vector<16xf32> to vector<1x16xf32>
      tpu.vector_store %arg14[%swap3A_192, %swap3A_193], %swap3A_196 {strides = array<i32>} : memref<80x128xf32, #tpu.memory_space<vmem>>, vector<1x16xf32>,
      %swap3A_197 = arith.index_cast %scan3A_172 : i32 to index
      %swap3A_198 = arith.constant 80 : index
      %swap3A_199 = tpu.vector_load %arg14[%swap3A_197, %swap3A_198] {strides = array<i32>} : memref<80x128xf32, #tpu.memory_space<vmem>>, vector<1x16xf32>,
      %swap3A_200 = vector.shape_cast %swap3A_199 : vector<1x16xf32> to vector<16xf32>
      %swap3A_201 = vector.shape_cast %broadcast_in_dim3A_1 : vector<16xf32> to vector<1x16xf32>
      tpu.vector_store %arg14[%swap3A_197, %swap3A_198], %swap3A_201 {strides = array<i32>} : memref<80x128xf32, #tpu.memory_space<vmem>>, vector<1x16xf32>,
      %swap3A_202 = arith.index_cast %scan3A_172 : i32 to index
      %swap3A_203 = arith.constant 96 : index
      %swap3A_204 = tpu.vector_load %arg14[%swap3A_202, %swap3A_203] {strides = array<i32>} : memref<80x128xf32, #tpu.memory_space<vmem>>, vector<1x16xf32>,
      %swap3A_205 = vector.shape_cast %swap3A_204 : vector<1x16xf32> to vector<16xf32>
      %swap3A_206 = vector.shape_cast %broadcast_in_dim3A_1 : vector<16xf32> to vector<1x16xf32>
      tpu.vector_store %arg14[%swap3A_202, %swap3A_203], %swap3A_206 {strides = array<i32>} : memref<80x128xf32, #tpu.memory_space<vmem>>, vector<1x16xf32>,
      %swap3A_207 = arith.index_cast %scan3A_172 : i32 to index
      %swap3A_208 = arith.constant 112 : index
      %swap3A_209 = tpu.vector_load %arg14[%swap3A_207, %swap3A_208] {strides = array<i32>} : memref<80x128xf32, #tpu.memory_space<vmem>>, vector<1x16xf32>,
      %swap3A_210 = vector.shape_cast %swap3A_209 : vector<1x16xf32> to vector<16xf32>
      %swap3A_211 = vector.shape_cast %broadcast_in_dim3A_1 : vector<16xf32> to vector<1x16xf32>
      tpu.vector_store %arg14[%swap3A_207, %swap3A_208], %swap3A_211 {strides = array<i32>} : memref<80x128xf32, #tpu.memory_space<vmem>>, vector<1x16xf32>,
    }
    %scan3A_6 = arith.constant 80 : i32
    %mul3A_7 = arith.constant 640 : i32
    %mul3A_8 = arith.muli %arg1, %mul3A_7 : i32
    %add3A_9 = arith.constant 0 : i32
    %add3A_10 = arith.addi %mul3A_8, %add3A_9 : i32
    "tpu.region"() ({
      %run_scoped3A = tpu.sem_alloc : memref<!tpu.dma_semaphore, #tpu.memory_space<semaphore_mem>>
      %dma_start3A_172 = arith.constant 0 : i32
      %dma_start3A_173 = tpu.memref_slice %arg7[%add3A_10, %dma_start3A_172] : memref<10240x128xf32, #tpu.memory_space<vmem_shared>> -> memref<80x128xf32, #tpu.memory_space<vmem_shared>>
      %dma_start3A_174 = arith.constant 0 : i32
      %dma_start3A_175 = tpu.memref_slice %arg7[%add3A_10, %dma_start3A_174] : memref<10240x128xf32, #tpu.memory_space<vmem_shared>> -> memref<80x128xf32, #tpu.memory_space<vmem_shared>>
      tpu.enqueue_dma source(%arg14 : memref<80x128xf32, #tpu.memory_space<vmem>>) target(%dma_start3A_175 : memref<80x128xf32, #tpu.memory_space<vmem_shared>>) target_semaphore(%run_scoped3A : memref<!tpu.dma_semaphore, #tpu.memory_space<semaphore_mem>>)
      %dma_wait3A_176 = arith.constant 0 : i32
      %dma_wait3A_177 = tpu.memref_slice %arg7[%add3A_10, %dma_wait3A_176] : memref<10240x128xf32, #tpu.memory_space<vmem_shared>> -> memref<80x128xf32, #tpu.memory_space<vmem_shared>>
      %dma_wait3A_178 = arith.constant 0 : i32
      %dma_wait3A_179 = tpu.memref_slice %arg7[%add3A_10, %dma_wait3A_178] : memref<10240x128xf32, #tpu.memory_space<vmem_shared>> -> memref<80x128xf32, #tpu.memory_space<vmem_shared>>
      tpu.wait_dma2 semaphore(%run_scoped3A : memref<!tpu.dma_semaphore, #tpu.memory_space<semaphore_mem>>) src(%arg14 : memref<80x128xf32, #tpu.memory_space<vmem>>) dst(%dma_wait3A_179 : memref<80x128xf32, #tpu.memory_space<vmem_shared>>)
      tpu.yield
    }) : () -> ()
    %mul3A_11 = arith.constant 640 : i32
    %mul3A_12 = arith.muli %arg1, %mul3A_11 : i32
    %add3A_13 = arith.constant 80 : i32
    %add3A_14 = arith.addi %mul3A_12, %add3A_13 : i32
    "tpu.region"() ({
      %run_scoped3A = tpu.sem_alloc : memref<!tpu.dma_semaphore, #tpu.memory_space<semaphore_mem>>
      %dma_start3A_172 = arith.constant 0 : i32
      %dma_start3A_173 = tpu.memref_slice %arg7[%add3A_14, %dma_start3A_172] : memref<10240x128xf32, #tpu.memory_space<vmem_shared>> -> memref<80x128xf32, #tpu.memory_space<vmem_shared>>
      %dma_start3A_174 = arith.constant 0 : i32
      %dma_start3A_175 = tpu.memref_slice %arg7[%add3A_14, %dma_start3A_174] : memref<10240x128xf32, #tpu.memory_space<vmem_shared>> -> memref<80x128xf32, #tpu.memory_space<vmem_shared>>
      tpu.enqueue_dma source(%arg14 : memref<80x128xf32, #tpu.memory_space<vmem>>) target(%dma_start3A_175 : memref<80x128xf32, #tpu.memory_space<vmem_shared>>) target_semaphore(%run_scoped3A : memref<!tpu.dma_semaphore, #tpu.memory_space<semaphore_mem>>)
      %dma_wait3A_176 = arith.constant 0 : i32
      %dma_wait3A_177 = tpu.memref_slice %arg7[%add3A_14, %dma_wait3A_176] : memref<10240x128xf32, #tpu.memory_space<vmem_shared>> -> memref<80x128xf32, #tpu.memory_space<vmem_shared>>
      %dma_wait3A_178 = arith.constant 0 : i32
      %dma_wait3A_179 = tpu.memref_slice %arg7[%add3A_14, %dma_wait3A_178] : memref<10240x128xf32, #tpu.memory_space<vmem_shared>> -> memref<80x128xf32, #tpu.memory_space<vmem_shared>>
      tpu.wait_dma2 semaphore(%run_scoped3A : memref<!tpu.dma_semaphore, #tpu.memory_space<semaphore_mem>>) src(%arg14 : memref<80x128xf32, #tpu.memory_space<vmem>>) dst(%dma_wait3A_179 : memref<80x128xf32, #tpu.memory_space<vmem_shared>>)
      tpu.yield
    }) : () -> ()
    %mul3A_15 = arith.constant 640 : i32
    %mul3A_16 = arith.muli %arg1, %mul3A_15 : i32
    %add3A_17 = arith.constant 160 : i32
    %add3A_18 = arith.addi %mul3A_16, %add3A_17 : i32
    "tpu.region"() ({
      %run_scoped3A = tpu.sem_alloc : memref<!tpu.dma_semaphore, #tpu.memory_space<semaphore_mem>>
      %dma_start3A_172 = arith.constant 0 : i32
      %dma_start3A_173 = tpu.memref_slice %arg7[%add3A_18, %dma_start3A_172] : memref<10240x128xf32, #tpu.memory_space<vmem_shared>> -> memref<80x128xf32, #tpu.memory_space<vmem_shared>>
      %dma_start3A_174 = arith.constant 0 : i32
      %dma_start3A_175 = tpu.memref_slice %arg7[%add3A_18, %dma_start3A_174] : memref<10240x128xf32, #tpu.memory_space<vmem_shared>> -> memref<80x128xf32, #tpu.memory_space<vmem_shared>>
      tpu.enqueue_dma source(%arg14 : memref<80x128xf32, #tpu.memory_space<vmem>>) target(%dma_start3A_175 : memref<80x128xf32, #tpu.memory_space<vmem_shared>>) target_semaphore(%run_scoped3A : memref<!tpu.dma_semaphore, #tpu.memory_space<semaphore_mem>>)
      %dma_wait3A_176 = arith.constant 0 : i32
      %dma_wait3A_177 = tpu.memref_slice %arg7[%add3A_18, %dma_wait3A_176] : memref<10240x128xf32, #tpu.memory_space<vmem_shared>> -> memref<80x128xf32, #tpu.memory_space<vmem_shared>>
      %dma_wait3A_178 = arith.constant 0 : i32
      %dma_wait3A_179 = tpu.memref_slice %arg7[%add3A_18, %dma_wait3A_178] : memref<10240x128xf32, #tpu.memory_space<vmem_shared>> -> memref<80x128xf32, #tpu.memory_space<vmem_shared>>
      tpu.wait_dma2 semaphore(%run_scoped3A : memref<!tpu.dma_semaphore, #tpu.memory_space<semaphore_mem>>) src(%arg14 : memref<80x128xf32, #tpu.memory_space<vmem>>) dst(%dma_wait3A_179 : memref<80x128xf32, #tpu.memory_space<vmem_shared>>)
      tpu.yield
    }) : () -> ()
    %mul3A_19 = arith.constant 640 : i32
    %mul3A_20 = arith.muli %arg1, %mul3A_19 : i32
    %add3A_21 = arith.constant 240 : i32
    %add3A_22 = arith.addi %mul3A_20, %add3A_21 : i32
    "tpu.region"() ({
      %run_scoped3A = tpu.sem_alloc : memref<!tpu.dma_semaphore, #tpu.memory_space<semaphore_mem>>
      %dma_start3A_172 = arith.constant 0 : i32
      %dma_start3A_173 = tpu.memref_slice %arg7[%add3A_22, %dma_start3A_172] : memref<10240x128xf32, #tpu.memory_space<vmem_shared>> -> memref<80x128xf32, #tpu.memory_space<vmem_shared>>
      %dma_start3A_174 = arith.constant 0 : i32
      %dma_start3A_175 = tpu.memref_slice %arg7[%add3A_22, %dma_start3A_174] : memref<10240x128xf32, #tpu.memory_space<vmem_shared>> -> memref<80x128xf32, #tpu.memory_space<vmem_shared>>
      tpu.enqueue_dma source(%arg14 : memref<80x128xf32, #tpu.memory_space<vmem>>) target(%dma_start3A_175 : memref<80x128xf32, #tpu.memory_space<vmem_shared>>) target_semaphore(%run_scoped3A : memref<!tpu.dma_semaphore, #tpu.memory_space<semaphore_mem>>)
      %dma_wait3A_176 = arith.constant 0 : i32
      %dma_wait3A_177 = tpu.memref_slice %arg7[%add3A_22, %dma_wait3A_176] : memref<10240x128xf32, #tpu.memory_space<vmem_shared>> -> memref<80x128xf32, #tpu.memory_space<vmem_shared>>
      %dma_wait3A_178 = arith.constant 0 : i32
      %dma_wait3A_179 = tpu.memref_slice %arg7[%add3A_22, %dma_wait3A_178] : memref<10240x128xf32, #tpu.memory_space<vmem_shared>> -> memref<80x128xf32, #tpu.memory_space<vmem_shared>>
      tpu.wait_dma2 semaphore(%run_scoped3A : memref<!tpu.dma_semaphore, #tpu.memory_space<semaphore_mem>>) src(%arg14 : memref<80x128xf32, #tpu.memory_space<vmem>>) dst(%dma_wait3A_179 : memref<80x128xf32, #tpu.memory_space<vmem_shared>>)
      tpu.yield
    }) : () -> ()
    %mul3A_23 = arith.constant 640 : i32
    %mul3A_24 = arith.muli %arg1, %mul3A_23 : i32
    %add3A_25 = arith.constant 320 : i32
    %add3A_26 = arith.addi %mul3A_24, %add3A_25 : i32
    "tpu.region"() ({
      %run_scoped3A = tpu.sem_alloc : memref<!tpu.dma_semaphore, #tpu.memory_space<semaphore_mem>>
      %dma_start3A_172 = arith.constant 0 : i32
      %dma_start3A_173 = tpu.memref_slice %arg7[%add3A_26, %dma_start3A_172] : memref<10240x128xf32, #tpu.memory_space<vmem_shared>> -> memref<80x128xf32, #tpu.memory_space<vmem_shared>>
      %dma_start3A_174 = arith.constant 0 : i32
      %dma_start3A_175 = tpu.memref_slice %arg7[%add3A_26, %dma_start3A_174] : memref<10240x128xf32, #tpu.memory_space<vmem_shared>> -> memref<80x128xf32, #tpu.memory_space<vmem_shared>>
      tpu.enqueue_dma source(%arg14 : memref<80x128xf32, #tpu.memory_space<vmem>>) target(%dma_start3A_175 : memref<80x128xf32, #tpu.memory_space<vmem_shared>>) target_semaphore(%run_scoped3A : memref<!tpu.dma_semaphore, #tpu.memory_space<semaphore_mem>>)
      %dma_wait3A_176 = arith.constant 0 : i32
      %dma_wait3A_177 = tpu.memref_slice %arg7[%add3A_26, %dma_wait3A_176] : memref<10240x128xf32, #tpu.memory_space<vmem_shared>> -> memref<80x128xf32, #tpu.memory_space<vmem_shared>>
      %dma_wait3A_178 = arith.constant 0 : i32
      %dma_wait3A_179 = tpu.memref_slice %arg7[%add3A_26, %dma_wait3A_178] : memref<10240x128xf32, #tpu.memory_space<vmem_shared>> -> memref<80x128xf32, #tpu.memory_space<vmem_shared>>
      tpu.wait_dma2 semaphore(%run_scoped3A : memref<!tpu.dma_semaphore, #tpu.memory_space<semaphore_mem>>) src(%arg14 : memref<80x128xf32, #tpu.memory_space<vmem>>) dst(%dma_wait3A_179 : memref<80x128xf32, #tpu.memory_space<vmem_shared>>)
      tpu.yield
    }) : () -> ()
    %mul3A_27 = arith.constant 640 : i32
    %mul3A_28 = arith.muli %arg1, %mul3A_27 : i32
    %add3A_29 = arith.constant 400 : i32
    %add3A_30 = arith.addi %mul3A_28, %add3A_29 : i32
    "tpu.region"() ({
      %run_scoped3A = tpu.sem_alloc : memref<!tpu.dma_semaphore, #tpu.memory_space<semaphore_mem>>
      %dma_start3A_172 = arith.constant 0 : i32
      %dma_start3A_173 = tpu.memref_slice %arg7[%add3A_30, %dma_start3A_172] : memref<10240x128xf32, #tpu.memory_space<vmem_shared>> -> memref<80x128xf32, #tpu.memory_space<vmem_shared>>
      %dma_start3A_174 = arith.constant 0 : i32
      %dma_start3A_175 = tpu.memref_slice %arg7[%add3A_30, %dma_start3A_174] : memref<10240x128xf32, #tpu.memory_space<vmem_shared>> -> memref<80x128xf32, #tpu.memory_space<vmem_shared>>
      tpu.enqueue_dma source(%arg14 : memref<80x128xf32, #tpu.memory_space<vmem>>) target(%dma_start3A_175 : memref<80x128xf32, #tpu.memory_space<vmem_shared>>) target_semaphore(%run_scoped3A : memref<!tpu.dma_semaphore, #tpu.memory_space<semaphore_mem>>)
      %dma_wait3A_176 = arith.constant 0 : i32
      %dma_wait3A_177 = tpu.memref_slice %arg7[%add3A_30, %dma_wait3A_176] : memref<10240x128xf32, #tpu.memory_space<vmem_shared>> -> memref<80x128xf32, #tpu.memory_space<vmem_shared>>
      %dma_wait3A_178 = arith.constant 0 : i32
      %dma_wait3A_179 = tpu.memref_slice %arg7[%add3A_30, %dma_wait3A_178] : memref<10240x128xf32, #tpu.memory_space<vmem_shared>> -> memref<80x128xf32, #tpu.memory_space<vmem_shared>>
      tpu.wait_dma2 semaphore(%run_scoped3A : memref<!tpu.dma_semaphore, #tpu.memory_space<semaphore_mem>>) src(%arg14 : memref<80x128xf32, #tpu.memory_space<vmem>>) dst(%dma_wait3A_179 : memref<80x128xf32, #tpu.memory_space<vmem_shared>>)
      tpu.yield
    }) : () -> ()
    %mul3A_31 = arith.constant 640 : i32
    %mul3A_32 = arith.muli %arg1, %mul3A_31 : i32
    %add3A_33 = arith.constant 480 : i32
    %add3A_34 = arith.addi %mul3A_32, %add3A_33 : i32
    "tpu.region"() ({
      %run_scoped3A = tpu.sem_alloc : memref<!tpu.dma_semaphore, #tpu.memory_space<semaphore_mem>>
      %dma_start3A_172 = arith.constant 0 : i32
      %dma_start3A_173 = tpu.memref_slice %arg7[%add3A_34, %dma_start3A_172] : memref<10240x128xf32, #tpu.memory_space<vmem_shared>> -> memref<80x128xf32, #tpu.memory_space<vmem_shared>>
      %dma_start3A_174 = arith.constant 0 : i32
      %dma_start3A_175 = tpu.memref_slice %arg7[%add3A_34, %dma_start3A_174] : memref<10240x128xf32, #tpu.memory_space<vmem_shared>> -> memref<80x128xf32, #tpu.memory_space<vmem_shared>>
      tpu.enqueue_dma source(%arg14 : memref<80x128xf32, #tpu.memory_space<vmem>>) target(%dma_start3A_175 : memref<80x128xf32, #tpu.memory_space<vmem_shared>>) target_semaphore(%run_scoped3A : memref<!tpu.dma_semaphore, #tpu.memory_space<semaphore_mem>>)
      %dma_wait3A_176 = arith.constant 0 : i32
      %dma_wait3A_177 = tpu.memref_slice %arg7[%add3A_34, %dma_wait3A_176] : memref<10240x128xf32, #tpu.memory_space<vmem_shared>> -> memref<80x128xf32, #tpu.memory_space<vmem_shared>>
      %dma_wait3A_178 = arith.constant 0 : i32
      %dma_wait3A_179 = tpu.memref_slice %arg7[%add3A_34, %dma_wait3A_178] : memref<10240x128xf32, #tpu.memory_space<vmem_shared>> -> memref<80x128xf32, #tpu.memory_space<vmem_shared>>
      tpu.wait_dma2 semaphore(%run_scoped3A : memref<!tpu.dma_semaphore, #tpu.memory_space<semaphore_mem>>) src(%arg14 : memref<80x128xf32, #tpu.memory_space<vmem>>) dst(%dma_wait3A_179 : memref<80x128xf32, #tpu.memory_space<vmem_shared>>)
      tpu.yield
    }) : () -> ()
    %mul3A_35 = arith.constant 640 : i32
    %mul3A_36 = arith.muli %arg1, %mul3A_35 : i32
    %add3A_37 = arith.constant 560 : i32
    %add3A_38 = arith.addi %mul3A_36, %add3A_37 : i32
    "tpu.region"() ({
      %run_scoped3A = tpu.sem_alloc : memref<!tpu.dma_semaphore, #tpu.memory_space<semaphore_mem>>
      %dma_start3A_172 = arith.constant 0 : i32
      %dma_start3A_173 = tpu.memref_slice %arg7[%add3A_38, %dma_start3A_172] : memref<10240x128xf32, #tpu.memory_space<vmem_shared>> -> memref<80x128xf32, #tpu.memory_space<vmem_shared>>
      %dma_start3A_174 = arith.constant 0 : i32
      %dma_start3A_175 = tpu.memref_slice %arg7[%add3A_38, %dma_start3A_174] : memref<10240x128xf32, #tpu.memory_space<vmem_shared>> -> memref<80x128xf32, #tpu.memory_space<vmem_shared>>
      tpu.enqueue_dma source(%arg14 : memref<80x128xf32, #tpu.memory_space<vmem>>) target(%dma_start3A_175 : memref<80x128xf32, #tpu.memory_space<vmem_shared>>) target_semaphore(%run_scoped3A : memref<!tpu.dma_semaphore, #tpu.memory_space<semaphore_mem>>)
      %dma_wait3A_176 = arith.constant 0 : i32
      %dma_wait3A_177 = tpu.memref_slice %arg7[%add3A_38, %dma_wait3A_176] : memref<10240x128xf32, #tpu.memory_space<vmem_shared>> -> memref<80x128xf32, #tpu.memory_space<vmem_shared>>
      %dma_wait3A_178 = arith.constant 0 : i32
      %dma_wait3A_179 = tpu.memref_slice %arg7[%add3A_38, %dma_wait3A_178] : memref<10240x128xf32, #tpu.memory_space<vmem_shared>> -> memref<80x128xf32, #tpu.memory_space<vmem_shared>>
      tpu.wait_dma2 semaphore(%run_scoped3A : memref<!tpu.dma_semaphore, #tpu.memory_space<semaphore_mem>>) src(%arg14 : memref<80x128xf32, #tpu.memory_space<vmem>>) dst(%dma_wait3A_179 : memref<80x128xf32, #tpu.memory_space<vmem_shared>>)
      tpu.yield
    }) : () -> ()
    %barrier3A = arith.constant 0 : index
    tpu.barrier barrier_id(%barrier3A)
    %dma_start3A = arith.constant 0 : i32
    %dma_start3A_39 = arith.constant 0 : i32
    %dma_start3A_40 = tpu.memref_slice %arg4[%add3A, %dma_start3A, %dma_start3A_39] : memref<32x125x80xi32, #tpu.memory_space<hbm>> -> memref<1x1x80xi32, #tpu.memory_space<hbm>>
    %dma_start3A_41 = tpu.memref_squeeze %dma_start3A_40 : memref<1x1x80xi32, #tpu.memory_space<hbm>> -> memref<80xi32, #tpu.memory_space<hbm>>
    %dma_start3A_42 = arith.constant 0 : i32
    %dma_start3A_43 = tpu.memref_slice %arg4[%add3A, %dma_start3A, %dma_start3A_42] : memref<32x125x80xi32, #tpu.memory_space<hbm>> -> memref<1x1x80xi32, #tpu.memory_space<hbm>>
    %dma_start3A_44 = tpu.memref_squeeze %dma_start3A_43 : memref<1x1x80xi32, #tpu.memory_space<hbm>> -> memref<80xi32, #tpu.memory_space<hbm>>
    tpu.enqueue_dma source(%dma_start3A_44 : memref<80xi32, #tpu.memory_space<hbm>>) target(%arg8 : memref<80xi32, #tpu.memory_space<vmem>>) target_semaphore(%arg16 : memref<!tpu.dma_semaphore, #tpu.memory_space<semaphore_mem>>)
    %dma_start3A_45 = arith.constant 0 : i32
    %dma_start3A_46 = arith.constant 0 : i32
    %dma_start3A_47 = tpu.memref_slice %arg5[%add3A, %dma_start3A_45, %dma_start3A_46] : memref<32x125x80xi32, #tpu.memory_space<hbm>> -> memref<1x1x80xi32, #tpu.memory_space<hbm>>
    %dma_start3A_48 = tpu.memref_squeeze %dma_start3A_47 : memref<1x1x80xi32, #tpu.memory_space<hbm>> -> memref<80xi32, #tpu.memory_space<hbm>>
    %dma_start3A_49 = arith.constant 0 : i32
    %dma_start3A_50 = tpu.memref_slice %arg5[%add3A, %dma_start3A_45, %dma_start3A_49] : memref<32x125x80xi32, #tpu.memory_space<hbm>> -> memref<1x1x80xi32, #tpu.memory_space<hbm>>
    %dma_start3A_51 = tpu.memref_squeeze %dma_start3A_50 : memref<1x1x80xi32, #tpu.memory_space<hbm>> -> memref<80xi32, #tpu.memory_space<hbm>>
    tpu.enqueue_dma source(%dma_start3A_51 : memref<80xi32, #tpu.memory_space<hbm>>) target(%arg9 : memref<80xi32, #tpu.memory_space<vmem>>) target_semaphore(%arg16 : memref<!tpu.dma_semaphore, #tpu.memory_space<semaphore_mem>>)
    %mul3A_52 = arith.constant 125 : i32
    %mul3A_53 = arith.muli %add3A, %mul3A_52 : i32
    %add3A_54 = arith.constant 0 : i32
    %add3A_55 = arith.addi %mul3A_53, %add3A_54 : i32
    %mul3A_56 = arith.constant 80 : i32
    %mul3A_57 = arith.muli %add3A_55, %mul3A_56 : i32
    %dma_start3A_58 = arith.constant 0 : i32
    %dma_start3A_59 = tpu.memref_slice %arg2[%mul3A_57, %dma_start3A_58] : memref<320000x128xf32, #tpu.memory_space<hbm>> -> memref<80x128xf32, #tpu.memory_space<hbm>>
    %dma_start3A_60 = arith.constant 0 : i32
    %dma_start3A_61 = tpu.memref_slice %arg2[%mul3A_57, %dma_start3A_60] : memref<320000x128xf32, #tpu.memory_space<hbm>> -> memref<80x128xf32, #tpu.memory_space<hbm>>
    tpu.enqueue_dma source(%dma_start3A_61 : memref<80x128xf32, #tpu.memory_space<hbm>>) target(%arg12 : memref<80x128xf32, #tpu.memory_space<vmem>>) target_semaphore(%arg16 : memref<!tpu.dma_semaphore, #tpu.memory_space<semaphore_mem>>)
    %dma_start3A_62 = arith.constant 1 : i32
    %dma_start3A_63 = arith.constant 0 : i32
    %dma_start3A_64 = tpu.memref_slice %arg4[%add3A, %dma_start3A_62, %dma_start3A_63] : memref<32x125x80xi32, #tpu.memory_space<hbm>> -> memref<1x1x80xi32, #tpu.memory_space<hbm>>
    %dma_start3A_65 = tpu.memref_squeeze %dma_start3A_64 : memref<1x1x80xi32, #tpu.memory_space<hbm>> -> memref<80xi32, #tpu.memory_space<hbm>>
    %dma_start3A_66 = arith.constant 0 : i32
    %dma_start3A_67 = tpu.memref_slice %arg4[%add3A, %dma_start3A_62, %dma_start3A_66] : memref<32x125x80xi32, #tpu.memory_space<hbm>> -> memref<1x1x80xi32, #tpu.memory_space<hbm>>
    %dma_start3A_68 = tpu.memref_squeeze %dma_start3A_67 : memref<1x1x80xi32, #tpu.memory_space<hbm>> -> memref<80xi32, #tpu.memory_space<hbm>>
    tpu.enqueue_dma source(%dma_start3A_68 : memref<80xi32, #tpu.memory_space<hbm>>) target(%arg10 : memref<80xi32, #tpu.memory_space<vmem>>) target_semaphore(%arg17 : memref<!tpu.dma_semaphore, #tpu.memory_space<semaphore_mem>>)
    %dma_start3A_69 = arith.constant 1 : i32
    %dma_start3A_70 = arith.constant 0 : i32
    %dma_start3A_71 = tpu.memref_slice %arg5[%add3A, %dma_start3A_69, %dma_start3A_70] : memref<32x125x80xi32, #tpu.memory_space<hbm>> -> memref<1x1x80xi32, #tpu.memory_space<hbm>>
    %dma_start3A_72 = tpu.memref_squeeze %dma_start3A_71 : memref<1x1x80xi32, #tpu.memory_space<hbm>> -> memref<80xi32, #tpu.memory_space<hbm>>
    %dma_start3A_73 = arith.constant 0 : i32
    %dma_start3A_74 = tpu.memref_slice %arg5[%add3A, %dma_start3A_69, %dma_start3A_73] : memref<32x125x80xi32, #tpu.memory_space<hbm>> -> memref<1x1x80xi32, #tpu.memory_space<hbm>>
    %dma_start3A_75 = tpu.memref_squeeze %dma_start3A_74 : memref<1x1x80xi32, #tpu.memory_space<hbm>> -> memref<80xi32, #tpu.memory_space<hbm>>
    tpu.enqueue_dma source(%dma_start3A_75 : memref<80xi32, #tpu.memory_space<hbm>>) target(%arg11 : memref<80xi32, #tpu.memory_space<vmem>>) target_semaphore(%arg17 : memref<!tpu.dma_semaphore, #tpu.memory_space<semaphore_mem>>)
    %mul3A_76 = arith.constant 125 : i32
    %mul3A_77 = arith.muli %add3A, %mul3A_76 : i32
    %add3A_78 = arith.constant 1 : i32
    %add3A_79 = arith.addi %mul3A_77, %add3A_78 : i32
    %mul3A_80 = arith.constant 80 : i32
    %mul3A_81 = arith.muli %add3A_79, %mul3A_80 : i32
    %dma_start3A_82 = arith.constant 0 : i32
    %dma_start3A_83 = tpu.memref_slice %arg2[%mul3A_81, %dma_start3A_82] : memref<320000x128xf32, #tpu.memory_space<hbm>> -> memref<80x128xf32, #tpu.memory_space<hbm>>
    %dma_start3A_84 = arith.constant 0 : i32
    %dma_start3A_85 = tpu.memref_slice %arg2[%mul3A_81, %dma_start3A_84] : memref<320000x128xf32, #tpu.memory_space<hbm>> -> memref<80x128xf32, #tpu.memory_space<hbm>>
    tpu.enqueue_dma source(%dma_start3A_85 : memref<80x128xf32, #tpu.memory_space<hbm>>) target(%arg13 : memref<80x128xf32, #tpu.memory_space<vmem>>) target_semaphore(%arg17 : memref<!tpu.dma_semaphore, #tpu.memory_space<semaphore_mem>>)
    %dma_wait3A = arith.constant 0 : i32
    %dma_wait3A_86 = arith.constant 0 : i32
    %dma_wait3A_87 = tpu.memref_slice %arg4[%add3A, %dma_wait3A, %dma_wait3A_86] : memref<32x125x80xi32, #tpu.memory_space<hbm>> -> memref<1x1x80xi32, #tpu.memory_space<hbm>>
    %dma_wait3A_88 = tpu.memref_squeeze %dma_wait3A_87 : memref<1x1x80xi32, #tpu.memory_space<hbm>> -> memref<80xi32, #tpu.memory_space<hbm>>
    %dma_wait3A_89 = arith.constant 0 : i32
    %dma_wait3A_90 = tpu.memref_slice %arg4[%add3A, %dma_wait3A, %dma_wait3A_89] : memref<32x125x80xi32, #tpu.memory_space<hbm>> -> memref<1x1x80xi32, #tpu.memory_space<hbm>>
    %dma_wait3A_91 = tpu.memref_squeeze %dma_wait3A_90 : memref<1x1x80xi32, #tpu.memory_space<hbm>> -> memref<80xi32, #tpu.memory_space<hbm>>
    tpu.wait_dma2 semaphore(%arg16 : memref<!tpu.dma_semaphore, #tpu.memory_space<semaphore_mem>>) src(%dma_wait3A_91 : memref<80xi32, #tpu.memory_space<hbm>>) dst(%arg8 : memref<80xi32, #tpu.memory_space<vmem>>)
    %dma_wait3A_92 = arith.constant 0 : i32
    %dma_wait3A_93 = arith.constant 0 : i32
    %dma_wait3A_94 = tpu.memref_slice %arg5[%add3A, %dma_wait3A_92, %dma_wait3A_93] : memref<32x125x80xi32, #tpu.memory_space<hbm>> -> memref<1x1x80xi32, #tpu.memory_space<hbm>>
    %dma_wait3A_95 = tpu.memref_squeeze %dma_wait3A_94 : memref<1x1x80xi32, #tpu.memory_space<hbm>> -> memref<80xi32, #tpu.memory_space<hbm>>
    %dma_wait3A_96 = arith.constant 0 : i32
    %dma_wait3A_97 = tpu.memref_slice %arg5[%add3A, %dma_wait3A_92, %dma_wait3A_96] : memref<32x125x80xi32, #tpu.memory_space<hbm>> -> memref<1x1x80xi32, #tpu.memory_space<hbm>>
    %dma_wait3A_98 = tpu.memref_squeeze %dma_wait3A_97 : memref<1x1x80xi32, #tpu.memory_space<hbm>> -> memref<80xi32, #tpu.memory_space<hbm>>
    tpu.wait_dma2 semaphore(%arg16 : memref<!tpu.dma_semaphore, #tpu.memory_space<semaphore_mem>>) src(%dma_wait3A_98 : memref<80xi32, #tpu.memory_space<hbm>>) dst(%arg9 : memref<80xi32, #tpu.memory_space<vmem>>)
    %dma_wait3A_99 = arith.constant 0 : i32
    %dma_wait3A_100 = arith.constant 0 : i32
    %dma_wait3A_101 = tpu.memref_slice %arg2[%dma_wait3A_99, %dma_wait3A_100] : memref<320000x128xf32, #tpu.memory_space<hbm>> -> memref<80x128xf32, #tpu.memory_space<hbm>>
    %dma_wait3A_102 = arith.constant 0 : i32
    %dma_wait3A_103 = arith.constant 0 : i32
    %dma_wait3A_104 = tpu.memref_slice %arg2[%dma_wait3A_102, %dma_wait3A_103] : memref<320000x128xf32, #tpu.memory_space<hbm>> -> memref<80x128xf32, #tpu.memory_space<hbm>>
    tpu.wait_dma2 semaphore(%arg16 : memref<!tpu.dma_semaphore, #tpu.memory_space<semaphore_mem>>) src(%dma_wait3A_104 : memref<80x128xf32, #tpu.memory_space<hbm>>) dst(%arg12 : memref<80x128xf32, #tpu.memory_space<vmem>>)
    %dma_start3A_105 = arith.constant 0 : i32
    %dma_start3A_106 = arith.constant 0 : i32
    %dma_start3A_107 = tpu.memref_slice %arg3[%dma_start3A_105, %dma_start3A_106] : memref<10000x128xf32, #tpu.memory_space<hbm>> -> memref<10000x128xf32, #tpu.memory_space<hbm>>
    tpu.enqueue_indirect_dma source(%dma_start3A_107 : memref<10000x128xf32, #tpu.memory_space<hbm>>) target(%arg14 : memref<80x128xf32, #tpu.memory_space<vmem>>) offsets(%arg8 : memref<80xi32, #tpu.memory_space<vmem>>) semaphore(%arg18 : memref<!tpu.dma_semaphore, #tpu.memory_space<semaphore_mem>>)
    %scan3A_108 = arith.constant 0 : i32
    %scan3A_109 = arith.constant 0 : i32
    %scan3A_110 = arith.constant 62 : i32
    %scan3A_111 = arith.addi %scan3A_109, %scan3A_110 : i32
    %scan3A_112 = arith.constant 1 : i32
    scf.for %scan3A_172 = %scan3A_109 to %scan3A_111 step %scan3A_112  : i32 {
      %mul3A_173 = arith.constant 2 : i32
      %mul3A_174 = arith.muli %mul3A_173, %scan3A_172 : i32
      %dma_wait3A_175 = arith.constant 0 : i32
      %dma_wait3A_176 = arith.constant 0 : i32
      %dma_wait3A_177 = tpu.memref_slice %arg4[%add3A, %dma_wait3A_175, %dma_wait3A_176] : memref<32x125x80xi32, #tpu.memory_space<hbm>> -> memref<1x1x80xi32, #tpu.memory_space<hbm>>
      %dma_wait3A_178 = tpu.memref_squeeze %dma_wait3A_177 : memref<1x1x80xi32, #tpu.memory_space<hbm>> -> memref<80xi32, #tpu.memory_space<hbm>>
      %dma_wait3A_179 = arith.constant 0 : i32
      %dma_wait3A_180 = tpu.memref_slice %arg4[%add3A, %dma_wait3A_175, %dma_wait3A_179] : memref<32x125x80xi32, #tpu.memory_space<hbm>> -> memref<1x1x80xi32, #tpu.memory_space<hbm>>
      %dma_wait3A_181 = tpu.memref_squeeze %dma_wait3A_180 : memref<1x1x80xi32, #tpu.memory_space<hbm>> -> memref<80xi32, #tpu.memory_space<hbm>>
      tpu.wait_dma2 semaphore(%arg17 : memref<!tpu.dma_semaphore, #tpu.memory_space<semaphore_mem>>) src(%dma_wait3A_181 : memref<80xi32, #tpu.memory_space<hbm>>) dst(%arg10 : memref<80xi32, #tpu.memory_space<vmem>>)
      %dma_wait3A_182 = arith.constant 0 : i32
      %dma_wait3A_183 = arith.constant 0 : i32
      %dma_wait3A_184 = tpu.memref_slice %arg5[%add3A, %dma_wait3A_182, %dma_wait3A_183] : memref<32x125x80xi32, #tpu.memory_space<hbm>> -> memref<1x1x80xi32, #tpu.memory_space<hbm>>
      %dma_wait3A_185 = tpu.memref_squeeze %dma_wait3A_184 : memref<1x1x80xi32, #tpu.memory_space<hbm>> -> memref<80xi32, #tpu.memory_space<hbm>>
      %dma_wait3A_186 = arith.constant 0 : i32
      %dma_wait3A_187 = tpu.memref_slice %arg5[%add3A, %dma_wait3A_182, %dma_wait3A_186] : memref<32x125x80xi32, #tpu.memory_space<hbm>> -> memref<1x1x80xi32, #tpu.memory_space<hbm>>
      %dma_wait3A_188 = tpu.memref_squeeze %dma_wait3A_187 : memref<1x1x80xi32, #tpu.memory_space<hbm>> -> memref<80xi32, #tpu.memory_space<hbm>>
      tpu.wait_dma2 semaphore(%arg17 : memref<!tpu.dma_semaphore, #tpu.memory_space<semaphore_mem>>) src(%dma_wait3A_188 : memref<80xi32, #tpu.memory_space<hbm>>) dst(%arg11 : memref<80xi32, #tpu.memory_space<vmem>>)
      %dma_wait3A_189 = arith.constant 0 : i32
      %dma_wait3A_190 = arith.constant 0 : i32
      %dma_wait3A_191 = tpu.memref_slice %arg2[%dma_wait3A_189, %dma_wait3A_190] : memref<320000x128xf32, #tpu.memory_space<hbm>> -> memref<80x128xf32, #tpu.memory_space<hbm>>
      %dma_wait3A_192 = arith.constant 0 : i32
      %dma_wait3A_193 = arith.constant 0 : i32
      %dma_wait3A_194 = tpu.memref_slice %arg2[%dma_wait3A_192, %dma_wait3A_193] : memref<320000x128xf32, #tpu.memory_space<hbm>> -> memref<80x128xf32, #tpu.memory_space<hbm>>
      tpu.wait_dma2 semaphore(%arg17 : memref<!tpu.dma_semaphore, #tpu.memory_space<semaphore_mem>>) src(%dma_wait3A_194 : memref<80x128xf32, #tpu.memory_space<hbm>>) dst(%arg13 : memref<80x128xf32, #tpu.memory_space<vmem>>)
      %dma_start3A_195 = arith.constant 0 : i32
      %dma_start3A_196 = arith.constant 0 : i32
      %dma_start3A_197 = tpu.memref_slice %arg3[%dma_start3A_195, %dma_start3A_196] : memref<10000x128xf32, #tpu.memory_space<hbm>> -> memref<10000x128xf32, #tpu.memory_space<hbm>>
      tpu.enqueue_indirect_dma source(%dma_start3A_197 : memref<10000x128xf32, #tpu.memory_space<hbm>>) target(%arg15 : memref<80x128xf32, #tpu.memory_space<vmem>>) offsets(%arg10 : memref<80xi32, #tpu.memory_space<vmem>>) semaphore(%arg19 : memref<!tpu.dma_semaphore, #tpu.memory_space<semaphore_mem>>)
      %dma_wait3A_198 = arith.constant 0 : i32
      %dma_wait3A_199 = arith.constant 0 : i32
      %dma_wait3A_200 = tpu.memref_slice %arg3[%dma_wait3A_198, %dma_wait3A_199] : memref<10000x128xf32, #tpu.memory_space<hbm>> -> memref<10000x128xf32, #tpu.memory_space<hbm>>
      tpu.wait_indirect_dma semaphore(%arg18 : memref<!tpu.dma_semaphore, #tpu.memory_space<semaphore_mem>>) src(%dma_wait3A_200 : memref<10000x128xf32, #tpu.memory_space<hbm>>) dst(%arg14 : memref<80x128xf32, #tpu.memory_space<vmem>>)
      %parallel_loop3A_201 = arith.constant 0 : i32
      %parallel_loop3A_202 = arith.constant 80 : i32
      %parallel_loop3A_203 = arith.constant 1 : i32
      scf.for %parallel_loop3A_280 = %parallel_loop3A_201 to %parallel_loop3A_202 step %parallel_loop3A_203  : i32 {
        %parallel_loop3A_281 = arith.index_cast %parallel_loop3A_280 : i32 to index
        %parallel_loop3A_282 = arith.constant 0 : index
        %parallel_loop3A_283 = tpu.vector_load %arg14[%parallel_loop3A_281, %parallel_loop3A_282] {strides = array<i32>} : memref<80x128xf32, #tpu.memory_space<vmem>>, vector<1x16xf32>,
        %parallel_loop3A_284 = vector.shape_cast %parallel_loop3A_283 : vector<1x16xf32> to vector<16xf32>
        %parallel_loop3A_285 = arith.index_cast %parallel_loop3A_280 : i32 to index
        %parallel_loop3A_286 = arith.constant 0 : index
        %parallel_loop3A_287 = tpu.vector_load %arg12[%parallel_loop3A_285, %parallel_loop3A_286] {strides = array<i32>} : memref<80x128xf32, #tpu.memory_space<vmem>>, vector<1x16xf32>,
        %parallel_loop3A_288 = vector.shape_cast %parallel_loop3A_287 : vector<1x16xf32> to vector<16xf32>
        %parallel_loop3A_289 = arith.addf %parallel_loop3A_284, %parallel_loop3A_288 : vector<16xf32>
        %parallel_loop3A_290 = arith.constant 0.000000e+00 : f32
        %parallel_loop3A_291 = vector.broadcast %parallel_loop3A_290 : f32 to vector<16xf32>
        %parallel_loop3A_292 = arith.maximumf %parallel_loop3A_289, %parallel_loop3A_291 : vector<16xf32>
        %parallel_loop3A_293 = arith.index_cast %parallel_loop3A_280 : i32 to index
        %parallel_loop3A_294 = arith.constant 0 : index
        %parallel_loop3A_295 = tpu.vector_load %arg14[%parallel_loop3A_293, %parallel_loop3A_294] {strides = array<i32>} : memref<80x128xf32, #tpu.memory_space<vmem>>, vector<1x16xf32>,
        %parallel_loop3A_296 = vector.shape_cast %parallel_loop3A_295 : vector<1x16xf32> to vector<16xf32>
        %parallel_loop3A_297 = vector.shape_cast %parallel_loop3A_292 : vector<16xf32> to vector<1x16xf32>
        tpu.vector_store %arg14[%parallel_loop3A_293, %parallel_loop3A_294], %parallel_loop3A_297 {strides = array<i32>} : memref<80x128xf32, #tpu.memory_space<vmem>>, vector<1x16xf32>,
        %parallel_loop3A_298 = arith.index_cast %parallel_loop3A_280 : i32 to index
        %parallel_loop3A_299 = arith.constant 16 : index
        %parallel_loop3A_300 = tpu.vector_load %arg14[%parallel_loop3A_298, %parallel_loop3A_299] {strides = array<i32>} : memref<80x128xf32, #tpu.memory_space<vmem>>, vector<1x16xf32>,
        %parallel_loop3A_301 = vector.shape_cast %parallel_loop3A_300 : vector<1x16xf32> to vector<16xf32>
        %parallel_loop3A_302 = arith.index_cast %parallel_loop3A_280 : i32 to index
        %parallel_loop3A_303 = arith.constant 16 : index
        %parallel_loop3A_304 = tpu.vector_load %arg12[%parallel_loop3A_302, %parallel_loop3A_303] {strides = array<i32>} : memref<80x128xf32, #tpu.memory_space<vmem>>, vector<1x16xf32>,
        %parallel_loop3A_305 = vector.shape_cast %parallel_loop3A_304 : vector<1x16xf32> to vector<16xf32>
        %parallel_loop3A_306 = arith.addf %parallel_loop3A_301, %parallel_loop3A_305 : vector<16xf32>
        %parallel_loop3A_307 = arith.constant 0.000000e+00 : f32
        %parallel_loop3A_308 = vector.broadcast %parallel_loop3A_307 : f32 to vector<16xf32>
        %parallel_loop3A_309 = arith.maximumf %parallel_loop3A_306, %parallel_loop3A_308 : vector<16xf32>
        %parallel_loop3A_310 = arith.index_cast %parallel_loop3A_280 : i32 to index
        %parallel_loop3A_311 = arith.constant 16 : index
        %parallel_loop3A_312 = tpu.vector_load %arg14[%parallel_loop3A_310, %parallel_loop3A_311] {strides = array<i32>} : memref<80x128xf32, #tpu.memory_space<vmem>>, vector<1x16xf32>,
        %parallel_loop3A_313 = vector.shape_cast %parallel_loop3A_312 : vector<1x16xf32> to vector<16xf32>
        %parallel_loop3A_314 = vector.shape_cast %parallel_loop3A_309 : vector<16xf32> to vector<1x16xf32>
        tpu.vector_store %arg14[%parallel_loop3A_310, %parallel_loop3A_311], %parallel_loop3A_314 {strides = array<i32>} : memref<80x128xf32, #tpu.memory_space<vmem>>, vector<1x16xf32>,
        %parallel_loop3A_315 = arith.index_cast %parallel_loop3A_280 : i32 to index
        %parallel_loop3A_316 = arith.constant 32 : index
        %parallel_loop3A_317 = tpu.vector_load %arg14[%parallel_loop3A_315, %parallel_loop3A_316] {strides = array<i32>} : memref<80x128xf32, #tpu.memory_space<vmem>>, vector<1x16xf32>,
        %parallel_loop3A_318 = vector.shape_cast %parallel_loop3A_317 : vector<1x16xf32> to vector<16xf32>
        %parallel_loop3A_319 = arith.index_cast %parallel_loop3A_280 : i32 to index
        %parallel_loop3A_320 = arith.constant 32 : index
        %parallel_loop3A_321 = tpu.vector_load %arg12[%parallel_loop3A_319, %parallel_loop3A_320] {strides = array<i32>} : memref<80x128xf32, #tpu.memory_space<vmem>>, vector<1x16xf32>,
        %parallel_loop3A_322 = vector.shape_cast %parallel_loop3A_321 : vector<1x16xf32> to vector<16xf32>
        %parallel_loop3A_323 = arith.addf %parallel_loop3A_318, %parallel_loop3A_322 : vector<16xf32>
        %parallel_loop3A_324 = arith.constant 0.000000e+00 : f32
        %parallel_loop3A_325 = vector.broadcast %parallel_loop3A_324 : f32 to vector<16xf32>
        %parallel_loop3A_326 = arith.maximumf %parallel_loop3A_323, %parallel_loop3A_325 : vector<16xf32>
        %parallel_loop3A_327 = arith.index_cast %parallel_loop3A_280 : i32 to index
        %parallel_loop3A_328 = arith.constant 32 : index
        %parallel_loop3A_329 = tpu.vector_load %arg14[%parallel_loop3A_327, %parallel_loop3A_328] {strides = array<i32>} : memref<80x128xf32, #tpu.memory_space<vmem>>, vector<1x16xf32>,
        %parallel_loop3A_330 = vector.shape_cast %parallel_loop3A_329 : vector<1x16xf32> to vector<16xf32>
        %parallel_loop3A_331 = vector.shape_cast %parallel_loop3A_326 : vector<16xf32> to vector<1x16xf32>
        tpu.vector_store %arg14[%parallel_loop3A_327, %parallel_loop3A_328], %parallel_loop3A_331 {strides = array<i32>} : memref<80x128xf32, #tpu.memory_space<vmem>>, vector<1x16xf32>,
        %parallel_loop3A_332 = arith.index_cast %parallel_loop3A_280 : i32 to index
        %parallel_loop3A_333 = arith.constant 48 : index
        %parallel_loop3A_334 = tpu.vector_load %arg14[%parallel_loop3A_332, %parallel_loop3A_333] {strides = array<i32>} : memref<80x128xf32, #tpu.memory_space<vmem>>, vector<1x16xf32>,
        %parallel_loop3A_335 = vector.shape_cast %parallel_loop3A_334 : vector<1x16xf32> to vector<16xf32>
        %parallel_loop3A_336 = arith.index_cast %parallel_loop3A_280 : i32 to index
        %parallel_loop3A_337 = arith.constant 48 : index
        %parallel_loop3A_338 = tpu.vector_load %arg12[%parallel_loop3A_336, %parallel_loop3A_337] {strides = array<i32>} : memref<80x128xf32, #tpu.memory_space<vmem>>, vector<1x16xf32>,
        %parallel_loop3A_339 = vector.shape_cast %parallel_loop3A_338 : vector<1x16xf32> to vector<16xf32>
        %parallel_loop3A_340 = arith.addf %parallel_loop3A_335, %parallel_loop3A_339 : vector<16xf32>
        %parallel_loop3A_341 = arith.constant 0.000000e+00 : f32
        %parallel_loop3A_342 = vector.broadcast %parallel_loop3A_341 : f32 to vector<16xf32>
        %parallel_loop3A_343 = arith.maximumf %parallel_loop3A_340, %parallel_loop3A_342 : vector<16xf32>
        %parallel_loop3A_344 = arith.index_cast %parallel_loop3A_280 : i32 to index
        %parallel_loop3A_345 = arith.constant 48 : index
        %parallel_loop3A_346 = tpu.vector_load %arg14[%parallel_loop3A_344, %parallel_loop3A_345] {strides = array<i32>} : memref<80x128xf32, #tpu.memory_space<vmem>>, vector<1x16xf32>,
        %parallel_loop3A_347 = vector.shape_cast %parallel_loop3A_346 : vector<1x16xf32> to vector<16xf32>
        %parallel_loop3A_348 = vector.shape_cast %parallel_loop3A_343 : vector<16xf32> to vector<1x16xf32>
        tpu.vector_store %arg14[%parallel_loop3A_344, %parallel_loop3A_345], %parallel_loop3A_348 {strides = array<i32>} : memref<80x128xf32, #tpu.memory_space<vmem>>, vector<1x16xf32>,
        %parallel_loop3A_349 = arith.index_cast %parallel_loop3A_280 : i32 to index
        %parallel_loop3A_350 = arith.constant 64 : index
        %parallel_loop3A_351 = tpu.vector_load %arg14[%parallel_loop3A_349, %parallel_loop3A_350] {strides = array<i32>} : memref<80x128xf32, #tpu.memory_space<vmem>>, vector<1x16xf32>,
        %parallel_loop3A_352 = vector.shape_cast %parallel_loop3A_351 : vector<1x16xf32> to vector<16xf32>
        %parallel_loop3A_353 = arith.index_cast %parallel_loop3A_280 : i32 to index
        %parallel_loop3A_354 = arith.constant 64 : index
        %parallel_loop3A_355 = tpu.vector_load %arg12[%parallel_loop3A_353, %parallel_loop3A_354] {strides = array<i32>} : memref<80x128xf32, #tpu.memory_space<vmem>>, vector<1x16xf32>,
        %parallel_loop3A_356 = vector.shape_cast %parallel_loop3A_355 : vector<1x16xf32> to vector<16xf32>
        %parallel_loop3A_357 = arith.addf %parallel_loop3A_352, %parallel_loop3A_356 : vector<16xf32>
        %parallel_loop3A_358 = arith.constant 0.000000e+00 : f32
        %parallel_loop3A_359 = vector.broadcast %parallel_loop3A_358 : f32 to vector<16xf32>
        %parallel_loop3A_360 = arith.maximumf %parallel_loop3A_357, %parallel_loop3A_359 : vector<16xf32>
        %parallel_loop3A_361 = arith.index_cast %parallel_loop3A_280 : i32 to index
        %parallel_loop3A_362 = arith.constant 64 : index
        %parallel_loop3A_363 = tpu.vector_load %arg14[%parallel_loop3A_361, %parallel_loop3A_362] {strides = array<i32>} : memref<80x128xf32, #tpu.memory_space<vmem>>, vector<1x16xf32>,
        %parallel_loop3A_364 = vector.shape_cast %parallel_loop3A_363 : vector<1x16xf32> to vector<16xf32>
        %parallel_loop3A_365 = vector.shape_cast %parallel_loop3A_360 : vector<16xf32> to vector<1x16xf32>
        tpu.vector_store %arg14[%parallel_loop3A_361, %parallel_loop3A_362], %parallel_loop3A_365 {strides = array<i32>} : memref<80x128xf32, #tpu.memory_space<vmem>>, vector<1x16xf32>,
        %parallel_loop3A_366 = arith.index_cast %parallel_loop3A_280 : i32 to index
        %parallel_loop3A_367 = arith.constant 80 : index
        %parallel_loop3A_368 = tpu.vector_load %arg14[%parallel_loop3A_366, %parallel_loop3A_367] {strides = array<i32>} : memref<80x128xf32, #tpu.memory_space<vmem>>, vector<1x16xf32>,
        %parallel_loop3A_369 = vector.shape_cast %parallel_loop3A_368 : vector<1x16xf32> to vector<16xf32>
        %parallel_loop3A_370 = arith.index_cast %parallel_loop3A_280 : i32 to index
        %parallel_loop3A_371 = arith.constant 80 : index
        %parallel_loop3A_372 = tpu.vector_load %arg12[%parallel_loop3A_370, %parallel_loop3A_371] {strides = array<i32>} : memref<80x128xf32, #tpu.memory_space<vmem>>, vector<1x16xf32>,
        %parallel_loop3A_373 = vector.shape_cast %parallel_loop3A_372 : vector<1x16xf32> to vector<16xf32>
        %parallel_loop3A_374 = arith.addf %parallel_loop3A_369, %parallel_loop3A_373 : vector<16xf32>
        %parallel_loop3A_375 = arith.constant 0.000000e+00 : f32
        %parallel_loop3A_376 = vector.broadcast %parallel_loop3A_375 : f32 to vector<16xf32>
        %parallel_loop3A_377 = arith.maximumf %parallel_loop3A_374, %parallel_loop3A_376 : vector<16xf32>
        %parallel_loop3A_378 = arith.index_cast %parallel_loop3A_280 : i32 to index
        %parallel_loop3A_379 = arith.constant 80 : index
        %parallel_loop3A_380 = tpu.vector_load %arg14[%parallel_loop3A_378, %parallel_loop3A_379] {strides = array<i32>} : memref<80x128xf32, #tpu.memory_space<vmem>>, vector<1x16xf32>,
        %parallel_loop3A_381 = vector.shape_cast %parallel_loop3A_380 : vector<1x16xf32> to vector<16xf32>
        %parallel_loop3A_382 = vector.shape_cast %parallel_loop3A_377 : vector<16xf32> to vector<1x16xf32>
        tpu.vector_store %arg14[%parallel_loop3A_378, %parallel_loop3A_379], %parallel_loop3A_382 {strides = array<i32>} : memref<80x128xf32, #tpu.memory_space<vmem>>, vector<1x16xf32>,
        %parallel_loop3A_383 = arith.index_cast %parallel_loop3A_280 : i32 to index
        %parallel_loop3A_384 = arith.constant 96 : index
        %parallel_loop3A_385 = tpu.vector_load %arg14[%parallel_loop3A_383, %parallel_loop3A_384] {strides = array<i32>} : memref<80x128xf32, #tpu.memory_space<vmem>>, vector<1x16xf32>,
        %parallel_loop3A_386 = vector.shape_cast %parallel_loop3A_385 : vector<1x16xf32> to vector<16xf32>
        %parallel_loop3A_387 = arith.index_cast %parallel_loop3A_280 : i32 to index
        %parallel_loop3A_388 = arith.constant 96 : index
        %parallel_loop3A_389 = tpu.vector_load %arg12[%parallel_loop3A_387, %parallel_loop3A_388] {strides = array<i32>} : memref<80x128xf32, #tpu.memory_space<vmem>>, vector<1x16xf32>,
        %parallel_loop3A_390 = vector.shape_cast %parallel_loop3A_389 : vector<1x16xf32> to vector<16xf32>
        %parallel_loop3A_391 = arith.addf %parallel_loop3A_386, %parallel_loop3A_390 : vector<16xf32>
        %parallel_loop3A_392 = arith.constant 0.000000e+00 : f32
        %parallel_loop3A_393 = vector.broadcast %parallel_loop3A_392 : f32 to vector<16xf32>
        %parallel_loop3A_394 = arith.maximumf %parallel_loop3A_391, %parallel_loop3A_393 : vector<16xf32>
        %parallel_loop3A_395 = arith.index_cast %parallel_loop3A_280 : i32 to index
        %parallel_loop3A_396 = arith.constant 96 : index
        %parallel_loop3A_397 = tpu.vector_load %arg14[%parallel_loop3A_395, %parallel_loop3A_396] {strides = array<i32>} : memref<80x128xf32, #tpu.memory_space<vmem>>, vector<1x16xf32>,
        %parallel_loop3A_398 = vector.shape_cast %parallel_loop3A_397 : vector<1x16xf32> to vector<16xf32>
        %parallel_loop3A_399 = vector.shape_cast %parallel_loop3A_394 : vector<16xf32> to vector<1x16xf32>
        tpu.vector_store %arg14[%parallel_loop3A_395, %parallel_loop3A_396], %parallel_loop3A_399 {strides = array<i32>} : memref<80x128xf32, #tpu.memory_space<vmem>>, vector<1x16xf32>,
        %parallel_loop3A_400 = arith.index_cast %parallel_loop3A_280 : i32 to index
        %parallel_loop3A_401 = arith.constant 112 : index
        %parallel_loop3A_402 = tpu.vector_load %arg14[%parallel_loop3A_400, %parallel_loop3A_401] {strides = array<i32>} : memref<80x128xf32, #tpu.memory_space<vmem>>, vector<1x16xf32>,
        %parallel_loop3A_403 = vector.shape_cast %parallel_loop3A_402 : vector<1x16xf32> to vector<16xf32>
        %parallel_loop3A_404 = arith.index_cast %parallel_loop3A_280 : i32 to index
        %parallel_loop3A_405 = arith.constant 112 : index
        %parallel_loop3A_406 = tpu.vector_load %arg12[%parallel_loop3A_404, %parallel_loop3A_405] {strides = array<i32>} : memref<80x128xf32, #tpu.memory_space<vmem>>, vector<1x16xf32>,
        %parallel_loop3A_407 = vector.shape_cast %parallel_loop3A_406 : vector<1x16xf32> to vector<16xf32>
        %parallel_loop3A_408 = arith.addf %parallel_loop3A_403, %parallel_loop3A_407 : vector<16xf32>
        %parallel_loop3A_409 = arith.constant 0.000000e+00 : f32
        %parallel_loop3A_410 = vector.broadcast %parallel_loop3A_409 : f32 to vector<16xf32>
        %parallel_loop3A_411 = arith.maximumf %parallel_loop3A_408, %parallel_loop3A_410 : vector<16xf32>
        %parallel_loop3A_412 = arith.index_cast %parallel_loop3A_280 : i32 to index
        %parallel_loop3A_413 = arith.constant 112 : index
        %parallel_loop3A_414 = tpu.vector_load %arg14[%parallel_loop3A_412, %parallel_loop3A_413] {strides = array<i32>} : memref<80x128xf32, #tpu.memory_space<vmem>>, vector<1x16xf32>,
        %parallel_loop3A_415 = vector.shape_cast %parallel_loop3A_414 : vector<1x16xf32> to vector<16xf32>
        %parallel_loop3A_416 = vector.shape_cast %parallel_loop3A_411 : vector<16xf32> to vector<1x16xf32>
        tpu.vector_store %arg14[%parallel_loop3A_412, %parallel_loop3A_413], %parallel_loop3A_416 {strides = array<i32>} : memref<80x128xf32, #tpu.memory_space<vmem>>, vector<1x16xf32>,
      } {sc.loop_unroll_factor = 4 : i64, sc.parallel_access}
      "tpu.region"() ({
        %run_scoped3A = tpu.sem_alloc : memref<!tpu.dma_semaphore, #tpu.memory_space<semaphore_mem>>
        %dma_start3A_280 = arith.constant 0 : i32
        %dma_start3A_281 = arith.constant 0 : i32
        %dma_start3A_282 = tpu.memref_slice %arg7[%dma_start3A_280, %dma_start3A_281] : memref<10240x128xf32, #tpu.memory_space<vmem_shared>> -> memref<10240x128xf32, #tpu.memory_space<vmem_shared>>
        tpu.enqueue_indirect_dma source(%arg14 : memref<80x128xf32, #tpu.memory_space<vmem>>) target(%dma_start3A_282 : memref<10240x128xf32, #tpu.memory_space<vmem_shared>>) offsets(%arg9 : memref<80xi32, #tpu.memory_space<vmem>>) semaphore(%run_scoped3A : memref<!tpu.dma_semaphore, #tpu.memory_space<semaphore_mem>>) {add = true}
        %dma_wait3A_283 = arith.constant 0 : i32
        %dma_wait3A_284 = arith.constant 0 : i32
        %dma_wait3A_285 = tpu.memref_slice %arg7[%dma_wait3A_283, %dma_wait3A_284] : memref<10240x128xf32, #tpu.memory_space<vmem_shared>> -> memref<10240x128xf32, #tpu.memory_space<vmem_shared>>
        tpu.wait_indirect_dma semaphore(%run_scoped3A : memref<!tpu.dma_semaphore, #tpu.memory_space<semaphore_mem>>) src(%arg14 : memref<80x128xf32, #tpu.memory_space<vmem>>) dst(%dma_wait3A_285 : memref<10240x128xf32, #tpu.memory_space<vmem_shared>>)
        tpu.yield
      }) : () -> ()
      %add3A_204 = arith.constant 2 : i32
      %add3A_205 = arith.addi %mul3A_174, %add3A_204 : i32
      %dma_start3A_206 = arith.constant 0 : i32
      %dma_start3A_207 = tpu.memref_slice %arg4[%add3A, %add3A_205, %dma_start3A_206] : memref<32x125x80xi32, #tpu.memory_space<hbm>> -> memref<1x1x80xi32, #tpu.memory_space<hbm>>
      %dma_start3A_208 = tpu.memref_squeeze %dma_start3A_207 : memref<1x1x80xi32, #tpu.memory_space<hbm>> -> memref<80xi32, #tpu.memory_space<hbm>>
      %dma_start3A_209 = arith.constant 0 : i32
      %dma_start3A_210 = tpu.memref_slice %arg4[%add3A, %add3A_205, %dma_start3A_209] : memref<32x125x80xi32, #tpu.memory_space<hbm>> -> memref<1x1x80xi32, #tpu.memory_space<hbm>>
      %dma_start3A_211 = tpu.memref_squeeze %dma_start3A_210 : memref<1x1x80xi32, #tpu.memory_space<hbm>> -> memref<80xi32, #tpu.memory_space<hbm>>
      tpu.enqueue_dma source(%dma_start3A_211 : memref<80xi32, #tpu.memory_space<hbm>>) target(%arg8 : memref<80xi32, #tpu.memory_space<vmem>>) target_semaphore(%arg16 : memref<!tpu.dma_semaphore, #tpu.memory_space<semaphore_mem>>)
      %dma_start3A_212 = arith.constant 0 : i32
      %dma_start3A_213 = tpu.memref_slice %arg5[%add3A, %add3A_205, %dma_start3A_212] : memref<32x125x80xi32, #tpu.memory_space<hbm>> -> memref<1x1x80xi32, #tpu.memory_space<hbm>>
      %dma_start3A_214 = tpu.memref_squeeze %dma_start3A_213 : memref<1x1x80xi32, #tpu.memory_space<hbm>> -> memref<80xi32, #tpu.memory_space<hbm>>
      %dma_start3A_215 = arith.constant 0 : i32
      %dma_start3A_216 = tpu.memref_slice %arg5[%add3A, %add3A_205, %dma_start3A_215] : memref<32x125x80xi32, #tpu.memory_space<hbm>> -> memref<1x1x80xi32, #tpu.memory_space<hbm>>
      %dma_start3A_217 = tpu.memref_squeeze %dma_start3A_216 : memref<1x1x80xi32, #tpu.memory_space<hbm>> -> memref<80xi32, #tpu.memory_space<hbm>>
      tpu.enqueue_dma source(%dma_start3A_217 : memref<80xi32, #tpu.memory_space<hbm>>) target(%arg9 : memref<80xi32, #tpu.memory_space<vmem>>) target_semaphore(%arg16 : memref<!tpu.dma_semaphore, #tpu.memory_space<semaphore_mem>>)
      %mul3A_218 = arith.constant 125 : i32
      %mul3A_219 = arith.muli %add3A, %mul3A_218 : i32
      %add3A_220 = arith.addi %mul3A_219, %add3A_205 : i32
      %mul3A_221 = arith.constant 80 : i32
      %mul3A_222 = arith.muli %add3A_220, %mul3A_221 : i32
      %dma_start3A_223 = arith.constant 0 : i32
      %dma_start3A_224 = tpu.memref_slice %arg2[%mul3A_222, %dma_start3A_223] : memref<320000x128xf32, #tpu.memory_space<hbm>> -> memref<80x128xf32, #tpu.memory_space<hbm>>
      %dma_start3A_225 = arith.constant 0 : i32
      %dma_start3A_226 = tpu.memref_slice %arg2[%mul3A_222, %dma_start3A_225] : memref<320000x128xf32, #tpu.memory_space<hbm>> -> memref<80x128xf32, #tpu.memory_space<hbm>>
      tpu.enqueue_dma source(%dma_start3A_226 : memref<80x128xf32, #tpu.memory_space<hbm>>) target(%arg12 : memref<80x128xf32, #tpu.memory_space<vmem>>) target_semaphore(%arg16 : memref<!tpu.dma_semaphore, #tpu.memory_space<semaphore_mem>>)
      %dma_wait3A_227 = arith.constant 0 : i32
      %dma_wait3A_228 = arith.constant 0 : i32
      %dma_wait3A_229 = tpu.memref_slice %arg3[%dma_wait3A_227, %dma_wait3A_228] : memref<10000x128xf32, #tpu.memory_space<hbm>> -> memref<10000x128xf32, #tpu.memory_space<hbm>>
      tpu.wait_indirect_dma semaphore(%arg19 : memref<!tpu.dma_semaphore, #tpu.memory_space<semaphore_mem>>) src(%dma_wait3A_229 : memref<10000x128xf32, #tpu.memory_space<hbm>>) dst(%arg15 : memref<80x128xf32, #tpu.memory_space<vmem>>)
      %parallel_loop3A_230 = arith.constant 0 : i32
      %parallel_loop3A_231 = arith.constant 80 : i32
      %parallel_loop3A_232 = arith.constant 1 : i32
      scf.for %parallel_loop3A_280 = %parallel_loop3A_230 to %parallel_loop3A_231 step %parallel_loop3A_232  : i32 {
        %parallel_loop3A_281 = arith.index_cast %parallel_loop3A_280 : i32 to index
        %parallel_loop3A_282 = arith.constant 0 : index
        %parallel_loop3A_283 = tpu.vector_load %arg15[%parallel_loop3A_281, %parallel_loop3A_282] {strides = array<i32>} : memref<80x128xf32, #tpu.memory_space<vmem>>, vector<1x16xf32>,
        %parallel_loop3A_284 = vector.shape_cast %parallel_loop3A_283 : vector<1x16xf32> to vector<16xf32>
        %parallel_loop3A_285 = arith.index_cast %parallel_loop3A_280 : i32 to index
        %parallel_loop3A_286 = arith.constant 0 : index
        %parallel_loop3A_287 = tpu.vector_load %arg13[%parallel_loop3A_285, %parallel_loop3A_286] {strides = array<i32>} : memref<80x128xf32, #tpu.memory_space<vmem>>, vector<1x16xf32>,
        %parallel_loop3A_288 = vector.shape_cast %parallel_loop3A_287 : vector<1x16xf32> to vector<16xf32>
        %parallel_loop3A_289 = arith.addf %parallel_loop3A_284, %parallel_loop3A_288 : vector<16xf32>
        %parallel_loop3A_290 = arith.constant 0.000000e+00 : f32
        %parallel_loop3A_291 = vector.broadcast %parallel_loop3A_290 : f32 to vector<16xf32>
        %parallel_loop3A_292 = arith.maximumf %parallel_loop3A_289, %parallel_loop3A_291 : vector<16xf32>
        %parallel_loop3A_293 = arith.index_cast %parallel_loop3A_280 : i32 to index
        %parallel_loop3A_294 = arith.constant 0 : index
        %parallel_loop3A_295 = tpu.vector_load %arg15[%parallel_loop3A_293, %parallel_loop3A_294] {strides = array<i32>} : memref<80x128xf32, #tpu.memory_space<vmem>>, vector<1x16xf32>,
        %parallel_loop3A_296 = vector.shape_cast %parallel_loop3A_295 : vector<1x16xf32> to vector<16xf32>
        %parallel_loop3A_297 = vector.shape_cast %parallel_loop3A_292 : vector<16xf32> to vector<1x16xf32>
        tpu.vector_store %arg15[%parallel_loop3A_293, %parallel_loop3A_294], %parallel_loop3A_297 {strides = array<i32>} : memref<80x128xf32, #tpu.memory_space<vmem>>, vector<1x16xf32>,
        %parallel_loop3A_298 = arith.index_cast %parallel_loop3A_280 : i32 to index
        %parallel_loop3A_299 = arith.constant 16 : index
        %parallel_loop3A_300 = tpu.vector_load %arg15[%parallel_loop3A_298, %parallel_loop3A_299] {strides = array<i32>} : memref<80x128xf32, #tpu.memory_space<vmem>>, vector<1x16xf32>,
        %parallel_loop3A_301 = vector.shape_cast %parallel_loop3A_300 : vector<1x16xf32> to vector<16xf32>
        %parallel_loop3A_302 = arith.index_cast %parallel_loop3A_280 : i32 to index
        %parallel_loop3A_303 = arith.constant 16 : index
        %parallel_loop3A_304 = tpu.vector_load %arg13[%parallel_loop3A_302, %parallel_loop3A_303] {strides = array<i32>} : memref<80x128xf32, #tpu.memory_space<vmem>>, vector<1x16xf32>,
        %parallel_loop3A_305 = vector.shape_cast %parallel_loop3A_304 : vector<1x16xf32> to vector<16xf32>
        %parallel_loop3A_306 = arith.addf %parallel_loop3A_301, %parallel_loop3A_305 : vector<16xf32>
        %parallel_loop3A_307 = arith.constant 0.000000e+00 : f32
        %parallel_loop3A_308 = vector.broadcast %parallel_loop3A_307 : f32 to vector<16xf32>
        %parallel_loop3A_309 = arith.maximumf %parallel_loop3A_306, %parallel_loop3A_308 : vector<16xf32>
        %parallel_loop3A_310 = arith.index_cast %parallel_loop3A_280 : i32 to index
        %parallel_loop3A_311 = arith.constant 16 : index
        %parallel_loop3A_312 = tpu.vector_load %arg15[%parallel_loop3A_310, %parallel_loop3A_311] {strides = array<i32>} : memref<80x128xf32, #tpu.memory_space<vmem>>, vector<1x16xf32>,
        %parallel_loop3A_313 = vector.shape_cast %parallel_loop3A_312 : vector<1x16xf32> to vector<16xf32>
        %parallel_loop3A_314 = vector.shape_cast %parallel_loop3A_309 : vector<16xf32> to vector<1x16xf32>
        tpu.vector_store %arg15[%parallel_loop3A_310, %parallel_loop3A_311], %parallel_loop3A_314 {strides = array<i32>} : memref<80x128xf32, #tpu.memory_space<vmem>>, vector<1x16xf32>,
        %parallel_loop3A_315 = arith.index_cast %parallel_loop3A_280 : i32 to index
        %parallel_loop3A_316 = arith.constant 32 : index
        %parallel_loop3A_317 = tpu.vector_load %arg15[%parallel_loop3A_315, %parallel_loop3A_316] {strides = array<i32>} : memref<80x128xf32, #tpu.memory_space<vmem>>, vector<1x16xf32>,
        %parallel_loop3A_318 = vector.shape_cast %parallel_loop3A_317 : vector<1x16xf32> to vector<16xf32>
        %parallel_loop3A_319 = arith.index_cast %parallel_loop3A_280 : i32 to index
        %parallel_loop3A_320 = arith.constant 32 : index
        %parallel_loop3A_321 = tpu.vector_load %arg13[%parallel_loop3A_319, %parallel_loop3A_320] {strides = array<i32>} : memref<80x128xf32, #tpu.memory_space<vmem>>, vector<1x16xf32>,
        %parallel_loop3A_322 = vector.shape_cast %parallel_loop3A_321 : vector<1x16xf32> to vector<16xf32>
        %parallel_loop3A_323 = arith.addf %parallel_loop3A_318, %parallel_loop3A_322 : vector<16xf32>
        %parallel_loop3A_324 = arith.constant 0.000000e+00 : f32
        %parallel_loop3A_325 = vector.broadcast %parallel_loop3A_324 : f32 to vector<16xf32>
        %parallel_loop3A_326 = arith.maximumf %parallel_loop3A_323, %parallel_loop3A_325 : vector<16xf32>
        %parallel_loop3A_327 = arith.index_cast %parallel_loop3A_280 : i32 to index
        %parallel_loop3A_328 = arith.constant 32 : index
        %parallel_loop3A_329 = tpu.vector_load %arg15[%parallel_loop3A_327, %parallel_loop3A_328] {strides = array<i32>} : memref<80x128xf32, #tpu.memory_space<vmem>>, vector<1x16xf32>,
        %parallel_loop3A_330 = vector.shape_cast %parallel_loop3A_329 : vector<1x16xf32> to vector<16xf32>
        %parallel_loop3A_331 = vector.shape_cast %parallel_loop3A_326 : vector<16xf32> to vector<1x16xf32>
        tpu.vector_store %arg15[%parallel_loop3A_327, %parallel_loop3A_328], %parallel_loop3A_331 {strides = array<i32>} : memref<80x128xf32, #tpu.memory_space<vmem>>, vector<1x16xf32>,
        %parallel_loop3A_332 = arith.index_cast %parallel_loop3A_280 : i32 to index
        %parallel_loop3A_333 = arith.constant 48 : index
        %parallel_loop3A_334 = tpu.vector_load %arg15[%parallel_loop3A_332, %parallel_loop3A_333] {strides = array<i32>} : memref<80x128xf32, #tpu.memory_space<vmem>>, vector<1x16xf32>,
        %parallel_loop3A_335 = vector.shape_cast %parallel_loop3A_334 : vector<1x16xf32> to vector<16xf32>
        %parallel_loop3A_336 = arith.index_cast %parallel_loop3A_280 : i32 to index
        %parallel_loop3A_337 = arith.constant 48 : index
        %parallel_loop3A_338 = tpu.vector_load %arg13[%parallel_loop3A_336, %parallel_loop3A_337] {strides = array<i32>} : memref<80x128xf32, #tpu.memory_space<vmem>>, vector<1x16xf32>,
        %parallel_loop3A_339 = vector.shape_cast %parallel_loop3A_338 : vector<1x16xf32> to vector<16xf32>
        %parallel_loop3A_340 = arith.addf %parallel_loop3A_335, %parallel_loop3A_339 : vector<16xf32>
        %parallel_loop3A_341 = arith.constant 0.000000e+00 : f32
        %parallel_loop3A_342 = vector.broadcast %parallel_loop3A_341 : f32 to vector<16xf32>
        %parallel_loop3A_343 = arith.maximumf %parallel_loop3A_340, %parallel_loop3A_342 : vector<16xf32>
        %parallel_loop3A_344 = arith.index_cast %parallel_loop3A_280 : i32 to index
        %parallel_loop3A_345 = arith.constant 48 : index
        %parallel_loop3A_346 = tpu.vector_load %arg15[%parallel_loop3A_344, %parallel_loop3A_345] {strides = array<i32>} : memref<80x128xf32, #tpu.memory_space<vmem>>, vector<1x16xf32>,
        %parallel_loop3A_347 = vector.shape_cast %parallel_loop3A_346 : vector<1x16xf32> to vector<16xf32>
        %parallel_loop3A_348 = vector.shape_cast %parallel_loop3A_343 : vector<16xf32> to vector<1x16xf32>
        tpu.vector_store %arg15[%parallel_loop3A_344, %parallel_loop3A_345], %parallel_loop3A_348 {strides = array<i32>} : memref<80x128xf32, #tpu.memory_space<vmem>>, vector<1x16xf32>,
        %parallel_loop3A_349 = arith.index_cast %parallel_loop3A_280 : i32 to index
        %parallel_loop3A_350 = arith.constant 64 : index
        %parallel_loop3A_351 = tpu.vector_load %arg15[%parallel_loop3A_349, %parallel_loop3A_350] {strides = array<i32>} : memref<80x128xf32, #tpu.memory_space<vmem>>, vector<1x16xf32>,
        %parallel_loop3A_352 = vector.shape_cast %parallel_loop3A_351 : vector<1x16xf32> to vector<16xf32>
        %parallel_loop3A_353 = arith.index_cast %parallel_loop3A_280 : i32 to index
        %parallel_loop3A_354 = arith.constant 64 : index
        %parallel_loop3A_355 = tpu.vector_load %arg13[%parallel_loop3A_353, %parallel_loop3A_354] {strides = array<i32>} : memref<80x128xf32, #tpu.memory_space<vmem>>, vector<1x16xf32>,
        %parallel_loop3A_356 = vector.shape_cast %parallel_loop3A_355 : vector<1x16xf32> to vector<16xf32>
        %parallel_loop3A_357 = arith.addf %parallel_loop3A_352, %parallel_loop3A_356 : vector<16xf32>
        %parallel_loop3A_358 = arith.constant 0.000000e+00 : f32
        %parallel_loop3A_359 = vector.broadcast %parallel_loop3A_358 : f32 to vector<16xf32>
        %parallel_loop3A_360 = arith.maximumf %parallel_loop3A_357, %parallel_loop3A_359 : vector<16xf32>
        %parallel_loop3A_361 = arith.index_cast %parallel_loop3A_280 : i32 to index
        %parallel_loop3A_362 = arith.constant 64 : index
        %parallel_loop3A_363 = tpu.vector_load %arg15[%parallel_loop3A_361, %parallel_loop3A_362] {strides = array<i32>} : memref<80x128xf32, #tpu.memory_space<vmem>>, vector<1x16xf32>,
        %parallel_loop3A_364 = vector.shape_cast %parallel_loop3A_363 : vector<1x16xf32> to vector<16xf32>
        %parallel_loop3A_365 = vector.shape_cast %parallel_loop3A_360 : vector<16xf32> to vector<1x16xf32>
        tpu.vector_store %arg15[%parallel_loop3A_361, %parallel_loop3A_362], %parallel_loop3A_365 {strides = array<i32>} : memref<80x128xf32, #tpu.memory_space<vmem>>, vector<1x16xf32>,
        %parallel_loop3A_366 = arith.index_cast %parallel_loop3A_280 : i32 to index
        %parallel_loop3A_367 = arith.constant 80 : index
        %parallel_loop3A_368 = tpu.vector_load %arg15[%parallel_loop3A_366, %parallel_loop3A_367] {strides = array<i32>} : memref<80x128xf32, #tpu.memory_space<vmem>>, vector<1x16xf32>,
        %parallel_loop3A_369 = vector.shape_cast %parallel_loop3A_368 : vector<1x16xf32> to vector<16xf32>
        %parallel_loop3A_370 = arith.index_cast %parallel_loop3A_280 : i32 to index
        %parallel_loop3A_371 = arith.constant 80 : index
        %parallel_loop3A_372 = tpu.vector_load %arg13[%parallel_loop3A_370, %parallel_loop3A_371] {strides = array<i32>} : memref<80x128xf32, #tpu.memory_space<vmem>>, vector<1x16xf32>,
        %parallel_loop3A_373 = vector.shape_cast %parallel_loop3A_372 : vector<1x16xf32> to vector<16xf32>
        %parallel_loop3A_374 = arith.addf %parallel_loop3A_369, %parallel_loop3A_373 : vector<16xf32>
        %parallel_loop3A_375 = arith.constant 0.000000e+00 : f32
        %parallel_loop3A_376 = vector.broadcast %parallel_loop3A_375 : f32 to vector<16xf32>
        %parallel_loop3A_377 = arith.maximumf %parallel_loop3A_374, %parallel_loop3A_376 : vector<16xf32>
        %parallel_loop3A_378 = arith.index_cast %parallel_loop3A_280 : i32 to index
        %parallel_loop3A_379 = arith.constant 80 : index
        %parallel_loop3A_380 = tpu.vector_load %arg15[%parallel_loop3A_378, %parallel_loop3A_379] {strides = array<i32>} : memref<80x128xf32, #tpu.memory_space<vmem>>, vector<1x16xf32>,
        %parallel_loop3A_381 = vector.shape_cast %parallel_loop3A_380 : vector<1x16xf32> to vector<16xf32>
        %parallel_loop3A_382 = vector.shape_cast %parallel_loop3A_377 : vector<16xf32> to vector<1x16xf32>
        tpu.vector_store %arg15[%parallel_loop3A_378, %parallel_loop3A_379], %parallel_loop3A_382 {strides = array<i32>} : memref<80x128xf32, #tpu.memory_space<vmem>>, vector<1x16xf32>,
        %parallel_loop3A_383 = arith.index_cast %parallel_loop3A_280 : i32 to index
        %parallel_loop3A_384 = arith.constant 96 : index
        %parallel_loop3A_385 = tpu.vector_load %arg15[%parallel_loop3A_383, %parallel_loop3A_384] {strides = array<i32>} : memref<80x128xf32, #tpu.memory_space<vmem>>, vector<1x16xf32>,
        %parallel_loop3A_386 = vector.shape_cast %parallel_loop3A_385 : vector<1x16xf32> to vector<16xf32>
        %parallel_loop3A_387 = arith.index_cast %parallel_loop3A_280 : i32 to index
        %parallel_loop3A_388 = arith.constant 96 : index
        %parallel_loop3A_389 = tpu.vector_load %arg13[%parallel_loop3A_387, %parallel_loop3A_388] {strides = array<i32>} : memref<80x128xf32, #tpu.memory_space<vmem>>, vector<1x16xf32>,
        %parallel_loop3A_390 = vector.shape_cast %parallel_loop3A_389 : vector<1x16xf32> to vector<16xf32>
        %parallel_loop3A_391 = arith.addf %parallel_loop3A_386, %parallel_loop3A_390 : vector<16xf32>
        %parallel_loop3A_392 = arith.constant 0.000000e+00 : f32
        %parallel_loop3A_393 = vector.broadcast %parallel_loop3A_392 : f32 to vector<16xf32>
        %parallel_loop3A_394 = arith.maximumf %parallel_loop3A_391, %parallel_loop3A_393 : vector<16xf32>
        %parallel_loop3A_395 = arith.index_cast %parallel_loop3A_280 : i32 to index
        %parallel_loop3A_396 = arith.constant 96 : index
        %parallel_loop3A_397 = tpu.vector_load %arg15[%parallel_loop3A_395, %parallel_loop3A_396] {strides = array<i32>} : memref<80x128xf32, #tpu.memory_space<vmem>>, vector<1x16xf32>,
        %parallel_loop3A_398 = vector.shape_cast %parallel_loop3A_397 : vector<1x16xf32> to vector<16xf32>
        %parallel_loop3A_399 = vector.shape_cast %parallel_loop3A_394 : vector<16xf32> to vector<1x16xf32>
        tpu.vector_store %arg15[%parallel_loop3A_395, %parallel_loop3A_396], %parallel_loop3A_399 {strides = array<i32>} : memref<80x128xf32, #tpu.memory_space<vmem>>, vector<1x16xf32>,
        %parallel_loop3A_400 = arith.index_cast %parallel_loop3A_280 : i32 to index
        %parallel_loop3A_401 = arith.constant 112 : index
        %parallel_loop3A_402 = tpu.vector_load %arg15[%parallel_loop3A_400, %parallel_loop3A_401] {strides = array<i32>} : memref<80x128xf32, #tpu.memory_space<vmem>>, vector<1x16xf32>,
        %parallel_loop3A_403 = vector.shape_cast %parallel_loop3A_402 : vector<1x16xf32> to vector<16xf32>
        %parallel_loop3A_404 = arith.index_cast %parallel_loop3A_280 : i32 to index
        %parallel_loop3A_405 = arith.constant 112 : index
        %parallel_loop3A_406 = tpu.vector_load %arg13[%parallel_loop3A_404, %parallel_loop3A_405] {strides = array<i32>} : memref<80x128xf32, #tpu.memory_space<vmem>>, vector<1x16xf32>,
        %parallel_loop3A_407 = vector.shape_cast %parallel_loop3A_406 : vector<1x16xf32> to vector<16xf32>
        %parallel_loop3A_408 = arith.addf %parallel_loop3A_403, %parallel_loop3A_407 : vector<16xf32>
        %parallel_loop3A_409 = arith.constant 0.000000e+00 : f32
        %parallel_loop3A_410 = vector.broadcast %parallel_loop3A_409 : f32 to vector<16xf32>
        %parallel_loop3A_411 = arith.maximumf %parallel_loop3A_408, %parallel_loop3A_410 : vector<16xf32>
        %parallel_loop3A_412 = arith.index_cast %parallel_loop3A_280 : i32 to index
        %parallel_loop3A_413 = arith.constant 112 : index
        %parallel_loop3A_414 = tpu.vector_load %arg15[%parallel_loop3A_412, %parallel_loop3A_413] {strides = array<i32>} : memref<80x128xf32, #tpu.memory_space<vmem>>, vector<1x16xf32>,
        %parallel_loop3A_415 = vector.shape_cast %parallel_loop3A_414 : vector<1x16xf32> to vector<16xf32>
        %parallel_loop3A_416 = vector.shape_cast %parallel_loop3A_411 : vector<16xf32> to vector<1x16xf32>
        tpu.vector_store %arg15[%parallel_loop3A_412, %parallel_loop3A_413], %parallel_loop3A_416 {strides = array<i32>} : memref<80x128xf32, #tpu.memory_space<vmem>>, vector<1x16xf32>,
      } {sc.loop_unroll_factor = 4 : i64, sc.parallel_access}
      "tpu.region"() ({
        %run_scoped3A = tpu.sem_alloc : memref<!tpu.dma_semaphore, #tpu.memory_space<semaphore_mem>>
        %dma_start3A_280 = arith.constant 0 : i32
        %dma_start3A_281 = arith.constant 0 : i32
        %dma_start3A_282 = tpu.memref_slice %arg7[%dma_start3A_280, %dma_start3A_281] : memref<10240x128xf32, #tpu.memory_space<vmem_shared>> -> memref<10240x128xf32, #tpu.memory_space<vmem_shared>>
        tpu.enqueue_indirect_dma source(%arg15 : memref<80x128xf32, #tpu.memory_space<vmem>>) target(%dma_start3A_282 : memref<10240x128xf32, #tpu.memory_space<vmem_shared>>) offsets(%arg11 : memref<80xi32, #tpu.memory_space<vmem>>) semaphore(%run_scoped3A : memref<!tpu.dma_semaphore, #tpu.memory_space<semaphore_mem>>) {add = true}
        %dma_wait3A_283 = arith.constant 0 : i32
        %dma_wait3A_284 = arith.constant 0 : i32
        %dma_wait3A_285 = tpu.memref_slice %arg7[%dma_wait3A_283, %dma_wait3A_284] : memref<10240x128xf32, #tpu.memory_space<vmem_shared>> -> memref<10240x128xf32, #tpu.memory_space<vmem_shared>>
        tpu.wait_indirect_dma semaphore(%run_scoped3A : memref<!tpu.dma_semaphore, #tpu.memory_space<semaphore_mem>>) src(%arg15 : memref<80x128xf32, #tpu.memory_space<vmem>>) dst(%dma_wait3A_285 : memref<10240x128xf32, #tpu.memory_space<vmem_shared>>)
        tpu.yield
      }) : () -> ()
      %add3A_233 = arith.constant 3 : i32
      %add3A_234 = arith.addi %mul3A_174, %add3A_233 : i32
      %min3A = arith.constant 124 : i32
      %min3A_235 = arith.minsi %add3A_234, %min3A : i32
      %dma_start3A_236 = arith.constant 0 : i32
      %dma_start3A_237 = tpu.memref_slice %arg4[%add3A, %min3A_235, %dma_start3A_236] : memref<32x125x80xi32, #tpu.memory_space<hbm>> -> memref<1x1x80xi32, #tpu.memory_space<hbm>>
      %dma_start3A_238 = tpu.memref_squeeze %dma_start3A_237 : memref<1x1x80xi32, #tpu.memory_space<hbm>> -> memref<80xi32, #tpu.memory_space<hbm>>
      %dma_start3A_239 = arith.constant 0 : i32
      %dma_start3A_240 = tpu.memref_slice %arg4[%add3A, %min3A_235, %dma_start3A_239] : memref<32x125x80xi32, #tpu.memory_space<hbm>> -> memref<1x1x80xi32, #tpu.memory_space<hbm>>
      %dma_start3A_241 = tpu.memref_squeeze %dma_start3A_240 : memref<1x1x80xi32, #tpu.memory_space<hbm>> -> memref<80xi32, #tpu.memory_space<hbm>>
      tpu.enqueue_dma source(%dma_start3A_241 : memref<80xi32, #tpu.memory_space<hbm>>) target(%arg10 : memref<80xi32, #tpu.memory_space<vmem>>) target_semaphore(%arg17 : memref<!tpu.dma_semaphore, #tpu.memory_space<semaphore_mem>>)
      %dma_start3A_242 = arith.constant 0 : i32
      %dma_start3A_243 = tpu.memref_slice %arg5[%add3A, %min3A_235, %dma_start3A_242] : memref<32x125x80xi32, #tpu.memory_space<hbm>> -> memref<1x1x80xi32, #tpu.memory_space<hbm>>
      %dma_start3A_244 = tpu.memref_squeeze %dma_start3A_243 : memref<1x1x80xi32, #tpu.memory_space<hbm>> -> memref<80xi32, #tpu.memory_space<hbm>>
      %dma_start3A_245 = arith.constant 0 : i32
      %dma_start3A_246 = tpu.memref_slice %arg5[%add3A, %min3A_235, %dma_start3A_245] : memref<32x125x80xi32, #tpu.memory_space<hbm>> -> memref<1x1x80xi32, #tpu.memory_space<hbm>>
      %dma_start3A_247 = tpu.memref_squeeze %dma_start3A_246 : memref<1x1x80xi32, #tpu.memory_space<hbm>> -> memref<80xi32, #tpu.memory_space<hbm>>
      tpu.enqueue_dma source(%dma_start3A_247 : memref<80xi32, #tpu.memory_space<hbm>>) target(%arg11 : memref<80xi32, #tpu.memory_space<vmem>>) target_semaphore(%arg17 : memref<!tpu.dma_semaphore, #tpu.memory_space<semaphore_mem>>)
      %mul3A_248 = arith.constant 125 : i32
      %mul3A_249 = arith.muli %add3A, %mul3A_248 : i32
      %add3A_250 = arith.addi %mul3A_249, %min3A_235 : i32
      %mul3A_251 = arith.constant 80 : i32
      %mul3A_252 = arith.muli %add3A_250, %mul3A_251 : i32
      %dma_start3A_253 = arith.constant 0 : i32
      %dma_start3A_254 = tpu.memref_slice %arg2[%mul3A_252, %dma_start3A_253] : memref<320000x128xf32, #tpu.memory_space<hbm>> -> memref<80x128xf32, #tpu.memory_space<hbm>>
      %dma_start3A_255 = arith.constant 0 : i32
      %dma_start3A_256 = tpu.memref_slice %arg2[%mul3A_252, %dma_start3A_255] : memref<320000x128xf32, #tpu.memory_space<hbm>> -> memref<80x128xf32, #tpu.memory_space<hbm>>
      tpu.enqueue_dma source(%dma_start3A_256 : memref<80x128xf32, #tpu.memory_space<hbm>>) target(%arg13 : memref<80x128xf32, #tpu.memory_space<vmem>>) target_semaphore(%arg17 : memref<!tpu.dma_semaphore, #tpu.memory_space<semaphore_mem>>)
      %dma_wait3A_257 = arith.constant 0 : i32
      %dma_wait3A_258 = arith.constant 0 : i32
      %dma_wait3A_259 = tpu.memref_slice %arg4[%add3A, %dma_wait3A_257, %dma_wait3A_258] : memref<32x125x80xi32, #tpu.memory_space<hbm>> -> memref<1x1x80xi32, #tpu.memory_space<hbm>>
      %dma_wait3A_260 = tpu.memref_squeeze %dma_wait3A_259 : memref<1x1x80xi32, #tpu.memory_space<hbm>> -> memref<80xi32, #tpu.memory_space<hbm>>
      %dma_wait3A_261 = arith.constant 0 : i32
      %dma_wait3A_262 = tpu.memref_slice %arg4[%add3A, %dma_wait3A_257, %dma_wait3A_261] : memref<32x125x80xi32, #tpu.memory_space<hbm>> -> memref<1x1x80xi32, #tpu.memory_space<hbm>>
      %dma_wait3A_263 = tpu.memref_squeeze %dma_wait3A_262 : memref<1x1x80xi32, #tpu.memory_space<hbm>> -> memref<80xi32, #tpu.memory_space<hbm>>
      tpu.wait_dma2 semaphore(%arg16 : memref<!tpu.dma_semaphore, #tpu.memory_space<semaphore_mem>>) src(%dma_wait3A_263 : memref<80xi32, #tpu.memory_space<hbm>>) dst(%arg8 : memref<80xi32, #tpu.memory_space<vmem>>)
      %dma_wait3A_264 = arith.constant 0 : i32
      %dma_wait3A_265 = arith.constant 0 : i32
      %dma_wait3A_266 = tpu.memref_slice %arg5[%add3A, %dma_wait3A_264, %dma_wait3A_265] : memref<32x125x80xi32, #tpu.memory_space<hbm>> -> memref<1x1x80xi32, #tpu.memory_space<hbm>>
      %dma_wait3A_267 = tpu.memref_squeeze %dma_wait3A_266 : memref<1x1x80xi32, #tpu.memory_space<hbm>> -> memref<80xi32, #tpu.memory_space<hbm>>
      %dma_wait3A_268 = arith.constant 0 : i32
      %dma_wait3A_269 = tpu.memref_slice %arg5[%add3A, %dma_wait3A_264, %dma_wait3A_268] : memref<32x125x80xi32, #tpu.memory_space<hbm>> -> memref<1x1x80xi32, #tpu.memory_space<hbm>>
      %dma_wait3A_270 = tpu.memref_squeeze %dma_wait3A_269 : memref<1x1x80xi32, #tpu.memory_space<hbm>> -> memref<80xi32, #tpu.memory_space<hbm>>
      tpu.wait_dma2 semaphore(%arg16 : memref<!tpu.dma_semaphore, #tpu.memory_space<semaphore_mem>>) src(%dma_wait3A_270 : memref<80xi32, #tpu.memory_space<hbm>>) dst(%arg9 : memref<80xi32, #tpu.memory_space<vmem>>)
      %dma_wait3A_271 = arith.constant 0 : i32
      %dma_wait3A_272 = arith.constant 0 : i32
      %dma_wait3A_273 = tpu.memref_slice %arg2[%dma_wait3A_271, %dma_wait3A_272] : memref<320000x128xf32, #tpu.memory_space<hbm>> -> memref<80x128xf32, #tpu.memory_space<hbm>>
      %dma_wait3A_274 = arith.constant 0 : i32
      %dma_wait3A_275 = arith.constant 0 : i32
      %dma_wait3A_276 = tpu.memref_slice %arg2[%dma_wait3A_274, %dma_wait3A_275] : memref<320000x128xf32, #tpu.memory_space<hbm>> -> memref<80x128xf32, #tpu.memory_space<hbm>>
      tpu.wait_dma2 semaphore(%arg16 : memref<!tpu.dma_semaphore, #tpu.memory_space<semaphore_mem>>) src(%dma_wait3A_276 : memref<80x128xf32, #tpu.memory_space<hbm>>) dst(%arg12 : memref<80x128xf32, #tpu.memory_space<vmem>>)
      %dma_start3A_277 = arith.constant 0 : i32
      %dma_start3A_278 = arith.constant 0 : i32
      %dma_start3A_279 = tpu.memref_slice %arg3[%dma_start3A_277, %dma_start3A_278] : memref<10000x128xf32, #tpu.memory_space<hbm>> -> memref<10000x128xf32, #tpu.memory_space<hbm>>
      tpu.enqueue_indirect_dma source(%dma_start3A_279 : memref<10000x128xf32, #tpu.memory_space<hbm>>) target(%arg14 : memref<80x128xf32, #tpu.memory_space<vmem>>) offsets(%arg8 : memref<80xi32, #tpu.memory_space<vmem>>) semaphore(%arg18 : memref<!tpu.dma_semaphore, #tpu.memory_space<semaphore_mem>>)
    }
    %scan3A_113 = arith.constant 62 : i32
    %dma_wait3A_114 = arith.constant 0 : i32
    %dma_wait3A_115 = arith.constant 0 : i32
    %dma_wait3A_116 = tpu.memref_slice %arg3[%dma_wait3A_114, %dma_wait3A_115] : memref<10000x128xf32, #tpu.memory_space<hbm>> -> memref<10000x128xf32, #tpu.memory_space<hbm>>
    tpu.wait_indirect_dma semaphore(%arg18 : memref<!tpu.dma_semaphore, #tpu.memory_space<semaphore_mem>>) src(%dma_wait3A_116 : memref<10000x128xf32, #tpu.memory_space<hbm>>) dst(%arg14 : memref<80x128xf32, #tpu.memory_space<vmem>>)
    %parallel_loop3A = arith.constant 0 : i32
    %parallel_loop3A_117 = arith.constant 80 : i32
    %parallel_loop3A_118 = arith.constant 1 : i32
    scf.for %parallel_loop3A_172 = %parallel_loop3A to %parallel_loop3A_117 step %parallel_loop3A_118  : i32 {
      %parallel_loop3A_173 = arith.index_cast %parallel_loop3A_172 : i32 to index
      %parallel_loop3A_174 = arith.constant 0 : index
      %parallel_loop3A_175 = tpu.vector_load %arg14[%parallel_loop3A_173, %parallel_loop3A_174] {strides = array<i32>} : memref<80x128xf32, #tpu.memory_space<vmem>>, vector<1x16xf32>,
      %parallel_loop3A_176 = vector.shape_cast %parallel_loop3A_175 : vector<1x16xf32> to vector<16xf32>
      %parallel_loop3A_177 = arith.index_cast %parallel_loop3A_172 : i32 to index
      %parallel_loop3A_178 = arith.constant 0 : index
      %parallel_loop3A_179 = tpu.vector_load %arg12[%parallel_loop3A_177, %parallel_loop3A_178] {strides = array<i32>} : memref<80x128xf32, #tpu.memory_space<vmem>>, vector<1x16xf32>,
      %parallel_loop3A_180 = vector.shape_cast %parallel_loop3A_179 : vector<1x16xf32> to vector<16xf32>
      %parallel_loop3A_181 = arith.addf %parallel_loop3A_176, %parallel_loop3A_180 : vector<16xf32>
      %parallel_loop3A_182 = arith.constant 0.000000e+00 : f32
      %parallel_loop3A_183 = vector.broadcast %parallel_loop3A_182 : f32 to vector<16xf32>
      %parallel_loop3A_184 = arith.maximumf %parallel_loop3A_181, %parallel_loop3A_183 : vector<16xf32>
      %parallel_loop3A_185 = arith.index_cast %parallel_loop3A_172 : i32 to index
      %parallel_loop3A_186 = arith.constant 0 : index
      %parallel_loop3A_187 = tpu.vector_load %arg14[%parallel_loop3A_185, %parallel_loop3A_186] {strides = array<i32>} : memref<80x128xf32, #tpu.memory_space<vmem>>, vector<1x16xf32>,
      %parallel_loop3A_188 = vector.shape_cast %parallel_loop3A_187 : vector<1x16xf32> to vector<16xf32>
      %parallel_loop3A_189 = vector.shape_cast %parallel_loop3A_184 : vector<16xf32> to vector<1x16xf32>
      tpu.vector_store %arg14[%parallel_loop3A_185, %parallel_loop3A_186], %parallel_loop3A_189 {strides = array<i32>} : memref<80x128xf32, #tpu.memory_space<vmem>>, vector<1x16xf32>,
      %parallel_loop3A_190 = arith.index_cast %parallel_loop3A_172 : i32 to index
      %parallel_loop3A_191 = arith.constant 16 : index
      %parallel_loop3A_192 = tpu.vector_load %arg14[%parallel_loop3A_190, %parallel_loop3A_191] {strides = array<i32>} : memref<80x128xf32, #tpu.memory_space<vmem>>, vector<1x16xf32>,
      %parallel_loop3A_193 = vector.shape_cast %parallel_loop3A_192 : vector<1x16xf32> to vector<16xf32>
      %parallel_loop3A_194 = arith.index_cast %parallel_loop3A_172 : i32 to index
      %parallel_loop3A_195 = arith.constant 16 : index
      %parallel_loop3A_196 = tpu.vector_load %arg12[%parallel_loop3A_194, %parallel_loop3A_195] {strides = array<i32>} : memref<80x128xf32, #tpu.memory_space<vmem>>, vector<1x16xf32>,
      %parallel_loop3A_197 = vector.shape_cast %parallel_loop3A_196 : vector<1x16xf32> to vector<16xf32>
      %parallel_loop3A_198 = arith.addf %parallel_loop3A_193, %parallel_loop3A_197 : vector<16xf32>
      %parallel_loop3A_199 = arith.constant 0.000000e+00 : f32
      %parallel_loop3A_200 = vector.broadcast %parallel_loop3A_199 : f32 to vector<16xf32>
      %parallel_loop3A_201 = arith.maximumf %parallel_loop3A_198, %parallel_loop3A_200 : vector<16xf32>
      %parallel_loop3A_202 = arith.index_cast %parallel_loop3A_172 : i32 to index
      %parallel_loop3A_203 = arith.constant 16 : index
      %parallel_loop3A_204 = tpu.vector_load %arg14[%parallel_loop3A_202, %parallel_loop3A_203] {strides = array<i32>} : memref<80x128xf32, #tpu.memory_space<vmem>>, vector<1x16xf32>,
      %parallel_loop3A_205 = vector.shape_cast %parallel_loop3A_204 : vector<1x16xf32> to vector<16xf32>
      %parallel_loop3A_206 = vector.shape_cast %parallel_loop3A_201 : vector<16xf32> to vector<1x16xf32>
      tpu.vector_store %arg14[%parallel_loop3A_202, %parallel_loop3A_203], %parallel_loop3A_206 {strides = array<i32>} : memref<80x128xf32, #tpu.memory_space<vmem>>, vector<1x16xf32>,
      %parallel_loop3A_207 = arith.index_cast %parallel_loop3A_172 : i32 to index
      %parallel_loop3A_208 = arith.constant 32 : index
      %parallel_loop3A_209 = tpu.vector_load %arg14[%parallel_loop3A_207, %parallel_loop3A_208] {strides = array<i32>} : memref<80x128xf32, #tpu.memory_space<vmem>>, vector<1x16xf32>,
      %parallel_loop3A_210 = vector.shape_cast %parallel_loop3A_209 : vector<1x16xf32> to vector<16xf32>
      %parallel_loop3A_211 = arith.index_cast %parallel_loop3A_172 : i32 to index
      %parallel_loop3A_212 = arith.constant 32 : index
      %parallel_loop3A_213 = tpu.vector_load %arg12[%parallel_loop3A_211, %parallel_loop3A_212] {strides = array<i32>} : memref<80x128xf32, #tpu.memory_space<vmem>>, vector<1x16xf32>,
      %parallel_loop3A_214 = vector.shape_cast %parallel_loop3A_213 : vector<1x16xf32> to vector<16xf32>
      %parallel_loop3A_215 = arith.addf %parallel_loop3A_210, %parallel_loop3A_214 : vector<16xf32>
      %parallel_loop3A_216 = arith.constant 0.000000e+00 : f32
      %parallel_loop3A_217 = vector.broadcast %parallel_loop3A_216 : f32 to vector<16xf32>
      %parallel_loop3A_218 = arith.maximumf %parallel_loop3A_215, %parallel_loop3A_217 : vector<16xf32>
      %parallel_loop3A_219 = arith.index_cast %parallel_loop3A_172 : i32 to index
      %parallel_loop3A_220 = arith.constant 32 : index
      %parallel_loop3A_221 = tpu.vector_load %arg14[%parallel_loop3A_219, %parallel_loop3A_220] {strides = array<i32>} : memref<80x128xf32, #tpu.memory_space<vmem>>, vector<1x16xf32>,
      %parallel_loop3A_222 = vector.shape_cast %parallel_loop3A_221 : vector<1x16xf32> to vector<16xf32>
      %parallel_loop3A_223 = vector.shape_cast %parallel_loop3A_218 : vector<16xf32> to vector<1x16xf32>
      tpu.vector_store %arg14[%parallel_loop3A_219, %parallel_loop3A_220], %parallel_loop3A_223 {strides = array<i32>} : memref<80x128xf32, #tpu.memory_space<vmem>>, vector<1x16xf32>,
      %parallel_loop3A_224 = arith.index_cast %parallel_loop3A_172 : i32 to index
      %parallel_loop3A_225 = arith.constant 48 : index
      %parallel_loop3A_226 = tpu.vector_load %arg14[%parallel_loop3A_224, %parallel_loop3A_225] {strides = array<i32>} : memref<80x128xf32, #tpu.memory_space<vmem>>, vector<1x16xf32>,
      %parallel_loop3A_227 = vector.shape_cast %parallel_loop3A_226 : vector<1x16xf32> to vector<16xf32>
      %parallel_loop3A_228 = arith.index_cast %parallel_loop3A_172 : i32 to index
      %parallel_loop3A_229 = arith.constant 48 : index
      %parallel_loop3A_230 = tpu.vector_load %arg12[%parallel_loop3A_228, %parallel_loop3A_229] {strides = array<i32>} : memref<80x128xf32, #tpu.memory_space<vmem>>, vector<1x16xf32>,
      %parallel_loop3A_231 = vector.shape_cast %parallel_loop3A_230 : vector<1x16xf32> to vector<16xf32>
      %parallel_loop3A_232 = arith.addf %parallel_loop3A_227, %parallel_loop3A_231 : vector<16xf32>
      %parallel_loop3A_233 = arith.constant 0.000000e+00 : f32
      %parallel_loop3A_234 = vector.broadcast %parallel_loop3A_233 : f32 to vector<16xf32>
      %parallel_loop3A_235 = arith.maximumf %parallel_loop3A_232, %parallel_loop3A_234 : vector<16xf32>
      %parallel_loop3A_236 = arith.index_cast %parallel_loop3A_172 : i32 to index
      %parallel_loop3A_237 = arith.constant 48 : index
      %parallel_loop3A_238 = tpu.vector_load %arg14[%parallel_loop3A_236, %parallel_loop3A_237] {strides = array<i32>} : memref<80x128xf32, #tpu.memory_space<vmem>>, vector<1x16xf32>,
      %parallel_loop3A_239 = vector.shape_cast %parallel_loop3A_238 : vector<1x16xf32> to vector<16xf32>
      %parallel_loop3A_240 = vector.shape_cast %parallel_loop3A_235 : vector<16xf32> to vector<1x16xf32>
      tpu.vector_store %arg14[%parallel_loop3A_236, %parallel_loop3A_237], %parallel_loop3A_240 {strides = array<i32>} : memref<80x128xf32, #tpu.memory_space<vmem>>, vector<1x16xf32>,
      %parallel_loop3A_241 = arith.index_cast %parallel_loop3A_172 : i32 to index
      %parallel_loop3A_242 = arith.constant 64 : index
      %parallel_loop3A_243 = tpu.vector_load %arg14[%parallel_loop3A_241, %parallel_loop3A_242] {strides = array<i32>} : memref<80x128xf32, #tpu.memory_space<vmem>>, vector<1x16xf32>,
      %parallel_loop3A_244 = vector.shape_cast %parallel_loop3A_243 : vector<1x16xf32> to vector<16xf32>
      %parallel_loop3A_245 = arith.index_cast %parallel_loop3A_172 : i32 to index
      %parallel_loop3A_246 = arith.constant 64 : index
      %parallel_loop3A_247 = tpu.vector_load %arg12[%parallel_loop3A_245, %parallel_loop3A_246] {strides = array<i32>} : memref<80x128xf32, #tpu.memory_space<vmem>>, vector<1x16xf32>,
      %parallel_loop3A_248 = vector.shape_cast %parallel_loop3A_247 : vector<1x16xf32> to vector<16xf32>
      %parallel_loop3A_249 = arith.addf %parallel_loop3A_244, %parallel_loop3A_248 : vector<16xf32>
      %parallel_loop3A_250 = arith.constant 0.000000e+00 : f32
      %parallel_loop3A_251 = vector.broadcast %parallel_loop3A_250 : f32 to vector<16xf32>
      %parallel_loop3A_252 = arith.maximumf %parallel_loop3A_249, %parallel_loop3A_251 : vector<16xf32>
      %parallel_loop3A_253 = arith.index_cast %parallel_loop3A_172 : i32 to index
      %parallel_loop3A_254 = arith.constant 64 : index
      %parallel_loop3A_255 = tpu.vector_load %arg14[%parallel_loop3A_253, %parallel_loop3A_254] {strides = array<i32>} : memref<80x128xf32, #tpu.memory_space<vmem>>, vector<1x16xf32>,
      %parallel_loop3A_256 = vector.shape_cast %parallel_loop3A_255 : vector<1x16xf32> to vector<16xf32>
      %parallel_loop3A_257 = vector.shape_cast %parallel_loop3A_252 : vector<16xf32> to vector<1x16xf32>
      tpu.vector_store %arg14[%parallel_loop3A_253, %parallel_loop3A_254], %parallel_loop3A_257 {strides = array<i32>} : memref<80x128xf32, #tpu.memory_space<vmem>>, vector<1x16xf32>,
      %parallel_loop3A_258 = arith.index_cast %parallel_loop3A_172 : i32 to index
      %parallel_loop3A_259 = arith.constant 80 : index
      %parallel_loop3A_260 = tpu.vector_load %arg14[%parallel_loop3A_258, %parallel_loop3A_259] {strides = array<i32>} : memref<80x128xf32, #tpu.memory_space<vmem>>, vector<1x16xf32>,
      %parallel_loop3A_261 = vector.shape_cast %parallel_loop3A_260 : vector<1x16xf32> to vector<16xf32>
      %parallel_loop3A_262 = arith.index_cast %parallel_loop3A_172 : i32 to index
      %parallel_loop3A_263 = arith.constant 80 : index
      %parallel_loop3A_264 = tpu.vector_load %arg12[%parallel_loop3A_262, %parallel_loop3A_263] {strides = array<i32>} : memref<80x128xf32, #tpu.memory_space<vmem>>, vector<1x16xf32>,
      %parallel_loop3A_265 = vector.shape_cast %parallel_loop3A_264 : vector<1x16xf32> to vector<16xf32>
      %parallel_loop3A_266 = arith.addf %parallel_loop3A_261, %parallel_loop3A_265 : vector<16xf32>
      %parallel_loop3A_267 = arith.constant 0.000000e+00 : f32
      %parallel_loop3A_268 = vector.broadcast %parallel_loop3A_267 : f32 to vector<16xf32>
      %parallel_loop3A_269 = arith.maximumf %parallel_loop3A_266, %parallel_loop3A_268 : vector<16xf32>
      %parallel_loop3A_270 = arith.index_cast %parallel_loop3A_172 : i32 to index
      %parallel_loop3A_271 = arith.constant 80 : index
      %parallel_loop3A_272 = tpu.vector_load %arg14[%parallel_loop3A_270, %parallel_loop3A_271] {strides = array<i32>} : memref<80x128xf32, #tpu.memory_space<vmem>>, vector<1x16xf32>,
      %parallel_loop3A_273 = vector.shape_cast %parallel_loop3A_272 : vector<1x16xf32> to vector<16xf32>
      %parallel_loop3A_274 = vector.shape_cast %parallel_loop3A_269 : vector<16xf32> to vector<1x16xf32>
      tpu.vector_store %arg14[%parallel_loop3A_270, %parallel_loop3A_271], %parallel_loop3A_274 {strides = array<i32>} : memref<80x128xf32, #tpu.memory_space<vmem>>, vector<1x16xf32>,
      %parallel_loop3A_275 = arith.index_cast %parallel_loop3A_172 : i32 to index
      %parallel_loop3A_276 = arith.constant 96 : index
      %parallel_loop3A_277 = tpu.vector_load %arg14[%parallel_loop3A_275, %parallel_loop3A_276] {strides = array<i32>} : memref<80x128xf32, #tpu.memory_space<vmem>>, vector<1x16xf32>,
      %parallel_loop3A_278 = vector.shape_cast %parallel_loop3A_277 : vector<1x16xf32> to vector<16xf32>
      %parallel_loop3A_279 = arith.index_cast %parallel_loop3A_172 : i32 to index
      %parallel_loop3A_280 = arith.constant 96 : index
      %parallel_loop3A_281 = tpu.vector_load %arg12[%parallel_loop3A_279, %parallel_loop3A_280] {strides = array<i32>} : memref<80x128xf32, #tpu.memory_space<vmem>>, vector<1x16xf32>,
      %parallel_loop3A_282 = vector.shape_cast %parallel_loop3A_281 : vector<1x16xf32> to vector<16xf32>
      %parallel_loop3A_283 = arith.addf %parallel_loop3A_278, %parallel_loop3A_282 : vector<16xf32>
      %parallel_loop3A_284 = arith.constant 0.000000e+00 : f32
      %parallel_loop3A_285 = vector.broadcast %parallel_loop3A_284 : f32 to vector<16xf32>
      %parallel_loop3A_286 = arith.maximumf %parallel_loop3A_283, %parallel_loop3A_285 : vector<16xf32>
      %parallel_loop3A_287 = arith.index_cast %parallel_loop3A_172 : i32 to index
      %parallel_loop3A_288 = arith.constant 96 : index
      %parallel_loop3A_289 = tpu.vector_load %arg14[%parallel_loop3A_287, %parallel_loop3A_288] {strides = array<i32>} : memref<80x128xf32, #tpu.memory_space<vmem>>, vector<1x16xf32>,
      %parallel_loop3A_290 = vector.shape_cast %parallel_loop3A_289 : vector<1x16xf32> to vector<16xf32>
      %parallel_loop3A_291 = vector.shape_cast %parallel_loop3A_286 : vector<16xf32> to vector<1x16xf32>
      tpu.vector_store %arg14[%parallel_loop3A_287, %parallel_loop3A_288], %parallel_loop3A_291 {strides = array<i32>} : memref<80x128xf32, #tpu.memory_space<vmem>>, vector<1x16xf32>,
      %parallel_loop3A_292 = arith.index_cast %parallel_loop3A_172 : i32 to index
      %parallel_loop3A_293 = arith.constant 112 : index
      %parallel_loop3A_294 = tpu.vector_load %arg14[%parallel_loop3A_292, %parallel_loop3A_293] {strides = array<i32>} : memref<80x128xf32, #tpu.memory_space<vmem>>, vector<1x16xf32>,
      %parallel_loop3A_295 = vector.shape_cast %parallel_loop3A_294 : vector<1x16xf32> to vector<16xf32>
      %parallel_loop3A_296 = arith.index_cast %parallel_loop3A_172 : i32 to index
      %parallel_loop3A_297 = arith.constant 112 : index
      %parallel_loop3A_298 = tpu.vector_load %arg12[%parallel_loop3A_296, %parallel_loop3A_297] {strides = array<i32>} : memref<80x128xf32, #tpu.memory_space<vmem>>, vector<1x16xf32>,
      %parallel_loop3A_299 = vector.shape_cast %parallel_loop3A_298 : vector<1x16xf32> to vector<16xf32>
      %parallel_loop3A_300 = arith.addf %parallel_loop3A_295, %parallel_loop3A_299 : vector<16xf32>
      %parallel_loop3A_301 = arith.constant 0.000000e+00 : f32
      %parallel_loop3A_302 = vector.broadcast %parallel_loop3A_301 : f32 to vector<16xf32>
      %parallel_loop3A_303 = arith.maximumf %parallel_loop3A_300, %parallel_loop3A_302 : vector<16xf32>
      %parallel_loop3A_304 = arith.index_cast %parallel_loop3A_172 : i32 to index
      %parallel_loop3A_305 = arith.constant 112 : index
      %parallel_loop3A_306 = tpu.vector_load %arg14[%parallel_loop3A_304, %parallel_loop3A_305] {strides = array<i32>} : memref<80x128xf32, #tpu.memory_space<vmem>>, vector<1x16xf32>,
      %parallel_loop3A_307 = vector.shape_cast %parallel_loop3A_306 : vector<1x16xf32> to vector<16xf32>
      %parallel_loop3A_308 = vector.shape_cast %parallel_loop3A_303 : vector<16xf32> to vector<1x16xf32>
      tpu.vector_store %arg14[%parallel_loop3A_304, %parallel_loop3A_305], %parallel_loop3A_308 {strides = array<i32>} : memref<80x128xf32, #tpu.memory_space<vmem>>, vector<1x16xf32>,
    } {sc.loop_unroll_factor = 4 : i64, sc.parallel_access}
    "tpu.region"() ({
      %run_scoped3A = tpu.sem_alloc : memref<!tpu.dma_semaphore, #tpu.memory_space<semaphore_mem>>
      %dma_start3A_172 = arith.constant 0 : i32
      %dma_start3A_173 = arith.constant 0 : i32
      %dma_start3A_174 = tpu.memref_slice %arg7[%dma_start3A_172, %dma_start3A_173] : memref<10240x128xf32, #tpu.memory_space<vmem_shared>> -> memref<10240x128xf32, #tpu.memory_space<vmem_shared>>
      tpu.enqueue_indirect_dma source(%arg14 : memref<80x128xf32, #tpu.memory_space<vmem>>) target(%dma_start3A_174 : memref<10240x128xf32, #tpu.memory_space<vmem_shared>>) offsets(%arg9 : memref<80xi32, #tpu.memory_space<vmem>>) semaphore(%run_scoped3A : memref<!tpu.dma_semaphore, #tpu.memory_space<semaphore_mem>>) {add = true}
      %dma_wait3A_175 = arith.constant 0 : i32
      %dma_wait3A_176 = arith.constant 0 : i32
      %dma_wait3A_177 = tpu.memref_slice %arg7[%dma_wait3A_175, %dma_wait3A_176] : memref<10240x128xf32, #tpu.memory_space<vmem_shared>> -> memref<10240x128xf32, #tpu.memory_space<vmem_shared>>
      tpu.wait_indirect_dma semaphore(%run_scoped3A : memref<!tpu.dma_semaphore, #tpu.memory_space<semaphore_mem>>) src(%arg14 : memref<80x128xf32, #tpu.memory_space<vmem>>) dst(%dma_wait3A_177 : memref<10240x128xf32, #tpu.memory_space<vmem_shared>>)
      tpu.yield
    }) : () -> ()
    %dma_wait3A_119 = arith.constant 0 : i32
    %dma_wait3A_120 = arith.constant 0 : i32
    %dma_wait3A_121 = tpu.memref_slice %arg4[%add3A, %dma_wait3A_119, %dma_wait3A_120] : memref<32x125x80xi32, #tpu.memory_space<hbm>> -> memref<1x1x80xi32, #tpu.memory_space<hbm>>
    %dma_wait3A_122 = tpu.memref_squeeze %dma_wait3A_121 : memref<1x1x80xi32, #tpu.memory_space<hbm>> -> memref<80xi32, #tpu.memory_space<hbm>>
    %dma_wait3A_123 = arith.constant 0 : i32
    %dma_wait3A_124 = tpu.memref_slice %arg4[%add3A, %dma_wait3A_119, %dma_wait3A_123] : memref<32x125x80xi32, #tpu.memory_space<hbm>> -> memref<1x1x80xi32, #tpu.memory_space<hbm>>
    %dma_wait3A_125 = tpu.memref_squeeze %dma_wait3A_124 : memref<1x1x80xi32, #tpu.memory_space<hbm>> -> memref<80xi32, #tpu.memory_space<hbm>>
    tpu.wait_dma2 semaphore(%arg17 : memref<!tpu.dma_semaphore, #tpu.memory_space<semaphore_mem>>) src(%dma_wait3A_125 : memref<80xi32, #tpu.memory_space<hbm>>) dst(%arg10 : memref<80xi32, #tpu.memory_space<vmem>>)
    %dma_wait3A_126 = arith.constant 0 : i32
    %dma_wait3A_127 = arith.constant 0 : i32
    %dma_wait3A_128 = tpu.memref_slice %arg5[%add3A, %dma_wait3A_126, %dma_wait3A_127] : memref<32x125x80xi32, #tpu.memory_space<hbm>> -> memref<1x1x80xi32, #tpu.memory_space<hbm>>
    %dma_wait3A_129 = tpu.memref_squeeze %dma_wait3A_128 : memref<1x1x80xi32, #tpu.memory_space<hbm>> -> memref<80xi32, #tpu.memory_space<hbm>>
    %dma_wait3A_130 = arith.constant 0 : i32
    %dma_wait3A_131 = tpu.memref_slice %arg5[%add3A, %dma_wait3A_126, %dma_wait3A_130] : memref<32x125x80xi32, #tpu.memory_space<hbm>> -> memref<1x1x80xi32, #tpu.memory_space<hbm>>
    %dma_wait3A_132 = tpu.memref_squeeze %dma_wait3A_131 : memref<1x1x80xi32, #tpu.memory_space<hbm>> -> memref<80xi32, #tpu.memory_space<hbm>>
    tpu.wait_dma2 semaphore(%arg17 : memref<!tpu.dma_semaphore, #tpu.memory_space<semaphore_mem>>) src(%dma_wait3A_132 : memref<80xi32, #tpu.memory_space<hbm>>) dst(%arg11 : memref<80xi32, #tpu.memory_space<vmem>>)
    %dma_wait3A_133 = arith.constant 0 : i32
    %dma_wait3A_134 = arith.constant 0 : i32
    %dma_wait3A_135 = tpu.memref_slice %arg2[%dma_wait3A_133, %dma_wait3A_134] : memref<320000x128xf32, #tpu.memory_space<hbm>> -> memref<80x128xf32, #tpu.memory_space<hbm>>
    %dma_wait3A_136 = arith.constant 0 : i32
    %dma_wait3A_137 = arith.constant 0 : i32
    %dma_wait3A_138 = tpu.memref_slice %arg2[%dma_wait3A_136, %dma_wait3A_137] : memref<320000x128xf32, #tpu.memory_space<hbm>> -> memref<80x128xf32, #tpu.memory_space<hbm>>
    tpu.wait_dma2 semaphore(%arg17 : memref<!tpu.dma_semaphore, #tpu.memory_space<semaphore_mem>>) src(%dma_wait3A_138 : memref<80x128xf32, #tpu.memory_space<hbm>>) dst(%arg13 : memref<80x128xf32, #tpu.memory_space<vmem>>)
    %barrier3A_139 = arith.constant 0 : index
    tpu.barrier barrier_id(%barrier3A_139)
    %mul3A_140 = arith.constant 640 : i32
    %mul3A_141 = arith.muli %arg1, %mul3A_140 : i32
    %add3A_142 = arith.constant 0 : i32
    %add3A_143 = arith.addi %mul3A_141, %add3A_142 : i32
    "tpu.region"() ({
      %run_scoped3A = tpu.sem_alloc : memref<!tpu.dma_semaphore, #tpu.memory_space<semaphore_mem>>
      %dma_start3A_172 = arith.constant 0 : i32
      %dma_start3A_173 = tpu.memref_slice %arg7[%add3A_143, %dma_start3A_172] : memref<10240x128xf32, #tpu.memory_space<vmem_shared>> -> memref<80x128xf32, #tpu.memory_space<vmem_shared>>
      %dma_start3A_174 = arith.constant 0 : i32
      %dma_start3A_175 = tpu.memref_slice %arg7[%add3A_143, %dma_start3A_174] : memref<10240x128xf32, #tpu.memory_space<vmem_shared>> -> memref<80x128xf32, #tpu.memory_space<vmem_shared>>
      tpu.enqueue_dma source(%dma_start3A_175 : memref<80x128xf32, #tpu.memory_space<vmem_shared>>) target(%arg14 : memref<80x128xf32, #tpu.memory_space<vmem>>) target_semaphore(%run_scoped3A : memref<!tpu.dma_semaphore, #tpu.memory_space<semaphore_mem>>)
      %dma_wait3A_176 = arith.constant 0 : i32
      %dma_wait3A_177 = tpu.memref_slice %arg7[%add3A_143, %dma_wait3A_176] : memref<10240x128xf32, #tpu.memory_space<vmem_shared>> -> memref<80x128xf32, #tpu.memory_space<vmem_shared>>
      %dma_wait3A_178 = arith.constant 0 : i32
      %dma_wait3A_179 = tpu.memref_slice %arg7[%add3A_143, %dma_wait3A_178] : memref<10240x128xf32, #tpu.memory_space<vmem_shared>> -> memref<80x128xf32, #tpu.memory_space<vmem_shared>>
      tpu.wait_dma2 semaphore(%run_scoped3A : memref<!tpu.dma_semaphore, #tpu.memory_space<semaphore_mem>>) src(%dma_wait3A_179 : memref<80x128xf32, #tpu.memory_space<vmem_shared>>) dst(%arg14 : memref<80x128xf32, #tpu.memory_space<vmem>>)
      tpu.yield
    }) : () -> ()
    "tpu.region"() ({
      %run_scoped3A = tpu.sem_alloc : memref<!tpu.dma_semaphore, #tpu.memory_space<semaphore_mem>>
      %dma_start3A_172 = arith.constant 0 : i32
      %dma_start3A_173 = tpu.memref_slice %arg6[%arg0, %add3A_143, %dma_start3A_172] : memref<2x10240x128xf32, #tpu.memory_space<hbm>> -> memref<1x80x128xf32, #tpu.memory_space<hbm>>
      %dma_start3A_174 = tpu.memref_squeeze %dma_start3A_173 : memref<1x80x128xf32, #tpu.memory_space<hbm>> -> memref<80x128xf32, #tpu.memory_space<hbm>>
      %dma_start3A_175 = arith.constant 0 : i32
      %dma_start3A_176 = tpu.memref_slice %arg6[%arg0, %add3A_143, %dma_start3A_175] : memref<2x10240x128xf32, #tpu.memory_space<hbm>> -> memref<1x80x128xf32, #tpu.memory_space<hbm>>
      %dma_start3A_177 = tpu.memref_squeeze %dma_start3A_176 : memref<1x80x128xf32, #tpu.memory_space<hbm>> -> memref<80x128xf32, #tpu.memory_space<hbm>>
      tpu.enqueue_dma source(%arg14 : memref<80x128xf32, #tpu.memory_space<vmem>>) target(%dma_start3A_177 : memref<80x128xf32, #tpu.memory_space<hbm>>) target_semaphore(%run_scoped3A : memref<!tpu.dma_semaphore, #tpu.memory_space<semaphore_mem>>)
      %dma_wait3A_178 = arith.constant 0 : i32
      %dma_wait3A_179 = tpu.memref_slice %arg6[%arg0, %add3A_143, %dma_wait3A_178] : memref<2x10240x128xf32, #tpu.memory_space<hbm>> -> memref<1x80x128xf32, #tpu.memory_space<hbm>>
      %dma_wait3A_180 = tpu.memref_squeeze %dma_wait3A_179 : memref<1x80x128xf32, #tpu.memory_space<hbm>> -> memref<80x128xf32, #tpu.memory_space<hbm>>
      %dma_wait3A_181 = arith.constant 0 : i32
      %dma_wait3A_182 = tpu.memref_slice %arg6[%arg0, %add3A_143, %dma_wait3A_181] : memref<2x10240x128xf32, #tpu.memory_space<hbm>> -> memref<1x80x128xf32, #tpu.memory_space<hbm>>
      %dma_wait3A_183 = tpu.memref_squeeze %dma_wait3A_182 : memref<1x80x128xf32, #tpu.memory_space<hbm>> -> memref<80x128xf32, #tpu.memory_space<hbm>>
      tpu.wait_dma2 semaphore(%run_scoped3A : memref<!tpu.dma_semaphore, #tpu.memory_space<semaphore_mem>>) src(%arg14 : memref<80x128xf32, #tpu.memory_space<vmem>>) dst(%dma_wait3A_183 : memref<80x128xf32, #tpu.memory_space<hbm>>)
      tpu.yield
    }) : () -> ()
    %mul3A_144 = arith.constant 640 : i32
    %mul3A_145 = arith.muli %arg1, %mul3A_144 : i32
    %add3A_146 = arith.constant 80 : i32
    %add3A_147 = arith.addi %mul3A_145, %add3A_146 : i32
    "tpu.region"() ({
      %run_scoped3A = tpu.sem_alloc : memref<!tpu.dma_semaphore, #tpu.memory_space<semaphore_mem>>
      %dma_start3A_172 = arith.constant 0 : i32
      %dma_start3A_173 = tpu.memref_slice %arg7[%add3A_147, %dma_start3A_172] : memref<10240x128xf32, #tpu.memory_space<vmem_shared>> -> memref<80x128xf32, #tpu.memory_space<vmem_shared>>
      %dma_start3A_174 = arith.constant 0 : i32
      %dma_start3A_175 = tpu.memref_slice %arg7[%add3A_147, %dma_start3A_174] : memref<10240x128xf32, #tpu.memory_space<vmem_shared>> -> memref<80x128xf32, #tpu.memory_space<vmem_shared>>
      tpu.enqueue_dma source(%dma_start3A_175 : memref<80x128xf32, #tpu.memory_space<vmem_shared>>) target(%arg14 : memref<80x128xf32, #tpu.memory_space<vmem>>) target_semaphore(%run_scoped3A : memref<!tpu.dma_semaphore, #tpu.memory_space<semaphore_mem>>)
      %dma_wait3A_176 = arith.constant 0 : i32
      %dma_wait3A_177 = tpu.memref_slice %arg7[%add3A_147, %dma_wait3A_176] : memref<10240x128xf32, #tpu.memory_space<vmem_shared>> -> memref<80x128xf32, #tpu.memory_space<vmem_shared>>
      %dma_wait3A_178 = arith.constant 0 : i32
      %dma_wait3A_179 = tpu.memref_slice %arg7[%add3A_147, %dma_wait3A_178] : memref<10240x128xf32, #tpu.memory_space<vmem_shared>> -> memref<80x128xf32, #tpu.memory_space<vmem_shared>>
      tpu.wait_dma2 semaphore(%run_scoped3A : memref<!tpu.dma_semaphore, #tpu.memory_space<semaphore_mem>>) src(%dma_wait3A_179 : memref<80x128xf32, #tpu.memory_space<vmem_shared>>) dst(%arg14 : memref<80x128xf32, #tpu.memory_space<vmem>>)
      tpu.yield
    }) : () -> ()
    "tpu.region"() ({
      %run_scoped3A = tpu.sem_alloc : memref<!tpu.dma_semaphore, #tpu.memory_space<semaphore_mem>>
      %dma_start3A_172 = arith.constant 0 : i32
      %dma_start3A_173 = tpu.memref_slice %arg6[%arg0, %add3A_147, %dma_start3A_172] : memref<2x10240x128xf32, #tpu.memory_space<hbm>> -> memref<1x80x128xf32, #tpu.memory_space<hbm>>
      %dma_start3A_174 = tpu.memref_squeeze %dma_start3A_173 : memref<1x80x128xf32, #tpu.memory_space<hbm>> -> memref<80x128xf32, #tpu.memory_space<hbm>>
      %dma_start3A_175 = arith.constant 0 : i32
      %dma_start3A_176 = tpu.memref_slice %arg6[%arg0, %add3A_147, %dma_start3A_175] : memref<2x10240x128xf32, #tpu.memory_space<hbm>> -> memref<1x80x128xf32, #tpu.memory_space<hbm>>
      %dma_start3A_177 = tpu.memref_squeeze %dma_start3A_176 : memref<1x80x128xf32, #tpu.memory_space<hbm>> -> memref<80x128xf32, #tpu.memory_space<hbm>>
      tpu.enqueue_dma source(%arg14 : memref<80x128xf32, #tpu.memory_space<vmem>>) target(%dma_start3A_177 : memref<80x128xf32, #tpu.memory_space<hbm>>) target_semaphore(%run_scoped3A : memref<!tpu.dma_semaphore, #tpu.memory_space<semaphore_mem>>)
      %dma_wait3A_178 = arith.constant 0 : i32
      %dma_wait3A_179 = tpu.memref_slice %arg6[%arg0, %add3A_147, %dma_wait3A_178] : memref<2x10240x128xf32, #tpu.memory_space<hbm>> -> memref<1x80x128xf32, #tpu.memory_space<hbm>>
      %dma_wait3A_180 = tpu.memref_squeeze %dma_wait3A_179 : memref<1x80x128xf32, #tpu.memory_space<hbm>> -> memref<80x128xf32, #tpu.memory_space<hbm>>
      %dma_wait3A_181 = arith.constant 0 : i32
      %dma_wait3A_182 = tpu.memref_slice %arg6[%arg0, %add3A_147, %dma_wait3A_181] : memref<2x10240x128xf32, #tpu.memory_space<hbm>> -> memref<1x80x128xf32, #tpu.memory_space<hbm>>
      %dma_wait3A_183 = tpu.memref_squeeze %dma_wait3A_182 : memref<1x80x128xf32, #tpu.memory_space<hbm>> -> memref<80x128xf32, #tpu.memory_space<hbm>>
      tpu.wait_dma2 semaphore(%run_scoped3A : memref<!tpu.dma_semaphore, #tpu.memory_space<semaphore_mem>>) src(%arg14 : memref<80x128xf32, #tpu.memory_space<vmem>>) dst(%dma_wait3A_183 : memref<80x128xf32, #tpu.memory_space<hbm>>)
      tpu.yield
    }) : () -> ()
    %mul3A_148 = arith.constant 640 : i32
    %mul3A_149 = arith.muli %arg1, %mul3A_148 : i32
    %add3A_150 = arith.constant 160 : i32
    %add3A_151 = arith.addi %mul3A_149, %add3A_150 : i32
    "tpu.region"() ({
      %run_scoped3A = tpu.sem_alloc : memref<!tpu.dma_semaphore, #tpu.memory_space<semaphore_mem>>
      %dma_start3A_172 = arith.constant 0 : i32
      %dma_start3A_173 = tpu.memref_slice %arg7[%add3A_151, %dma_start3A_172] : memref<10240x128xf32, #tpu.memory_space<vmem_shared>> -> memref<80x128xf32, #tpu.memory_space<vmem_shared>>
      %dma_start3A_174 = arith.constant 0 : i32
      %dma_start3A_175 = tpu.memref_slice %arg7[%add3A_151, %dma_start3A_174] : memref<10240x128xf32, #tpu.memory_space<vmem_shared>> -> memref<80x128xf32, #tpu.memory_space<vmem_shared>>
      tpu.enqueue_dma source(%dma_start3A_175 : memref<80x128xf32, #tpu.memory_space<vmem_shared>>) target(%arg14 : memref<80x128xf32, #tpu.memory_space<vmem>>) target_semaphore(%run_scoped3A : memref<!tpu.dma_semaphore, #tpu.memory_space<semaphore_mem>>)
      %dma_wait3A_176 = arith.constant 0 : i32
      %dma_wait3A_177 = tpu.memref_slice %arg7[%add3A_151, %dma_wait3A_176] : memref<10240x128xf32, #tpu.memory_space<vmem_shared>> -> memref<80x128xf32, #tpu.memory_space<vmem_shared>>
      %dma_wait3A_178 = arith.constant 0 : i32
      %dma_wait3A_179 = tpu.memref_slice %arg7[%add3A_151, %dma_wait3A_178] : memref<10240x128xf32, #tpu.memory_space<vmem_shared>> -> memref<80x128xf32, #tpu.memory_space<vmem_shared>>
      tpu.wait_dma2 semaphore(%run_scoped3A : memref<!tpu.dma_semaphore, #tpu.memory_space<semaphore_mem>>) src(%dma_wait3A_179 : memref<80x128xf32, #tpu.memory_space<vmem_shared>>) dst(%arg14 : memref<80x128xf32, #tpu.memory_space<vmem>>)
      tpu.yield
    }) : () -> ()
    "tpu.region"() ({
      %run_scoped3A = tpu.sem_alloc : memref<!tpu.dma_semaphore, #tpu.memory_space<semaphore_mem>>
      %dma_start3A_172 = arith.constant 0 : i32
      %dma_start3A_173 = tpu.memref_slice %arg6[%arg0, %add3A_151, %dma_start3A_172] : memref<2x10240x128xf32, #tpu.memory_space<hbm>> -> memref<1x80x128xf32, #tpu.memory_space<hbm>>
      %dma_start3A_174 = tpu.memref_squeeze %dma_start3A_173 : memref<1x80x128xf32, #tpu.memory_space<hbm>> -> memref<80x128xf32, #tpu.memory_space<hbm>>
      %dma_start3A_175 = arith.constant 0 : i32
      %dma_start3A_176 = tpu.memref_slice %arg6[%arg0, %add3A_151, %dma_start3A_175] : memref<2x10240x128xf32, #tpu.memory_space<hbm>> -> memref<1x80x128xf32, #tpu.memory_space<hbm>>
      %dma_start3A_177 = tpu.memref_squeeze %dma_start3A_176 : memref<1x80x128xf32, #tpu.memory_space<hbm>> -> memref<80x128xf32, #tpu.memory_space<hbm>>
      tpu.enqueue_dma source(%arg14 : memref<80x128xf32, #tpu.memory_space<vmem>>) target(%dma_start3A_177 : memref<80x128xf32, #tpu.memory_space<hbm>>) target_semaphore(%run_scoped3A : memref<!tpu.dma_semaphore, #tpu.memory_space<semaphore_mem>>)
      %dma_wait3A_178 = arith.constant 0 : i32
      %dma_wait3A_179 = tpu.memref_slice %arg6[%arg0, %add3A_151, %dma_wait3A_178] : memref<2x10240x128xf32, #tpu.memory_space<hbm>> -> memref<1x80x128xf32, #tpu.memory_space<hbm>>
      %dma_wait3A_180 = tpu.memref_squeeze %dma_wait3A_179 : memref<1x80x128xf32, #tpu.memory_space<hbm>> -> memref<80x128xf32, #tpu.memory_space<hbm>>
      %dma_wait3A_181 = arith.constant 0 : i32
      %dma_wait3A_182 = tpu.memref_slice %arg6[%arg0, %add3A_151, %dma_wait3A_181] : memref<2x10240x128xf32, #tpu.memory_space<hbm>> -> memref<1x80x128xf32, #tpu.memory_space<hbm>>
      %dma_wait3A_183 = tpu.memref_squeeze %dma_wait3A_182 : memref<1x80x128xf32, #tpu.memory_space<hbm>> -> memref<80x128xf32, #tpu.memory_space<hbm>>
      tpu.wait_dma2 semaphore(%run_scoped3A : memref<!tpu.dma_semaphore, #tpu.memory_space<semaphore_mem>>) src(%arg14 : memref<80x128xf32, #tpu.memory_space<vmem>>) dst(%dma_wait3A_183 : memref<80x128xf32, #tpu.memory_space<hbm>>)
      tpu.yield
    }) : () -> ()
    %mul3A_152 = arith.constant 640 : i32
    %mul3A_153 = arith.muli %arg1, %mul3A_152 : i32
    %add3A_154 = arith.constant 240 : i32
    %add3A_155 = arith.addi %mul3A_153, %add3A_154 : i32
    "tpu.region"() ({
      %run_scoped3A = tpu.sem_alloc : memref<!tpu.dma_semaphore, #tpu.memory_space<semaphore_mem>>
      %dma_start3A_172 = arith.constant 0 : i32
      %dma_start3A_173 = tpu.memref_slice %arg7[%add3A_155, %dma_start3A_172] : memref<10240x128xf32, #tpu.memory_space<vmem_shared>> -> memref<80x128xf32, #tpu.memory_space<vmem_shared>>
      %dma_start3A_174 = arith.constant 0 : i32
      %dma_start3A_175 = tpu.memref_slice %arg7[%add3A_155, %dma_start3A_174] : memref<10240x128xf32, #tpu.memory_space<vmem_shared>> -> memref<80x128xf32, #tpu.memory_space<vmem_shared>>
      tpu.enqueue_dma source(%dma_start3A_175 : memref<80x128xf32, #tpu.memory_space<vmem_shared>>) target(%arg14 : memref<80x128xf32, #tpu.memory_space<vmem>>) target_semaphore(%run_scoped3A : memref<!tpu.dma_semaphore, #tpu.memory_space<semaphore_mem>>)
      %dma_wait3A_176 = arith.constant 0 : i32
      %dma_wait3A_177 = tpu.memref_slice %arg7[%add3A_155, %dma_wait3A_176] : memref<10240x128xf32, #tpu.memory_space<vmem_shared>> -> memref<80x128xf32, #tpu.memory_space<vmem_shared>>
      %dma_wait3A_178 = arith.constant 0 : i32
      %dma_wait3A_179 = tpu.memref_slice %arg7[%add3A_155, %dma_wait3A_178] : memref<10240x128xf32, #tpu.memory_space<vmem_shared>> -> memref<80x128xf32, #tpu.memory_space<vmem_shared>>
      tpu.wait_dma2 semaphore(%run_scoped3A : memref<!tpu.dma_semaphore, #tpu.memory_space<semaphore_mem>>) src(%dma_wait3A_179 : memref<80x128xf32, #tpu.memory_space<vmem_shared>>) dst(%arg14 : memref<80x128xf32, #tpu.memory_space<vmem>>)
      tpu.yield
    }) : () -> ()
    "tpu.region"() ({
      %run_scoped3A = tpu.sem_alloc : memref<!tpu.dma_semaphore, #tpu.memory_space<semaphore_mem>>
      %dma_start3A_172 = arith.constant 0 : i32
      %dma_start3A_173 = tpu.memref_slice %arg6[%arg0, %add3A_155, %dma_start3A_172] : memref<2x10240x128xf32, #tpu.memory_space<hbm>> -> memref<1x80x128xf32, #tpu.memory_space<hbm>>
      %dma_start3A_174 = tpu.memref_squeeze %dma_start3A_173 : memref<1x80x128xf32, #tpu.memory_space<hbm>> -> memref<80x128xf32, #tpu.memory_space<hbm>>
      %dma_start3A_175 = arith.constant 0 : i32
      %dma_start3A_176 = tpu.memref_slice %arg6[%arg0, %add3A_155, %dma_start3A_175] : memref<2x10240x128xf32, #tpu.memory_space<hbm>> -> memref<1x80x128xf32, #tpu.memory_space<hbm>>
      %dma_start3A_177 = tpu.memref_squeeze %dma_start3A_176 : memref<1x80x128xf32, #tpu.memory_space<hbm>> -> memref<80x128xf32, #tpu.memory_space<hbm>>
      tpu.enqueue_dma source(%arg14 : memref<80x128xf32, #tpu.memory_space<vmem>>) target(%dma_start3A_177 : memref<80x128xf32, #tpu.memory_space<hbm>>) target_semaphore(%run_scoped3A : memref<!tpu.dma_semaphore, #tpu.memory_space<semaphore_mem>>)
      %dma_wait3A_178 = arith.constant 0 : i32
      %dma_wait3A_179 = tpu.memref_slice %arg6[%arg0, %add3A_155, %dma_wait3A_178] : memref<2x10240x128xf32, #tpu.memory_space<hbm>> -> memref<1x80x128xf32, #tpu.memory_space<hbm>>
      %dma_wait3A_180 = tpu.memref_squeeze %dma_wait3A_179 : memref<1x80x128xf32, #tpu.memory_space<hbm>> -> memref<80x128xf32, #tpu.memory_space<hbm>>
      %dma_wait3A_181 = arith.constant 0 : i32
      %dma_wait3A_182 = tpu.memref_slice %arg6[%arg0, %add3A_155, %dma_wait3A_181] : memref<2x10240x128xf32, #tpu.memory_space<hbm>> -> memref<1x80x128xf32, #tpu.memory_space<hbm>>
      %dma_wait3A_183 = tpu.memref_squeeze %dma_wait3A_182 : memref<1x80x128xf32, #tpu.memory_space<hbm>> -> memref<80x128xf32, #tpu.memory_space<hbm>>
      tpu.wait_dma2 semaphore(%run_scoped3A : memref<!tpu.dma_semaphore, #tpu.memory_space<semaphore_mem>>) src(%arg14 : memref<80x128xf32, #tpu.memory_space<vmem>>) dst(%dma_wait3A_183 : memref<80x128xf32, #tpu.memory_space<hbm>>)
      tpu.yield
    }) : () -> ()
    %mul3A_156 = arith.constant 640 : i32
    %mul3A_157 = arith.muli %arg1, %mul3A_156 : i32
    %add3A_158 = arith.constant 320 : i32
    %add3A_159 = arith.addi %mul3A_157, %add3A_158 : i32
    "tpu.region"() ({
      %run_scoped3A = tpu.sem_alloc : memref<!tpu.dma_semaphore, #tpu.memory_space<semaphore_mem>>
      %dma_start3A_172 = arith.constant 0 : i32
      %dma_start3A_173 = tpu.memref_slice %arg7[%add3A_159, %dma_start3A_172] : memref<10240x128xf32, #tpu.memory_space<vmem_shared>> -> memref<80x128xf32, #tpu.memory_space<vmem_shared>>
      %dma_start3A_174 = arith.constant 0 : i32
      %dma_start3A_175 = tpu.memref_slice %arg7[%add3A_159, %dma_start3A_174] : memref<10240x128xf32, #tpu.memory_space<vmem_shared>> -> memref<80x128xf32, #tpu.memory_space<vmem_shared>>
      tpu.enqueue_dma source(%dma_start3A_175 : memref<80x128xf32, #tpu.memory_space<vmem_shared>>) target(%arg14 : memref<80x128xf32, #tpu.memory_space<vmem>>) target_semaphore(%run_scoped3A : memref<!tpu.dma_semaphore, #tpu.memory_space<semaphore_mem>>)
      %dma_wait3A_176 = arith.constant 0 : i32
      %dma_wait3A_177 = tpu.memref_slice %arg7[%add3A_159, %dma_wait3A_176] : memref<10240x128xf32, #tpu.memory_space<vmem_shared>> -> memref<80x128xf32, #tpu.memory_space<vmem_shared>>
      %dma_wait3A_178 = arith.constant 0 : i32
      %dma_wait3A_179 = tpu.memref_slice %arg7[%add3A_159, %dma_wait3A_178] : memref<10240x128xf32, #tpu.memory_space<vmem_shared>> -> memref<80x128xf32, #tpu.memory_space<vmem_shared>>
      tpu.wait_dma2 semaphore(%run_scoped3A : memref<!tpu.dma_semaphore, #tpu.memory_space<semaphore_mem>>) src(%dma_wait3A_179 : memref<80x128xf32, #tpu.memory_space<vmem_shared>>) dst(%arg14 : memref<80x128xf32, #tpu.memory_space<vmem>>)
      tpu.yield
    }) : () -> ()
    "tpu.region"() ({
      %run_scoped3A = tpu.sem_alloc : memref<!tpu.dma_semaphore, #tpu.memory_space<semaphore_mem>>
      %dma_start3A_172 = arith.constant 0 : i32
      %dma_start3A_173 = tpu.memref_slice %arg6[%arg0, %add3A_159, %dma_start3A_172] : memref<2x10240x128xf32, #tpu.memory_space<hbm>> -> memref<1x80x128xf32, #tpu.memory_space<hbm>>
      %dma_start3A_174 = tpu.memref_squeeze %dma_start3A_173 : memref<1x80x128xf32, #tpu.memory_space<hbm>> -> memref<80x128xf32, #tpu.memory_space<hbm>>
      %dma_start3A_175 = arith.constant 0 : i32
      %dma_start3A_176 = tpu.memref_slice %arg6[%arg0, %add3A_159, %dma_start3A_175] : memref<2x10240x128xf32, #tpu.memory_space<hbm>> -> memref<1x80x128xf32, #tpu.memory_space<hbm>>
      %dma_start3A_177 = tpu.memref_squeeze %dma_start3A_176 : memref<1x80x128xf32, #tpu.memory_space<hbm>> -> memref<80x128xf32, #tpu.memory_space<hbm>>
      tpu.enqueue_dma source(%arg14 : memref<80x128xf32, #tpu.memory_space<vmem>>) target(%dma_start3A_177 : memref<80x128xf32, #tpu.memory_space<hbm>>) target_semaphore(%run_scoped3A : memref<!tpu.dma_semaphore, #tpu.memory_space<semaphore_mem>>)
      %dma_wait3A_178 = arith.constant 0 : i32
      %dma_wait3A_179 = tpu.memref_slice %arg6[%arg0, %add3A_159, %dma_wait3A_178] : memref<2x10240x128xf32, #tpu.memory_space<hbm>> -> memref<1x80x128xf32, #tpu.memory_space<hbm>>
      %dma_wait3A_180 = tpu.memref_squeeze %dma_wait3A_179 : memref<1x80x128xf32, #tpu.memory_space<hbm>> -> memref<80x128xf32, #tpu.memory_space<hbm>>
      %dma_wait3A_181 = arith.constant 0 : i32
      %dma_wait3A_182 = tpu.memref_slice %arg6[%arg0, %add3A_159, %dma_wait3A_181] : memref<2x10240x128xf32, #tpu.memory_space<hbm>> -> memref<1x80x128xf32, #tpu.memory_space<hbm>>
      %dma_wait3A_183 = tpu.memref_squeeze %dma_wait3A_182 : memref<1x80x128xf32, #tpu.memory_space<hbm>> -> memref<80x128xf32, #tpu.memory_space<hbm>>
      tpu.wait_dma2 semaphore(%run_scoped3A : memref<!tpu.dma_semaphore, #tpu.memory_space<semaphore_mem>>) src(%arg14 : memref<80x128xf32, #tpu.memory_space<vmem>>) dst(%dma_wait3A_183 : memref<80x128xf32, #tpu.memory_space<hbm>>)
      tpu.yield
    }) : () -> ()
    %mul3A_160 = arith.constant 640 : i32
    %mul3A_161 = arith.muli %arg1, %mul3A_160 : i32
    %add3A_162 = arith.constant 400 : i32
    %add3A_163 = arith.addi %mul3A_161, %add3A_162 : i32
    "tpu.region"() ({
      %run_scoped3A = tpu.sem_alloc : memref<!tpu.dma_semaphore, #tpu.memory_space<semaphore_mem>>
      %dma_start3A_172 = arith.constant 0 : i32
      %dma_start3A_173 = tpu.memref_slice %arg7[%add3A_163, %dma_start3A_172] : memref<10240x128xf32, #tpu.memory_space<vmem_shared>> -> memref<80x128xf32, #tpu.memory_space<vmem_shared>>
      %dma_start3A_174 = arith.constant 0 : i32
      %dma_start3A_175 = tpu.memref_slice %arg7[%add3A_163, %dma_start3A_174] : memref<10240x128xf32, #tpu.memory_space<vmem_shared>> -> memref<80x128xf32, #tpu.memory_space<vmem_shared>>
      tpu.enqueue_dma source(%dma_start3A_175 : memref<80x128xf32, #tpu.memory_space<vmem_shared>>) target(%arg14 : memref<80x128xf32, #tpu.memory_space<vmem>>) target_semaphore(%run_scoped3A : memref<!tpu.dma_semaphore, #tpu.memory_space<semaphore_mem>>)
      %dma_wait3A_176 = arith.constant 0 : i32
      %dma_wait3A_177 = tpu.memref_slice %arg7[%add3A_163, %dma_wait3A_176] : memref<10240x128xf32, #tpu.memory_space<vmem_shared>> -> memref<80x128xf32, #tpu.memory_space<vmem_shared>>
      %dma_wait3A_178 = arith.constant 0 : i32
      %dma_wait3A_179 = tpu.memref_slice %arg7[%add3A_163, %dma_wait3A_178] : memref<10240x128xf32, #tpu.memory_space<vmem_shared>> -> memref<80x128xf32, #tpu.memory_space<vmem_shared>>
      tpu.wait_dma2 semaphore(%run_scoped3A : memref<!tpu.dma_semaphore, #tpu.memory_space<semaphore_mem>>) src(%dma_wait3A_179 : memref<80x128xf32, #tpu.memory_space<vmem_shared>>) dst(%arg14 : memref<80x128xf32, #tpu.memory_space<vmem>>)
      tpu.yield
    }) : () -> ()
    "tpu.region"() ({
      %run_scoped3A = tpu.sem_alloc : memref<!tpu.dma_semaphore, #tpu.memory_space<semaphore_mem>>
      %dma_start3A_172 = arith.constant 0 : i32
      %dma_start3A_173 = tpu.memref_slice %arg6[%arg0, %add3A_163, %dma_start3A_172] : memref<2x10240x128xf32, #tpu.memory_space<hbm>> -> memref<1x80x128xf32, #tpu.memory_space<hbm>>
      %dma_start3A_174 = tpu.memref_squeeze %dma_start3A_173 : memref<1x80x128xf32, #tpu.memory_space<hbm>> -> memref<80x128xf32, #tpu.memory_space<hbm>>
      %dma_start3A_175 = arith.constant 0 : i32
      %dma_start3A_176 = tpu.memref_slice %arg6[%arg0, %add3A_163, %dma_start3A_175] : memref<2x10240x128xf32, #tpu.memory_space<hbm>> -> memref<1x80x128xf32, #tpu.memory_space<hbm>>
      %dma_start3A_177 = tpu.memref_squeeze %dma_start3A_176 : memref<1x80x128xf32, #tpu.memory_space<hbm>> -> memref<80x128xf32, #tpu.memory_space<hbm>>
      tpu.enqueue_dma source(%arg14 : memref<80x128xf32, #tpu.memory_space<vmem>>) target(%dma_start3A_177 : memref<80x128xf32, #tpu.memory_space<hbm>>) target_semaphore(%run_scoped3A : memref<!tpu.dma_semaphore, #tpu.memory_space<semaphore_mem>>)
      %dma_wait3A_178 = arith.constant 0 : i32
      %dma_wait3A_179 = tpu.memref_slice %arg6[%arg0, %add3A_163, %dma_wait3A_178] : memref<2x10240x128xf32, #tpu.memory_space<hbm>> -> memref<1x80x128xf32, #tpu.memory_space<hbm>>
      %dma_wait3A_180 = tpu.memref_squeeze %dma_wait3A_179 : memref<1x80x128xf32, #tpu.memory_space<hbm>> -> memref<80x128xf32, #tpu.memory_space<hbm>>
      %dma_wait3A_181 = arith.constant 0 : i32
      %dma_wait3A_182 = tpu.memref_slice %arg6[%arg0, %add3A_163, %dma_wait3A_181] : memref<2x10240x128xf32, #tpu.memory_space<hbm>> -> memref<1x80x128xf32, #tpu.memory_space<hbm>>
      %dma_wait3A_183 = tpu.memref_squeeze %dma_wait3A_182 : memref<1x80x128xf32, #tpu.memory_space<hbm>> -> memref<80x128xf32, #tpu.memory_space<hbm>>
      tpu.wait_dma2 semaphore(%run_scoped3A : memref<!tpu.dma_semaphore, #tpu.memory_space<semaphore_mem>>) src(%arg14 : memref<80x128xf32, #tpu.memory_space<vmem>>) dst(%dma_wait3A_183 : memref<80x128xf32, #tpu.memory_space<hbm>>)
      tpu.yield
    }) : () -> ()
    %mul3A_164 = arith.constant 640 : i32
    %mul3A_165 = arith.muli %arg1, %mul3A_164 : i32
    %add3A_166 = arith.constant 480 : i32
    %add3A_167 = arith.addi %mul3A_165, %add3A_166 : i32
    "tpu.region"() ({
      %run_scoped3A = tpu.sem_alloc : memref<!tpu.dma_semaphore, #tpu.memory_space<semaphore_mem>>
      %dma_start3A_172 = arith.constant 0 : i32
      %dma_start3A_173 = tpu.memref_slice %arg7[%add3A_167, %dma_start3A_172] : memref<10240x128xf32, #tpu.memory_space<vmem_shared>> -> memref<80x128xf32, #tpu.memory_space<vmem_shared>>
      %dma_start3A_174 = arith.constant 0 : i32
      %dma_start3A_175 = tpu.memref_slice %arg7[%add3A_167, %dma_start3A_174] : memref<10240x128xf32, #tpu.memory_space<vmem_shared>> -> memref<80x128xf32, #tpu.memory_space<vmem_shared>>
      tpu.enqueue_dma source(%dma_start3A_175 : memref<80x128xf32, #tpu.memory_space<vmem_shared>>) target(%arg14 : memref<80x128xf32, #tpu.memory_space<vmem>>) target_semaphore(%run_scoped3A : memref<!tpu.dma_semaphore, #tpu.memory_space<semaphore_mem>>)
      %dma_wait3A_176 = arith.constant 0 : i32
      %dma_wait3A_177 = tpu.memref_slice %arg7[%add3A_167, %dma_wait3A_176] : memref<10240x128xf32, #tpu.memory_space<vmem_shared>> -> memref<80x128xf32, #tpu.memory_space<vmem_shared>>
      %dma_wait3A_178 = arith.constant 0 : i32
      %dma_wait3A_179 = tpu.memref_slice %arg7[%add3A_167, %dma_wait3A_178] : memref<10240x128xf32, #tpu.memory_space<vmem_shared>> -> memref<80x128xf32, #tpu.memory_space<vmem_shared>>
      tpu.wait_dma2 semaphore(%run_scoped3A : memref<!tpu.dma_semaphore, #tpu.memory_space<semaphore_mem>>) src(%dma_wait3A_179 : memref<80x128xf32, #tpu.memory_space<vmem_shared>>) dst(%arg14 : memref<80x128xf32, #tpu.memory_space<vmem>>)
      tpu.yield
    }) : () -> ()
    "tpu.region"() ({
      %run_scoped3A = tpu.sem_alloc : memref<!tpu.dma_semaphore, #tpu.memory_space<semaphore_mem>>
      %dma_start3A_172 = arith.constant 0 : i32
      %dma_start3A_173 = tpu.memref_slice %arg6[%arg0, %add3A_167, %dma_start3A_172] : memref<2x10240x128xf32, #tpu.memory_space<hbm>> -> memref<1x80x128xf32, #tpu.memory_space<hbm>>
      %dma_start3A_174 = tpu.memref_squeeze %dma_start3A_173 : memref<1x80x128xf32, #tpu.memory_space<hbm>> -> memref<80x128xf32, #tpu.memory_space<hbm>>
      %dma_start3A_175 = arith.constant 0 : i32
      %dma_start3A_176 = tpu.memref_slice %arg6[%arg0, %add3A_167, %dma_start3A_175] : memref<2x10240x128xf32, #tpu.memory_space<hbm>> -> memref<1x80x128xf32, #tpu.memory_space<hbm>>
      %dma_start3A_177 = tpu.memref_squeeze %dma_start3A_176 : memref<1x80x128xf32, #tpu.memory_space<hbm>> -> memref<80x128xf32, #tpu.memory_space<hbm>>
      tpu.enqueue_dma source(%arg14 : memref<80x128xf32, #tpu.memory_space<vmem>>) target(%dma_start3A_177 : memref<80x128xf32, #tpu.memory_space<hbm>>) target_semaphore(%run_scoped3A : memref<!tpu.dma_semaphore, #tpu.memory_space<semaphore_mem>>)
      %dma_wait3A_178 = arith.constant 0 : i32
      %dma_wait3A_179 = tpu.memref_slice %arg6[%arg0, %add3A_167, %dma_wait3A_178] : memref<2x10240x128xf32, #tpu.memory_space<hbm>> -> memref<1x80x128xf32, #tpu.memory_space<hbm>>
      %dma_wait3A_180 = tpu.memref_squeeze %dma_wait3A_179 : memref<1x80x128xf32, #tpu.memory_space<hbm>> -> memref<80x128xf32, #tpu.memory_space<hbm>>
      %dma_wait3A_181 = arith.constant 0 : i32
      %dma_wait3A_182 = tpu.memref_slice %arg6[%arg0, %add3A_167, %dma_wait3A_181] : memref<2x10240x128xf32, #tpu.memory_space<hbm>> -> memref<1x80x128xf32, #tpu.memory_space<hbm>>
      %dma_wait3A_183 = tpu.memref_squeeze %dma_wait3A_182 : memref<1x80x128xf32, #tpu.memory_space<hbm>> -> memref<80x128xf32, #tpu.memory_space<hbm>>
      tpu.wait_dma2 semaphore(%run_scoped3A : memref<!tpu.dma_semaphore, #tpu.memory_space<semaphore_mem>>) src(%arg14 : memref<80x128xf32, #tpu.memory_space<vmem>>) dst(%dma_wait3A_183 : memref<80x128xf32, #tpu.memory_space<hbm>>)
      tpu.yield
    }) : () -> ()
    %mul3A_168 = arith.constant 640 : i32
    %mul3A_169 = arith.muli %arg1, %mul3A_168 : i32
    %add3A_170 = arith.constant 560 : i32
    %add3A_171 = arith.addi %mul3A_169, %add3A_170 : i32
    "tpu.region"() ({
      %run_scoped3A = tpu.sem_alloc : memref<!tpu.dma_semaphore, #tpu.memory_space<semaphore_mem>>
      %dma_start3A_172 = arith.constant 0 : i32
      %dma_start3A_173 = tpu.memref_slice %arg7[%add3A_171, %dma_start3A_172] : memref<10240x128xf32, #tpu.memory_space<vmem_shared>> -> memref<80x128xf32, #tpu.memory_space<vmem_shared>>
      %dma_start3A_174 = arith.constant 0 : i32
      %dma_start3A_175 = tpu.memref_slice %arg7[%add3A_171, %dma_start3A_174] : memref<10240x128xf32, #tpu.memory_space<vmem_shared>> -> memref<80x128xf32, #tpu.memory_space<vmem_shared>>
      tpu.enqueue_dma source(%dma_start3A_175 : memref<80x128xf32, #tpu.memory_space<vmem_shared>>) target(%arg14 : memref<80x128xf32, #tpu.memory_space<vmem>>) target_semaphore(%run_scoped3A : memref<!tpu.dma_semaphore, #tpu.memory_space<semaphore_mem>>)
      %dma_wait3A_176 = arith.constant 0 : i32
      %dma_wait3A_177 = tpu.memref_slice %arg7[%add3A_171, %dma_wait3A_176] : memref<10240x128xf32, #tpu.memory_space<vmem_shared>> -> memref<80x128xf32, #tpu.memory_space<vmem_shared>>
      %dma_wait3A_178 = arith.constant 0 : i32
      %dma_wait3A_179 = tpu.memref_slice %arg7[%add3A_171, %dma_wait3A_178] : memref<10240x128xf32, #tpu.memory_space<vmem_shared>> -> memref<80x128xf32, #tpu.memory_space<vmem_shared>>
      tpu.wait_dma2 semaphore(%run_scoped3A : memref<!tpu.dma_semaphore, #tpu.memory_space<semaphore_mem>>) src(%dma_wait3A_179 : memref<80x128xf32, #tpu.memory_space<vmem_shared>>) dst(%arg14 : memref<80x128xf32, #tpu.memory_space<vmem>>)
      tpu.yield
    }) : () -> ()
    "tpu.region"() ({
      %run_scoped3A = tpu.sem_alloc : memref<!tpu.dma_semaphore, #tpu.memory_space<semaphore_mem>>
      %dma_start3A_172 = arith.constant 0 : i32
      %dma_start3A_173 = tpu.memref_slice %arg6[%arg0, %add3A_171, %dma_start3A_172] : memref<2x10240x128xf32, #tpu.memory_space<hbm>> -> memref<1x80x128xf32, #tpu.memory_space<hbm>>
      %dma_start3A_174 = tpu.memref_squeeze %dma_start3A_173 : memref<1x80x128xf32, #tpu.memory_space<hbm>> -> memref<80x128xf32, #tpu.memory_space<hbm>>
      %dma_start3A_175 = arith.constant 0 : i32
      %dma_start3A_176 = tpu.memref_slice %arg6[%arg0, %add3A_171, %dma_start3A_175] : memref<2x10240x128xf32, #tpu.memory_space<hbm>> -> memref<1x80x128xf32, #tpu.memory_space<hbm>>
      %dma_start3A_177 = tpu.memref_squeeze %dma_start3A_176 : memref<1x80x128xf32, #tpu.memory_space<hbm>> -> memref<80x128xf32, #tpu.memory_space<hbm>>
      tpu.enqueue_dma source(%arg14 : memref<80x128xf32, #tpu.memory_space<vmem>>) target(%dma_start3A_177 : memref<80x128xf32, #tpu.memory_space<hbm>>) target_semaphore(%run_scoped3A : memref<!tpu.dma_semaphore, #tpu.memory_space<semaphore_mem>>)
      %dma_wait3A_178 = arith.constant 0 : i32
      %dma_wait3A_179 = tpu.memref_slice %arg6[%arg0, %add3A_171, %dma_wait3A_178] : memref<2x10240x128xf32, #tpu.memory_space<hbm>> -> memref<1x80x128xf32, #tpu.memory_space<hbm>>
      %dma_wait3A_180 = tpu.memref_squeeze %dma_wait3A_179 : memref<1x80x128xf32, #tpu.memory_space<hbm>> -> memref<80x128xf32, #tpu.memory_space<hbm>>
      %dma_wait3A_181 = arith.constant 0 : i32
      %dma_wait3A_182 = tpu.memref_slice %arg6[%arg0, %add3A_171, %dma_wait3A_181] : memref<2x10240x128xf32, #tpu.memory_space<hbm>> -> memref<1x80x128xf32, #tpu.memory_space<hbm>>
      %dma_wait3A_183 = tpu.memref_squeeze %dma_wait3A_182 : memref<1x80x128xf32, #tpu.memory_space<hbm>> -> memref<80x128xf32, #tpu.memory_space<hbm>>
      tpu.wait_dma2 semaphore(%run_scoped3A : memref<!tpu.dma_semaphore, #tpu.memory_space<semaphore_mem>>) src(%arg14 : memref<80x128xf32, #tpu.memory_space<vmem>>) dst(%dma_wait3A_183 : memref<80x128xf32, #tpu.memory_space<hbm>>)
      tpu.yield
    }) : () -> ()
    return
  }
}

module attributes {stable_mosaic.version = 14 : i64} {
  func.func @body(%arg0: i32, %arg1: memref<2560x128xf32, #tpu.memory_space<vmem>>, %arg2: memref<128x128xf32, #tpu.memory_space<vmem>>, %arg3: memref<1x128xf32, #tpu.memory_space<vmem>>, %arg4: memref<2560x128xf32, #tpu.memory_space<vmem>>) attributes {dimension_semantics = [#tpu.dimension_semantics<arbitrary>], iteration_bounds = array<i64: 125>, scalar_prefetch = 0 : i64, scratch_operands = 0 : i64, tpu.core_type = #tpu.core_type<tc>, window_params = [{transform_indices = @transform_0, window_bounds = array<i64: 2560, 128>}, {pipeline_mode = #tpu.pipeline_mode<synchronous>, transform_indices = @transform_1, window_bounds = array<i64: 128, 128>}, {pipeline_mode = #tpu.pipeline_mode<synchronous>, transform_indices = @transform_2, window_bounds = array<i64: 1, 128>}, {transform_indices = @transform_3, window_bounds = array<i64: 2560, 128>}]} {
    %get3A = arith.constant 0 : index
    %get3A_0 = arith.constant 0 : index
    %get3A_1 = vector.load %arg1[%get3A, %get3A_0] : memref<2560x128xf32, #tpu.memory_space<vmem>>, vector<2560x128xf32>
    %get3A_2 = arith.constant 0 : index
    %get3A_3 = arith.constant 0 : index
    %get3A_4 = vector.load %arg2[%get3A_2, %get3A_3] : memref<128x128xf32, #tpu.memory_space<vmem>>, vector<128x128xf32>
    %dot_general3A = arith.constant dense<0.000000e+00> : vector<2560x128xf32>
    %dot_general3A_5 = tpu.matmul %get3A_1, %get3A_4, %dot_general3A {dimension_numbers = #tpu.dot_dimension_numbers<[1], [0], [0], [1], [0, 0, 1, 1], [], []>, transpose_lhs_hint = false} : vector<2560x128xf32>, vector<128x128xf32>, vector<2560x128xf32> -> vector<2560x128xf32>
    %get3A_6 = arith.constant 0 : index
    %get3A_7 = arith.constant 0 : index
    %get3A_8 = vector.load %arg3[%get3A_6, %get3A_7] : memref<1x128xf32, #tpu.memory_space<vmem>>, vector<1x128xf32>
    %add3A = vector.broadcast %get3A_8 : vector<1x128xf32> to vector<2560x128xf32>
    %add3A_9 = arith.addf %dot_general3A_5, %add3A : vector<2560x128xf32>
    %swap3A = arith.constant 0 : index
    %swap3A_10 = arith.constant 0 : index
    %swap3A_11 = vector.load %arg4[%swap3A, %swap3A_10] : memref<2560x128xf32, #tpu.memory_space<vmem>>, vector<2560x128xf32>
    tpu.vector_store %arg4[%swap3A, %swap3A_10], %add3A_9 {strides = array<i32>} : memref<2560x128xf32, #tpu.memory_space<vmem>>, vector<2560x128xf32>,
    return
  }
  func.func @transform_0(%arg0: i32) -> (i32, i32) {
    %c0_i32 = arith.constant 0 : i32
    %c0_i32_0 = arith.constant 0 : i32
    return %arg0, %c0_i32 : i32, i32
  }
  func.func @transform_1(%arg0: i32) -> (i32, i32) {
    %c0_i32 = arith.constant 0 : i32
    %c0_i32_0 = arith.constant 0 : i32
    %c0_i32_1 = arith.constant 0 : i32
    return %c0_i32, %c0_i32_0 : i32, i32
  }
  func.func @transform_2(%arg0: i32) -> (i32, i32) {
    %c0_i32 = arith.constant 0 : i32
    %c0_i32_0 = arith.constant 0 : i32
    %c0_i32_1 = arith.constant 0 : i32
    return %c0_i32, %c0_i32_0 : i32, i32
  }
  func.func @transform_3(%arg0: i32) -> (i32, i32) {
    %c0_i32 = arith.constant 0 : i32
    %c0_i32_0 = arith.constant 0 : i32
    return %arg0, %c0_i32 : i32, i32
  }
}

module attributes {stable_mosaic.version = 14 : i64} {
  func.func @body(%arg0: i32, %arg1: memref<2000x128xf32, #tpu.memory_space<vmem>>, %arg2: memref<128x128xf32, #tpu.memory_space<vmem>>, %arg3: memref<1x128xf32, #tpu.memory_space<vmem>>, %arg4: memref<2000x128xf32, #tpu.memory_space<vmem>>) attributes {dimension_semantics = [#tpu.dimension_semantics<arbitrary>], iteration_bounds = array<i64: 5>, scalar_prefetch = 0 : i64, scratch_operands = 0 : i64, tpu.core_type = #tpu.core_type<tc>, window_params = [{transform_indices = @transform_0, window_bounds = array<i64: 2000, 128>}, {pipeline_mode = #tpu.pipeline_mode<synchronous>, transform_indices = @transform_1, window_bounds = array<i64: 128, 128>}, {pipeline_mode = #tpu.pipeline_mode<synchronous>, transform_indices = @transform_2, window_bounds = array<i64: 1, 128>}, {transform_indices = @transform_3, window_bounds = array<i64: 2000, 128>}]} {
    %get3A = arith.constant 0 : index
    %get3A_0 = arith.constant 0 : index
    %get3A_1 = vector.load %arg1[%get3A, %get3A_0] : memref<2000x128xf32, #tpu.memory_space<vmem>>, vector<2000x128xf32>
    %get3A_2 = arith.constant 0 : index
    %get3A_3 = arith.constant 0 : index
    %get3A_4 = vector.load %arg2[%get3A_2, %get3A_3] : memref<128x128xf32, #tpu.memory_space<vmem>>, vector<128x128xf32>
    %dot_general3A = arith.constant dense<0.000000e+00> : vector<2000x128xf32>
    %dot_general3A_5 = tpu.matmul %get3A_1, %get3A_4, %dot_general3A {dimension_numbers = #tpu.dot_dimension_numbers<[1], [0], [0], [1], [0, 0, 1, 1], [], []>, transpose_lhs_hint = false} : vector<2000x128xf32>, vector<128x128xf32>, vector<2000x128xf32> -> vector<2000x128xf32>
    %get3A_6 = arith.constant 0 : index
    %get3A_7 = arith.constant 0 : index
    %get3A_8 = vector.load %arg3[%get3A_6, %get3A_7] : memref<1x128xf32, #tpu.memory_space<vmem>>, vector<1x128xf32>
    %add3A = vector.broadcast %get3A_8 : vector<1x128xf32> to vector<2000x128xf32>
    %add3A_9 = arith.addf %dot_general3A_5, %add3A : vector<2000x128xf32>
    %swap3A = arith.constant 0 : index
    %swap3A_10 = arith.constant 0 : index
    %swap3A_11 = vector.load %arg4[%swap3A, %swap3A_10] : memref<2000x128xf32, #tpu.memory_space<vmem>>, vector<2000x128xf32>
    tpu.vector_store %arg4[%swap3A, %swap3A_10], %add3A_9 {strides = array<i32>} : memref<2000x128xf32, #tpu.memory_space<vmem>>, vector<2000x128xf32>,
    return
  }
  func.func @transform_0(%arg0: i32) -> (i32, i32) {
    %c0_i32 = arith.constant 0 : i32
    %c0_i32_0 = arith.constant 0 : i32
    return %arg0, %c0_i32 : i32, i32
  }
  func.func @transform_1(%arg0: i32) -> (i32, i32) {
    %c0_i32 = arith.constant 0 : i32
    %c0_i32_0 = arith.constant 0 : i32
    %c0_i32_1 = arith.constant 0 : i32
    return %c0_i32, %c0_i32_0 : i32, i32
  }
  func.func @transform_2(%arg0: i32) -> (i32, i32) {
    %c0_i32 = arith.constant 0 : i32
    %c0_i32_0 = arith.constant 0 : i32
    %c0_i32_1 = arith.constant 0 : i32
    return %c0_i32, %c0_i32_0 : i32, i32
  }
  func.func @transform_3(%arg0: i32) -> (i32, i32) {
    %c0_i32 = arith.constant 0 : i32
    %c0_i32_0 = arith.constant 0 : i32
    return %arg0, %c0_i32 : i32, i32
  }
}

module attributes {stable_mosaic.version = 14 : i64} {
  func.func @body(%arg0: i32, %arg1: memref<2x1024xf32, #tpu.memory_space<vmem>>, %arg2: memref<1024x1xf32, #tpu.memory_space<vmem>>) attributes {dimension_semantics = [#tpu.dimension_semantics<arbitrary>], iteration_bounds = array<i64: 10>, scalar_prefetch = 0 : i64, scratch_operands = 0 : i64, tpu.core_type = #tpu.core_type<tc>, window_params = [{transform_indices = @transform_0, window_bounds = array<i64: 2, 1024>}, {transform_indices = @transform_1, window_bounds = array<i64: 1024, 1>}]} {
    %get3A = arith.constant 0 : index
    %get3A_0 = arith.constant 0 : index
    %get3A_1 = vector.load %arg1[%get3A, %get3A_0] : memref<2x1024xf32, #tpu.memory_space<vmem>>, vector<2x1024xf32>
    %reduce_sum3A = arith.constant dense<0.000000e+00> : vector<1024xf32>
    %reduce_sum3A_2 = vector.multi_reduction <add>, %get3A_1, %reduce_sum3A [0] : vector<2x1024xf32> to vector<1024xf32>
    %broadcast_in_dim3A = vector.shape_cast %reduce_sum3A_2 : vector<1024xf32> to vector<1024x1xf32>
    %swap3A = arith.constant 0 : index
    %swap3A_3 = arith.constant 0 : index
    %swap3A_4 = vector.load %arg2[%swap3A, %swap3A_3] : memref<1024x1xf32, #tpu.memory_space<vmem>>, vector<1024x1xf32>
    tpu.vector_store %arg2[%swap3A, %swap3A_3], %broadcast_in_dim3A {strides = array<i32>} : memref<1024x1xf32, #tpu.memory_space<vmem>>, vector<1024x1xf32>,
    return
  }
  func.func @transform_0(%arg0: i32) -> (i32, i32) {
    %c0_i32 = arith.constant 0 : i32
    %c0_i32_0 = arith.constant 0 : i32
    return %c0_i32, %arg0 : i32, i32
  }
  func.func @transform_1(%arg0: i32) -> (i32, i32) {
    %c0_i32 = arith.constant 0 : i32
    %c0_i32_0 = arith.constant 0 : i32
    return %arg0, %c0_i32 : i32, i32
  }
}

module attributes {stable_mosaic.version = 14 : i64} {
  func.func @body(%arg0: i32, %arg1: memref<2x2000x128xf32, #tpu.memory_space<vmem>>, %arg2: memref<2000x1xf32, #tpu.memory_space<vmem>>, %arg3: memref<2000x128xf32, #tpu.memory_space<vmem>>, %arg4: memref<128x128xf32, #tpu.memory_space<vmem>>, %arg5: memref<1x128xf32, #tpu.memory_space<vmem>>, %arg6: memref<128x128xf32, #tpu.memory_space<vmem>>, %arg7: memref<1x128xf32, #tpu.memory_space<vmem>>, %arg8: memref<128x128xf32, #tpu.memory_space<vmem>>, %arg9: memref<1x128xf32, #tpu.memory_space<vmem>>, %arg10: memref<2000x128xf32, #tpu.memory_space<vmem>>) attributes {dimension_semantics = [#tpu.dimension_semantics<arbitrary>], iteration_bounds = array<i64: 5>, scalar_prefetch = 0 : i64, scratch_operands = 0 : i64, tpu.core_type = #tpu.core_type<tc>, window_params = [{transform_indices = @transform_0, window_bounds = array<i64: 2, 2000, 128>}, {transform_indices = @transform_1, window_bounds = array<i64: 2000, 1>}, {transform_indices = @transform_2, window_bounds = array<i64: 2000, 128>}, {pipeline_mode = #tpu.pipeline_mode<synchronous>, transform_indices = @transform_3, window_bounds = array<i64: 128, 128>}, {pipeline_mode = #tpu.pipeline_mode<synchronous>, transform_indices = @transform_4, window_bounds = array<i64: 1, 128>}, {pipeline_mode = #tpu.pipeline_mode<synchronous>, transform_indices = @transform_5, window_bounds = array<i64: 128, 128>}, {pipeline_mode = #tpu.pipeline_mode<synchronous>, transform_indices = @transform_6, window_bounds = array<i64: 1, 128>}, {pipeline_mode = #tpu.pipeline_mode<synchronous>, transform_indices = @transform_7, window_bounds = array<i64: 128, 128>}, {pipeline_mode = #tpu.pipeline_mode<synchronous>, transform_indices = @transform_8, window_bounds = array<i64: 1, 128>}, {transform_indices = @transform_9, window_bounds = array<i64: 2000, 128>}]} {
    %get3A = arith.constant 0 : index
    %get3A_0 = arith.constant 0 : index
    %get3A_1 = arith.constant 0 : index
    %get3A_2 = vector.load %arg1[%get3A, %get3A_0, %get3A_1] : memref<2x2000x128xf32, #tpu.memory_space<vmem>>, vector<1x2000x128xf32>
    %get3A_3 = vector.shape_cast %get3A_2 : vector<1x2000x128xf32> to vector<2000x128xf32>
    %get3A_4 = arith.constant 1 : index
    %get3A_5 = arith.constant 0 : index
    %get3A_6 = arith.constant 0 : index
    %get3A_7 = vector.load %arg1[%get3A_4, %get3A_5, %get3A_6] : memref<2x2000x128xf32, #tpu.memory_space<vmem>>, vector<1x2000x128xf32>
    %get3A_8 = vector.shape_cast %get3A_7 : vector<1x2000x128xf32> to vector<2000x128xf32>
    %add3A = arith.addf %get3A_3, %get3A_8 : vector<2000x128xf32>
    %get3A_9 = arith.constant 0 : index
    %get3A_10 = arith.constant 0 : index
    %get3A_11 = vector.load %arg4[%get3A_9, %get3A_10] : memref<128x128xf32, #tpu.memory_space<vmem>>, vector<128x128xf32>
    %dot_general3A = arith.constant dense<0.000000e+00> : vector<2000x128xf32>
    %dot_general3A_12 = tpu.matmul %add3A, %get3A_11, %dot_general3A {dimension_numbers = #tpu.dot_dimension_numbers<[1], [0], [0], [1], [0, 0, 1, 1], [], []>, transpose_lhs_hint = false} : vector<2000x128xf32>, vector<128x128xf32>, vector<2000x128xf32> -> vector<2000x128xf32>
    %get3A_13 = arith.constant 0 : index
    %get3A_14 = arith.constant 0 : index
    %get3A_15 = vector.load %arg2[%get3A_13, %get3A_14] : memref<2000x1xf32, #tpu.memory_space<vmem>>, vector<2000x1xf32>
    %get3A_16 = arith.constant 0 : index
    %get3A_17 = arith.constant 0 : index
    %get3A_18 = vector.load %arg5[%get3A_16, %get3A_17] : memref<1x128xf32, #tpu.memory_space<vmem>>, vector<1x128xf32>
    %mul3A = vector.broadcast %get3A_15 : vector<2000x1xf32> to vector<2000x128xf32>
    %mul3A_19 = vector.broadcast %get3A_18 : vector<1x128xf32> to vector<2000x128xf32>
    %mul3A_20 = arith.mulf %mul3A, %mul3A_19 : vector<2000x128xf32>
    %add3A_21 = arith.addf %dot_general3A_12, %mul3A_20 : vector<2000x128xf32>
    %get3A_22 = arith.constant 0 : index
    %get3A_23 = arith.constant 0 : index
    %get3A_24 = vector.load %arg3[%get3A_22, %get3A_23] : memref<2000x128xf32, #tpu.memory_space<vmem>>, vector<2000x128xf32>
    %add3A_25 = arith.addf %add3A_21, %get3A_24 : vector<2000x128xf32>
    %get3A_26 = arith.constant 0 : index
    %get3A_27 = arith.constant 0 : index
    %get3A_28 = vector.load %arg6[%get3A_26, %get3A_27] : memref<128x128xf32, #tpu.memory_space<vmem>>, vector<128x128xf32>
    %dot_general3A_29 = arith.constant dense<0.000000e+00> : vector<2000x128xf32>
    %dot_general3A_30 = tpu.matmul %add3A_25, %get3A_28, %dot_general3A_29 {dimension_numbers = #tpu.dot_dimension_numbers<[1], [0], [0], [1], [0, 0, 1, 1], [], []>, transpose_lhs_hint = false} : vector<2000x128xf32>, vector<128x128xf32>, vector<2000x128xf32> -> vector<2000x128xf32>
    %get3A_31 = arith.constant 0 : index
    %get3A_32 = arith.constant 0 : index
    %get3A_33 = vector.load %arg7[%get3A_31, %get3A_32] : memref<1x128xf32, #tpu.memory_space<vmem>>, vector<1x128xf32>
    %add3A_34 = vector.broadcast %get3A_33 : vector<1x128xf32> to vector<2000x128xf32>
    %add3A_35 = arith.addf %dot_general3A_30, %add3A_34 : vector<2000x128xf32>
    %max3A = arith.constant 0.000000e+00 : f32
    %max3A_36 = vector.broadcast %max3A : f32 to vector<2000x128xf32>
    %max3A_37 = arith.maximumf %add3A_35, %max3A_36 : vector<2000x128xf32>
    %get3A_38 = arith.constant 0 : index
    %get3A_39 = arith.constant 0 : index
    %get3A_40 = vector.load %arg8[%get3A_38, %get3A_39] : memref<128x128xf32, #tpu.memory_space<vmem>>, vector<128x128xf32>
    %dot_general3A_41 = arith.constant dense<0.000000e+00> : vector<2000x128xf32>
    %dot_general3A_42 = tpu.matmul %max3A_37, %get3A_40, %dot_general3A_41 {dimension_numbers = #tpu.dot_dimension_numbers<[1], [0], [0], [1], [0, 0, 1, 1], [], []>, transpose_lhs_hint = false} : vector<2000x128xf32>, vector<128x128xf32>, vector<2000x128xf32> -> vector<2000x128xf32>
    %get3A_43 = arith.constant 0 : index
    %get3A_44 = arith.constant 0 : index
    %get3A_45 = vector.load %arg9[%get3A_43, %get3A_44] : memref<1x128xf32, #tpu.memory_space<vmem>>, vector<1x128xf32>
    %add3A_46 = vector.broadcast %get3A_45 : vector<1x128xf32> to vector<2000x128xf32>
    %add3A_47 = arith.addf %dot_general3A_42, %add3A_46 : vector<2000x128xf32>
    %swap3A = arith.constant 0 : index
    %swap3A_48 = arith.constant 0 : index
    %swap3A_49 = vector.load %arg10[%swap3A, %swap3A_48] : memref<2000x128xf32, #tpu.memory_space<vmem>>, vector<2000x128xf32>
    tpu.vector_store %arg10[%swap3A, %swap3A_48], %add3A_47 {strides = array<i32>} : memref<2000x128xf32, #tpu.memory_space<vmem>>, vector<2000x128xf32>,
    return
  }
  func.func @transform_0(%arg0: i32) -> (i32, i32, i32) {
    %c0_i32 = arith.constant 0 : i32
    %c0_i32_0 = arith.constant 0 : i32
    %c0_i32_1 = arith.constant 0 : i32
    return %c0_i32, %arg0, %c0_i32_0 : i32, i32, i32
  }
  func.func @transform_1(%arg0: i32) -> (i32, i32) {
    %c0_i32 = arith.constant 0 : i32
    %c0_i32_0 = arith.constant 0 : i32
    return %arg0, %c0_i32 : i32, i32
  }
  func.func @transform_2(%arg0: i32) -> (i32, i32) {
    %c0_i32 = arith.constant 0 : i32
    %c0_i32_0 = arith.constant 0 : i32
    return %arg0, %c0_i32 : i32, i32
  }
  func.func @transform_3(%arg0: i32) -> (i32, i32) {
    %c0_i32 = arith.constant 0 : i32
    %c0_i32_0 = arith.constant 0 : i32
    %c0_i32_1 = arith.constant 0 : i32
    return %c0_i32, %c0_i32_0 : i32, i32
  }
  func.func @transform_4(%arg0: i32) -> (i32, i32) {
    %c0_i32 = arith.constant 0 : i32
    %c0_i32_0 = arith.constant 0 : i32
    %c0_i32_1 = arith.constant 0 : i32
    return %c0_i32, %c0_i32_0 : i32, i32
  }
  func.func @transform_5(%arg0: i32) -> (i32, i32) {
    %c0_i32 = arith.constant 0 : i32
    %c0_i32_0 = arith.constant 0 : i32
    %c0_i32_1 = arith.constant 0 : i32
    return %c0_i32, %c0_i32_0 : i32, i32
  }
  func.func @transform_6(%arg0: i32) -> (i32, i32) {
    %c0_i32 = arith.constant 0 : i32
    %c0_i32_0 = arith.constant 0 : i32
    %c0_i32_1 = arith.constant 0 : i32
    return %c0_i32, %c0_i32_0 : i32, i32
  }
  func.func @transform_7(%arg0: i32) -> (i32, i32) {
    %c0_i32 = arith.constant 0 : i32
    %c0_i32_0 = arith.constant 0 : i32
    %c0_i32_1 = arith.constant 0 : i32
    return %c0_i32, %c0_i32_0 : i32, i32
  }
  func.func @transform_8(%arg0: i32) -> (i32, i32) {
    %c0_i32 = arith.constant 0 : i32
    %c0_i32_0 = arith.constant 0 : i32
    %c0_i32_1 = arith.constant 0 : i32
    return %c0_i32, %c0_i32_0 : i32, i32
  }
  func.func @transform_9(%arg0: i32) -> (i32, i32) {
    %c0_i32 = arith.constant 0 : i32
    %c0_i32_0 = arith.constant 0 : i32
    return %arg0, %c0_i32 : i32, i32
  }
}

</mosaic_0001>

<sc_bundles>
// kernel: kernel.11.cloned.1.call-start
scs
__scs_entry_jumppad:
0x0: {  	(pc) =	sbr.rel $0x88, $3  }
0x1: {  	(tag) =	ssettag $0x0;
	lr =	simm.s32 $0x1  }
0x2: {  	[smem:$0x3F96] =	sst lr;
	_ =	strace $0xD0000000  }
0x3: {  	_ = 	snop  }
0x4: {  	_ = 	snop  }
0x5: {  	_ = 	snop  }
0x6: {  	_ = 	snop  }
0x7: {  	_ = 	snop  }
__scs_overlays_trampoline_lowered:
0x8: {  	[smem:$0x3FA5] =	sst s0  }
0x9: {  	[smem:$0x3FA6] =	sst s1  }
0xa: {  	[smem:$0x3FA7] =	sst s2  }
0xb: {  	[smem:$0x3FA8] =	sst s3  }
0xc: {  	[smem:$0x3FA9] =	sst s4  }
0xd: {  	[smem:$0x3FAA] =	sst s5  }
0xe: {  	[smem:$0x3FAB] =	sst s6  }
0xf: {  	[smem:$0x3FAC] =	sst s7  }
0x10: {  	[smem:$0x3FAD] =	sst s8  }
0x11: {  	[smem:$0x3FAE] =	sst s9;
	s0 =	simm.s32 @!p0 $0x0  }
0x12: {  	s1 =	sld [smem:$0x3F94];
	s0 =	simm.s32 @p0 $0x1  }
0x13: {  	[smem:$0x3FAF] =	sst s0;
	s0 =	simm.s32 @!p1 $0x0  }
0x14: {  	s2 =	sld [smem:$0x3F93];
	s0 =	simm.s32 @p1 $0x1  }
0x15: {  	[smem:$0x3FB0] =	sst s0;
	s0 =	simm.s32 @!p2 $0x0  }
0x16: {  	s3 =	sld [smem:$0x3FDB];
	s0 =	simm.s32 @p2 $0x1  }
0x17: {  	s4 =	simm.s32 $0x1BF5;
	[smem:$0x3FB2] =	sst s0  }
0x18: {  	s0 =	sld [smem:$0x3F95];
	_ =	swait.ge [sflag:s4], $0x0  }
0x19: {  	s7 =	sld [smem:$0x3F96]  }
0x1a: {  	s8 =	sadd.s32 $0xFFFFE003, lr  }
0x1b: {  	s9 =	sadd.s32 $0xFFFFFEF7, lr;
	s5 =	simm.s32 $0xFFFFFFFF;
	p2 =	slt.u32 s8, $0xFFFFF086  }
0x1c: {  	p1 =	slt.u32 s9, $0xF7A;
	s5 =	simm.s32 @!p2 $0x0  }
0x1d: {  	s5 =	simm.s32 @p1 $0x1;
	p0 =	seq.s32 s7, s2  }
0x1e: {  	s7 =	smul.u32 @!p0 $0xF7A, s2;
	p2 =	seq.s32 @!p0 s5, $0x0  }
0x1f: {  	s9 =	smul.u32 $0xF7A, s1;
	s8 =	simm.s32 @!p0 $0x1BF5;
	p2 =	por !p2, p0  }
0x20: {  	[sflag:s8] =	ssyncset.s32 @!p0 $0xFFFFF086;
	s6 =	sadd.s32 @!p0 s3, s7;
	s7 =	simm.s32 @!p0 $0x108  }
0x21: {  	s3 =	sadd.s32 s3, s9;
	s6 =	sadd.s32 @!p0 $0x88, s6;
	s7 =	simm.s32 @p2 $0x1082  }
0x22: {  	[simem:s7], [sflag:s8] =	dma.local @!p0 [hbm:s6], $0xF7A  }
0x23: {  	s9 =	sor.u32 $0xD0000000, s2;
	s6 =	simm.s32 $0x108;
	_ =	swait.ge @!p0 [sflag:s8], $0x0  }
0x24: {  	s3 =	sadd.s32 $0x88, s3;
	s6 =	simm.s32 @!p1 $0x1082;
	[sflag:s4] =	ssyncset.s32 $0xFFFFF086  }
0x25: {  	[simem:s6], [sflag:s4] =	dma.local [hbm:s3], $0xF7A  }
0x26: {  	[smem:$0x3F96] =	sst s1;
	(tag) =	ssettag s2;
	_ =	strace s9  }
0x27: {  	s1 =	sld [smem:$0x3FA6]  }
0x28: {  	s2 =	sld [smem:$0x3FA7]  }
0x29: {  	s4 =	sld [smem:$0x3FA9]  }
0x2a: {  	p0 =	seq.s32 s5, $0x0;
	s5 =	sld [smem:$0x3FAA]  }
0x2b: {  	s6 =	sld [smem:$0x3FAB]  }
0x2c: {  	s7 =	sld [smem:$0x3FAC]  }
0x2d: {  	s3 =	simm.s32 $0x108;
	s8 =	sld [smem:$0x3FAD]  }
0x2e: {  	s3 =	simm.s32 @!p0 $0x1082;
	s9 =	sld [smem:$0x3FAE]  }
0x2f: {  	lr =	sadd.s32 s0, s3;
	s0 =	sld [smem:$0x3FA5]  }
0x30: {  	s3 =	sld [smem:$0x3FA8]  }
0x31: {  	[smem:$0x3FB1] =	sst s10  }
0x32: {  	s10 =	sld [smem:$0x3FAF];
	_ =	sdelay $0x3  }
0x33: {  	p0 =	seq.s32 s10, $0x1;
	s10 =	sld [smem:$0x3FB1];
	_ =	sdelay $0x3  }
0x34: {  	[smem:$0x3FB1] =	sst s10  }
0x35: {  	s10 =	sld [smem:$0x3FB0];
	_ =	sdelay $0x3  }
0x36: {  	p1 =	seq.s32 s10, $0x1;
	s10 =	sld [smem:$0x3FB1];
	_ =	sdelay $0x3  }
0x37: {  	[smem:$0x3FB1] =	sst s10  }
0x38: {  	s10 =	sld [smem:$0x3FB2]  }
0x39: {  	_ = 	snop;
	(pc) =	sbr.ind lr, $3  }
0x3a: {  	_ = 	snop  }
0x3b: {  	_ = 	snop  }
0x3c: {  	p2 =	seq.s32 s10, $0x1;
	s10 =	sld [smem:$0x3FB1]  }
0x3d: {  	_ =	shalt  }
0x3e: {  	_ =	shalt  }
0x3f: {  	_ =	shalt  }
0x40: {  	_ =	shalt  }
0x41: {  	_ =	shalt  }
0x42: {  	_ =	shalt  }
0x43: {  	_ =	shalt  }
0x44: {  	_ =	shalt  }
0x45: {  	_ =	shalt  }
0x46: {  	_ =	shalt  }
0x47: {  	_ =	shalt  }
0x48: {  	_ =	shalt  }
0x49: {  	_ =	shalt  }
0x4a: {  	_ =	shalt  }
0x4b: {  	_ =	shalt  }
0x4c: {  	_ =	shalt  }
0x4d: {  	_ =	shalt  }
0x4e: {  	_ =	shalt  }
0x4f: {  	_ =	shalt  }
0x50: {  	_ =	shalt  }
0x51: {  	_ =	shalt  }
0x52: {  	_ =	shalt  }
0x53: {  	_ =	shalt  }
0x54: {  	_ =	shalt  }
0x55: {  	_ =	shalt  }
0x56: {  	_ =	shalt  }
0x57: {  	_ =	shalt  }
0x58: {  	_ =	shalt  }
0x59: {  	_ =	shalt  }
0x5a: {  	_ =	shalt  }
0x5b: {  	_ =	shalt  }
0x5c: {  	_ =	shalt  }
0x5d: {  	_ =	shalt  }
0x5e: {  	_ =	shalt  }
0x5f: {  	_ =	shalt  }
0x60: {  	_ =	shalt  }
0x61: {  	_ =	shalt  }
0x62: {  	_ =	shalt  }
0x63: {  	_ =	shalt  }
0x64: {  	_ =	shalt  }
0x65: {  	_ =	shalt  }
0x66: {  	_ =	shalt  }
0x67: {  	_ =	shalt  }
0x68: {  	_ =	shalt  }
0x69: {  	_ =	shalt  }
0x6a: {  	_ =	shalt  }
0x6b: {  	_ =	shalt  }
0x6c: {  	_ =	shalt  }
0x6d: {  	_ =	shalt  }
0x6e: {  	_ =	shalt  }
0x6f: {  	_ =	shalt  }
0x70: {  	_ =	shalt  }
0x71: {  	_ =	shalt  }
0x72: {  	_ =	shalt  }
0x73: {  	_ =	shalt  }
0x74: {  	_ =	shalt  }
0x75: {  	_ =	shalt  }
0x76: {  	_ =	shalt  }
0x77: {  	_ =	shalt  }
0x78: {  	_ =	shalt  }
0x79: {  	_ =	shalt  }
0x7a: {  	_ =	shalt  }
0x7b: {  	_ =	shalt  }
0x7c: {  	_ =	shalt  }
0x7d: {  	_ =	shalt  }
0x7e: {  	_ =	shalt  }
0x7f: {  	_ =	shalt  }
0x80: {  	_ =	shalt  }
0x81: {  	_ =	shalt  }
0x82: {  	_ =	shalt  }
0x83: {  	_ =	shalt  }
0x84: {  	_ =	shalt  }
0x85: {  	_ =	shalt  }
0x86: {  	_ =	shalt  }
0x87: {  	_ =	shalt  }
.Lfunc_end0:
.L_simem_size_0:
called_computation.1_lowered:
.L_overlay_start_0:
0x88: {  	s2 =	sld [smem:$0x3FD9]  }
0x89: {  	s3 =	sld [smem:$0x3FFE];
	_ =	sdelay $0x1  }
0x8a: {  	s1 =	srdreg.scid  }
0x8b: {  	s0 =	sand.u32 $0x1, s1  }
0x8c: {  	s16 =	sshll.u32 s0, $0xA;
	s2 =	sadd.s32 s3, s2  }
0x8d: {  	s2 =	sadd.s32 s2, s16  }
0x8e: {  	[smem:$0x3FBD] =	sst s2  }
0x8f: {  	_ = 	snop  }
0x90: {  	(tm) =	ssettm $0x1  }
0x91: {  	s17 =	sld [smem:$0x3FFB];
	_ =	sdelay $0x3  }
0x92: {  	_ =	strace s17  }
0x93: {  	s2 =	sld [smem:$0x3FFC];
	_ =	sdelay $0x3  }
0x94: {  	_ =	strace s2  }
0x95: {  	s2 =	sld [smem:$0x3FFD];
	_ =	sdelay $0x3  }
0x96: {  	_ =	strace s2  }
0x97: {  	_ =	strace $0x8FFFFFFF  }
0x98: {  	s18 =	sld [smem:$0x3FDB];
	_ =	sdelay $0x1  }
0x99: {  	s19 =	simm.s32 $_scs_section_size  }
0x9a: {  	s4 =	simm.s32 $_size__tile_overlayer_lowered;
	s5 =	simm.s32 $_tile_overlayer_lowered  }
0x9b: {  	s22 =	simm.s32 $0x1BFF;
	s21 =	sshll.u32 s5, $0x1;
	s2 =	sadd.s32 s19, s18  }
0x9c: {  	s6 =	simm.s32 $0x0;
	s20 =	sshll.u32 s4, $0x1;
	s4 =	sadd.s32 s21, s2  }
0x9d: {  	[timem:s6], [sflag:s22] =	dma.local [hbm:s4], s20  }
0x9e: {  	_ =	swait.ge [sflag:s22], s20  }
0x9f: {  	s3 =	ssub.s32 $0x0, s20;
	[sflag:s22] =	ssyncset.done $0x0  }
0xa0: {  	[sflag:s22] =	ssyncadd.s32 s3;
	_ =	sdelay $0x1  }
0xa1: {  	s23 =	simm.s32 $0x1B8B  }
0xa2: {  	_ =	swait.ge [sflag:s23], $0x1  }
0xa3: {  	[sflag:s23] =	ssyncset.done $0x0  }
0xa4: {  	s25 =	simm.s32 $0x1B8E;
	s24 =	sld [smem:$0x3FFE];
	[sflag:s23] =	ssyncadd.s32 $0xFFFFFFFF  }
0xa5: {  	s26 =	simm.s32 $execute0_lowered;
	[smem:$0x3FD2] =	sst s25  }
0xa6: {  	s4 =	sshll.u32 s26, $0x1;
	_ =	strace $0x80000046;
	[dreg:$0x1] =	wrdreg $0xFFFFFFFF  }
0xa7: {  	s28 =	simm.s32 $_size_execute0_lowered;
	s2 =	sadd.s32 s2, s4;
	[dreg:$0x0] =	wrdreg $0x0  }
0xa8: {  	s4 =	sshll.u32 s28, $0x1;
	[dreg:$0x2] =	wrdreg s2  }
0xa9: {  	[dreg:$0x3] =	wrdreg s4  }
0xaa: {  	[dreg:$0x4] =	wrdreg $0xC0  }
0xab: {  	_ =	task [dreg:s6], $0x5FFFF  }
0xac: {  	[dreg:$0x1] =	wrdreg $0xFFFFFFFF  }
0xad: {  	[dreg:$0x0] =	wrdreg $0x60  }
0xae: {  	[dreg:$0x2] =	wrdreg s24  }
0xaf: {  	[dreg:$0x3] =	wrdreg $0x0  }
0xb0: {  	[dreg:$0x4] =	wrdreg $0xA  }
0xb1: {  	_ =	task.clear_ibuf [dreg:s6], $0x5FFFF;
	_ =	strace $0x90000046  }
0xb2: {  	s29 =	simm.s32 $0xA;
	_ =	strace $0x80000048  }
0xb3: {  	_ =	swait.ge [sflag:s29], $0x1  }
0xb4: {  	[sflag:s29] =	ssyncadd.s32 $0xFFFFFFFF  }
0xb5: {  	_ =	strace $0x90000048  }
0xb6: {  	_ =	sfence  }
0xb7: {  	s30 =	sld [smem:$0x0];
	_ =	sdelay $0x2  }
0xb8: {  	s31 =	sshll.u32 s1, $0xD;
	s1 =	sshrl.u32 s1, $0x2  }
0xb9: {  	s3 =	sand.u32 $0x4000, s31;
	s1 =	sadd.s32 s1, s30  }
0xba: {  	s0 =	sor.u32 s3, s0;
	s1 =	sshll.u32 s1, $0x11  }
0xbb: {  	s0 =	sor.u32 s1, s0  }
0xbc: {  	s0 =	sadd.s32 $0x8F2B, s0  }
0xbd: {  	[sflag:s0] =	ssyncadd.remote.s32 $0x1  }
0xbe: {  	_ =	sfence.sel $0xFFFF  }
0xbf: {  	[dreg:$0x0] =	wrdreg $0xFFFFFFFF;
	(pc) =	sbr.abs _section_cstart, $3  }
0xc0: {  	[dreg:$0x1] =	wrdreg $0xFFFFFFFF  }
0xc1: {  	_ =	task.clear_ibuf [dreg:s6], $0x2FFFF;
	_ =	strace $0x9FFFFFFF  }
0xc2: {  	(tm) =	ssettm $0x7FFFFFFF  }
0xc3: {  	_ =	shalt  }
tec
execute0_lowered:
.L_overlay_start_1:
0x0: {  	(tag) =	ssettag $0x1  }
0x1: {  	s0 =	rddreg [dreg:$0x0]  }
0x2: {  	s1 =	rddreg [dreg:$0x1];
	s2 =	simm.s32 $0x0  }
0x3: {  	s3 =	srdreg.scid;
	s6 =	stileid.u32;
	s13 =	simm.s32 $0x2B00  }
0x4: {  	s14 =	simm.s32 $0x2B80;
	s15 =	simm.s32 $0x2C00;
	s16 =	simm.s32 $0x2C80  }
0x5: {  	s17 =	simm.s32 $0x2D00;
	s18 =	simm.s32 $0x1;
	s19 =	simm.s32 $0x50  }
0x6: {  	s20 =	simm.s32 $0x2A80;
	s21 =	simm.s32 $0x2;
	s22 =	simm.s32 $0x3  }
0x7: {  	s28 =	simm.s32 $0x7;
	s31 =	simm.s32 $0x0;
	[smem:$0x7FF] =	sst s2  }
0x8: {  	s4 =	sand.u32 $0x1, s3;
	s5 =	smul.u32 $0x500, s6;
	s3 =	sadd.s32 $0x2200, s0  }
0x9: {  	s23 =	sshll.u32 s6, $0xF;
	s7 =	sshll.u32 s4, $0x7;
	s8 =	sshll.u32 s4, $0xE  }
0xa: {  	s9 =	ssub.s32 $0x2, s4;
	s5 =	sor.u32 s7, s5;
	s4 =	sor.u32 s8, s23  }
0xb: {  	s10 =	smul.u32 $0xA00, s6;
	s5 =	sshrl.u32 s5, $0x3;
	s8 =	sshrl.u32 s4, $0x3  }
0xc: {  	p0 =	sne.s32 s6, $0x0;
	s0 =	sadd.s32 s5, s0;
	s5 =	sadd.s32 s3, s8  }
0xd: {  	_ =	strace $0x80000047;
	s24 =	sshrl.u32 s9, $0x1;
	s8 =	sadd.s32 $0x10, s5  }
0xe: {  	s26 =	sshrl.u32 s10, $0x2;
	s25 =	sadd.s32 $0x20, s5;
	[dreg:$0x3] =	wrdreg s8  }
0xf: {  	s23 =	simm.s32 $0x4;
	s29 =	sadd.s32 $0x30, s5;
	[dreg:$0x4] =	wrdreg s25  }
0x10: {  	s7 =	ssub.s32 s9, s24;
	s30 =	sadd.s32 $0x40, s5;
	[dreg:$0x5] =	wrdreg s29  }
0x11: {  	s24 =	simm.s32 $0x5;
	s0 =	sadd.s32 $0x12200, s0;
	[dreg:$0x6] =	wrdreg s30  }
0x12: {  	s12 =	smax.u32 s7, $0x1;
	s8 =	sadd.s32 s26, s1;
	[dreg:$0x8] =	wrdreg s0  }
0x13: {  	v0 =	vimm.f32 $0.0e+00;
	v1 =	vimm.f32 $1.000000000e+00;
	s25 =	simm.s32 $0x6;
	s26 =	simm.s32 $0x280;
	[dreg:$0x7] =	wrdreg s8  }
.LBB2_1:
0x14: {  	s0 =	simm.s32 $0x40;
	s6 =	simm.s32 $0x0  }
.LBB2_2:
0x15: {  	p1 =	sne.s32 s0, $0x9FC0;
	[tilespmem:s6+$0x280] =	vst v0;
	s6 =	smov.u32 s0;
	s0 =	sadd.s32 $0x40, s0  }
.Ltmp0:
0x16: {  	(pc) =	sbr.rel @p1 .LBB2_2-.Ltmp0, $2  }
0x17: {  	_ =	sdelay $0x2  }
0x18: {  	s6 =	sshra.s32 s6, $0x2  }
0x19: {  	[tilespmem:s6+$0x280] =	vst v0;
	s0 =	simm.s32 @!p0 $0x280  }
0x1a: {  	[spmem:s1] =	stream.linear.scatter @!p0 [tilespmem:s0], [sflag:$0x7], $0x2800, $0x38;
	[tilespmem:$0x2D80] =	vst v63  }
0x1b: {  	s0 =	simm.s32 @!p0 $0x7  }
0x1c: {  	_ =	swait.ge @!p0 [sflag:s0], $0x2800  }
0x1d: {  	[sflag:s0] =	ssyncset.done @!p0 $0x0  }
0x1e: {  	[sflag:s0] =	ssyncadd.s32 @!p0 $0xFFFFD800  }
0x1f: {  	[tilespmem:$0x2A80] =	vst v1  }
0x20: {  	[tilespmem:$0x2A90] =	vst v1  }
0x21: {  	[tilespmem:$0x2AA0] =	vst v1  }
0x22: {  	[tilespmem:$0x2AB0] =	vst v1  }
0x23: {  	[tilespmem:$0x2AC0] =	vst v1  }
0x24: {  	[bflag:$0x0] =	sbarrier.arrive $0xFFFF  }
0x25: {  	[tilespmem:s13], [sflag:$0x1] =	stream.linear.gather [hbm4b:s5+s2], $0x80, $0x38;
	[tilespmem:$0x2D80] =	vst v63  }
0x26: {  	s11 =	rddreg [dreg:$0x3]  }
0x27: {  	[tilespmem:s14], [sflag:$0x2] =	stream.linear.gather [hbm4b:s11+s2], $0x80, $0x38;
	[tilespmem:$0x2D80] =	vst v63  }
0x28: {  	s6 =	rddreg [dreg:$0x4]  }
0x29: {  	[tilespmem:s15], [sflag:$0x3] =	stream.linear.gather [hbm4b:s6+s2], $0x80, $0x38;
	[tilespmem:$0x2D80] =	vst v63  }
0x2a: {  	s7 =	rddreg [dreg:$0x5]  }
0x2b: {  	[tilespmem:s16], [sflag:$0x4] =	stream.linear.gather [hbm4b:s7+s2], $0x80, $0x38;
	[tilespmem:$0x2D80] =	vst v63  }
0x2c: {  	s8 =	rddreg [dreg:$0x6]  }
0x2d: {  	[tilespmem:s17], [sflag:$0x5] =	stream.linear.gather [hbm4b:s8+s2], $0x80, $0x38;
	[tilespmem:$0x2D80] =	vst v63  }
0x2e: {  	_ =	swait.ge [sflag:s18], $0x80  }
0x2f: {  	[sflag:s18] =	ssyncset.done $0x0  }
0x30: {  	[sflag:s18] =	ssyncadd.s32 $0xFFFFFF80  }
0x31: {  	[spmem:s1] =	stream.indirect.scatter.add.f32 [tilespmem:s20], [sflag:$0x6], $0x1, s13, s19, $0xb8;
	[tilespmem:$0x2D80] =	vst v63  }
0x32: {  	_ =	swait.ge [sflag:s21], $0x80  }
0x33: {  	[sflag:s21] =	ssyncset.done $0x0  }
0x34: {  	[sflag:s21] =	ssyncadd.s32 $0xFFFFFF80  }
0x35: {  	[spmem:s1] =	stream.indirect.scatter.add.f32 [tilespmem:s20], [sflag:$0x6], $0x1, s14, s19, $0xb8;
	[tilespmem:$0x2D80] =	vst v63  }
0x36: {  	_ =	swait.ge [sflag:s22], $0x80  }
0x37: {  	[sflag:s22] =	ssyncset.done $0x0  }
0x38: {  	s0 =	simm.s32 $0x5;
	[sflag:s22] =	ssyncadd.s32 $0xFFFFFF80  }
0x39: {  	[spmem:s1] =	stream.indirect.scatter.add.f32 [tilespmem:s20], [sflag:$0x6], $0x1, s15, s19, $0xb8;
	[tilespmem:$0x2D80] =	vst v63  }
0x3a: {  	s9 =	smin.u32 s0, $0x7B;
	_ =	swait.ge [sflag:s23], $0x80  }
0x3b: {  	s6 =	sshll.u32 s9, $0x7;
	s9 =	smin.u32 s0, $0x7A;
	[sflag:s23] =	ssyncset.done $0x0  }
0x3c: {  	s29 =	simm.s32 $0xA;
	s9 =	sshll.u32 s9, $0x7;
	[sflag:s23] =	ssyncadd.s32 $0xFFFFFF80  }
0x3d: {  	[spmem:s1] =	stream.indirect.scatter.add.f32 [tilespmem:s20], [sflag:$0x6], $0x1, s16, s19, $0xb8;
	[tilespmem:$0x2D80] =	vst v63  }
0x3e: {  	s6 =	sadd.s32 $0x80, s6;
	s10 =	sadd.s32 $0x100, s9;
	_ =	swait.ge [sflag:s24], $0x80  }
0x3f: {  	s7 =	smin.u32 s0, $0x79;
	s11 =	sand.u32 $0x7C00, s10;
	[sflag:s24] =	ssyncset.done $0x0  }
0x40: {  	s7 =	sshll.u32 s7, $0x7;
	s10 =	sand.u32 $0x380, s10;
	[sflag:s24] =	ssyncadd.s32 $0xFFFFFF80  }
0x41: {  	[spmem:s1] =	stream.indirect.scatter.add.f32 [tilespmem:s20], [sflag:$0x6], $0x1, s17, s19, $0xb8;
	[tilespmem:$0x2D80] =	vst v63  }
0x42: {  	s8 =	sand.u32 $0x7C00, s6;
	s6 =	sand.u32 $0x380, s6;
	_ =	swait.ge [sflag:s25], $0x50  }
0x43: {  	s9 =	sadd.s32 s4, s11;
	s7 =	sadd.s32 $0x180, s7;
	[sflag:s25] =	ssyncset.done $0x0  }
0x44: {  	s8 =	sadd.s32 s4, s8;
	s11 =	sand.u32 $0x7C00, s7;
	[sflag:s25] =	ssyncadd.s32 $0xFFFFFFB0  }
0x45: {  	s9 =	sor.u32 s10, s9;
	s6 =	sor.u32 s6, s8;
	_ =	swait.ge [sflag:s25], $0x50  }
0x46: {  	s8 =	smin.u32 s0, $0x78;
	s30 =	sshrl.u32 s6, $0x3;
	[sflag:s25] =	ssyncset.done $0x0  }
0x47: {  	s6 =	sand.u32 $0x380, s7;
	s7 =	sadd.s32 s4, s11;
	[sflag:s25] =	ssyncadd.s32 $0xFFFFFFB0  }
.LBB2_4:
0x48: {  	p1 =	sne.s32 s29, $0x7D  }
0x49: {  	_ =	swait.ge [sflag:s25], $0x50;
	s9 =	sshrl.u32 s9, $0x3;
	s10 =	smov.u32 s29  }
0x4a: {  	s6 =	sor.u32 s6, s7;
	s7 =	sshll.u32 s8, $0x7;
	[sflag:s25] =	ssyncset.done $0x0  }
0x4b: {  	s6 =	sshrl.u32 s6, $0x3;
	s7 =	sadd.s32 $0x200, s7;
	[sflag:s25] =	ssyncadd.s32 $0xFFFFFFB0  }
0x4c: {  	s29 =	sadd.s32 $0x5, s29;
	s0 =	smin.u32 s0, $0x7C;
	_ =	swait.ge [sflag:s25], $0x50  }
0x4d: {  	s0 =	sshll.u32 s0, $0x7;
	s8 =	sand.u32 $0x7C00, s7;
	[sflag:s25] =	ssyncset.done $0x0  }
0x4e: {  	s11 =	sor.u32 s4, s0;
	s0 =	smov.u32 s10;
	[sflag:s25] =	ssyncadd.s32 $0xFFFFFFB0  }
0x4f: {  	s7 =	sand.u32 $0x380, s7;
	s8 =	sadd.s32 s4, s8;
	_ =	swait.ge [sflag:s25], $0x50  }
0x50: {  	s10 =	sshrl.u32 s11, $0x3;
	s7 =	sor.u32 s7, s8;
	[sflag:s25] =	ssyncset.done $0x0  }
0x51: {  	s8 =	sadd.s32 s3, s10;
	s7 =	sshrl.u32 s7, $0x3;
	[sflag:s25] =	ssyncadd.s32 $0xFFFFFFB0  }
0x52: {  	[tilespmem:s13], [sflag:$0x1] =	stream.linear.gather [hbm4b:s8+s2], $0x80, $0x38;
	[tilespmem:$0x2D80] =	vst v63  }
0x53: {  	s8 =	sadd.s32 s3, s30  }
0x54: {  	[tilespmem:s14], [sflag:$0x2] =	stream.linear.gather [hbm4b:s8+s2], $0x80, $0x38;
	[tilespmem:$0x2D80] =	vst v63  }
0x55: {  	s8 =	sadd.s32 s3, s9  }
0x56: {  	[tilespmem:s15], [sflag:$0x3] =	stream.linear.gather [hbm4b:s8+s2], $0x80, $0x38;
	[tilespmem:$0x2D80] =	vst v63  }
0x57: {  	s6 =	sadd.s32 s3, s6  }
0x58: {  	[tilespmem:s16], [sflag:$0x4] =	stream.linear.gather [hbm4b:s6+s2], $0x80, $0x38;
	[tilespmem:$0x2D80] =	vst v63  }
0x59: {  	s6 =	sadd.s32 s3, s7  }
0x5a: {  	[tilespmem:s17], [sflag:$0x5] =	stream.linear.gather [hbm4b:s6+s2], $0x80, $0x38;
	[tilespmem:$0x2D80] =	vst v63  }
0x5b: {  	_ =	swait.ge [sflag:s18], $0x80  }
0x5c: {  	[sflag:s18] =	ssyncset.done $0x0  }
0x5d: {  	[sflag:s18] =	ssyncadd.s32 $0xFFFFFF80  }
0x5e: {  	[spmem:s1] =	stream.indirect.scatter.add.f32 [tilespmem:s20], [sflag:$0x6], $0x1, s13, s19, $0xb8;
	[tilespmem:$0x2D80] =	vst v63  }
0x5f: {  	_ =	swait.ge [sflag:s21], $0x80  }
0x60: {  	[sflag:s21] =	ssyncset.done $0x0  }
0x61: {  	[sflag:s21] =	ssyncadd.s32 $0xFFFFFF80  }
0x62: {  	[spmem:s1] =	stream.indirect.scatter.add.f32 [tilespmem:s20], [sflag:$0x6], $0x1, s14, s19, $0xb8;
	[tilespmem:$0x2D80] =	vst v63  }
0x63: {  	_ =	swait.ge [sflag:s22], $0x80  }
0x64: {  	[sflag:s22] =	ssyncset.done $0x0  }
0x65: {  	[sflag:s22] =	ssyncadd.s32 $0xFFFFFF80  }
0x66: {  	[spmem:s1] =	stream.indirect.scatter.add.f32 [tilespmem:s20], [sflag:$0x6], $0x1, s15, s19, $0xb8;
	[tilespmem:$0x2D80] =	vst v63  }
0x67: {  	s6 =	smin.u32 s0, $0x7B;
	_ =	swait.ge [sflag:s23], $0x80  }
0x68: {  	s9 =	smin.u32 s0, $0x7A;
	s6 =	sshll.u32 s6, $0x7;
	[sflag:s23] =	ssyncset.done $0x0  }
0x69: {  	s9 =	sshll.u32 s9, $0x7;
	s6 =	sadd.s32 $0x80, s6;
	[sflag:s23] =	ssyncadd.s32 $0xFFFFFF80  }
0x6a: {  	[spmem:s1] =	stream.indirect.scatter.add.f32 [tilespmem:s20], [sflag:$0x6], $0x1, s16, s19, $0xb8;
	[tilespmem:$0x2D80] =	vst v63  }
0x6b: {  	s7 =	smin.u32 s0, $0x79;
	s8 =	sand.u32 $0x7C00, s6;
	_ =	swait.ge [sflag:s24], $0x80  }
0x6c: {  	s6 =	sand.u32 $0x380, s6;
	s8 =	sadd.s32 s4, s8;
	[sflag:s24] =	ssyncset.done $0x0  }
0x6d: {  	s6 =	sor.u32 s6, s8;
	s8 =	sadd.s32 $0x100, s9  }
0x6e: {  	s30 =	sshrl.u32 s6, $0x3;
	s6 =	sand.u32 $0x7C00, s8;
	[sflag:s24] =	ssyncadd.s32 $0xFFFFFF80  }
0x6f: {  	[spmem:s1] =	stream.indirect.scatter.add.f32 [tilespmem:s20], [sflag:$0x6], $0x1, s17, s19, $0xb8;
	[tilespmem:$0x2D80] =	vst v63  }
0x70: {  	s9 =	sadd.s32 s4, s6;
	_ =	swait.ge [sflag:s25], $0x50  }
.Ltmp1:
0x71: {  	s6 =	sshll.u32 s7, $0x7;
	[sflag:s25] =	ssyncset.done $0x0;
	(pc) =	sbr.rel @p1 .LBB2_4-.Ltmp1, $4  }
0x72: {  	s7 =	sand.u32 $0x380, s8;
	s6 =	sadd.s32 $0x180, s6;
	[sflag:s25] =	ssyncadd.s32 $0xFFFFFFB0  }
0x73: {  	s8 =	sand.u32 $0x7C00, s6;
	s6 =	sand.u32 $0x380, s6;
	_ =	swait.ge [sflag:s25], $0x50  }
0x74: {  	s9 =	sor.u32 s7, s9;
	[sflag:s25] =	ssyncset.done $0x0  }
0x75: {  	s7 =	sadd.s32 s4, s8;
	s8 =	smin.u32 s0, $0x78;
	[sflag:s25] =	ssyncadd.s32 $0xFFFFFFB0  }
0x76: {  	_ =	swait.ge [sflag:s25], $0x50  }
0x77: {  	[sflag:s25] =	ssyncset.done $0x0  }
0x78: {  	[sflag:s25] =	ssyncadd.s32 $0xFFFFFFB0  }
0x79: {  	_ =	swait.ge [sflag:s25], $0x50  }
0x7a: {  	s0 =	smin.u32 s0, $0x7C;
	[sflag:s25] =	ssyncset.done $0x0  }
0x7b: {  	s0 =	sshll.u32 s0, $0x7;
	[sflag:s25] =	ssyncadd.s32 $0xFFFFFFB0  }
0x7c: {  	s0 =	sor.u32 s4, s0;
	_ =	swait.ge [sflag:s25], $0x50  }
0x7d: {  	s0 =	sshrl.u32 s0, $0x3;
	[sflag:s25] =	ssyncset.done $0x0  }
0x7e: {  	s0 =	sadd.s32 s3, s0;
	[sflag:s25] =	ssyncadd.s32 $0xFFFFFFB0  }
0x7f: {  	[tilespmem:s13], [sflag:$0x1] =	stream.linear.gather [hbm4b:s0+s2], $0x80, $0x38;
	[tilespmem:$0x2D80] =	vst v63  }
0x80: {  	s29 =	sadd.s32 s3, s30;
	s30 =	sshrl.u32 s9, $0x3  }
0x81: {  	[tilespmem:s14], [sflag:$0x2] =	stream.linear.gather [hbm4b:s29+s2], $0x80, $0x38;
	[tilespmem:$0x2D80] =	vst v63  }
0x82: {  	s8 =	sshll.u32 s8, $0x7;
	s0 =	sadd.s32 s3, s30  }
0x83: {  	[tilespmem:s15], [sflag:$0x3] =	stream.linear.gather [hbm4b:s0+s2], $0x80, $0x38;
	[tilespmem:$0x2D80] =	vst v63  }
0x84: {  	s6 =	sor.u32 s6, s7;
	s0 =	sadd.s32 $0x200, s8  }
0x85: {  	s6 =	sshrl.u32 s6, $0x3;
	s9 =	sand.u32 $0x7C00, s0  }
0x86: {  	s6 =	sadd.s32 s3, s6;
	s0 =	sand.u32 $0x380, s0;
	s7 =	sadd.s32 s4, s9  }
0x87: {  	[tilespmem:s16], [sflag:$0x4] =	stream.linear.gather [hbm4b:s6+s2], $0x80, $0x38;
	[tilespmem:$0x2D80] =	vst v63  }
0x88: {  	s0 =	sor.u32 s0, s7  }
0x89: {  	s0 =	sshrl.u32 s0, $0x3  }
0x8a: {  	s0 =	sadd.s32 s3, s0  }
0x8b: {  	[tilespmem:s17], [sflag:$0x5] =	stream.linear.gather [hbm4b:s0+s2], $0x80, $0x38;
	[tilespmem:$0x2D80] =	vst v63  }
0x8c: {  	_ =	swait.ge [sflag:s18], $0x80  }
0x8d: {  	[sflag:s18] =	ssyncset.done $0x0  }
0x8e: {  	[sflag:s18] =	ssyncadd.s32 $0xFFFFFF80  }
0x8f: {  	_ =	swait.ge [sflag:s21], $0x80  }
0x90: {  	[sflag:s21] =	ssyncset.done $0x0  }
0x91: {  	[sflag:s21] =	ssyncadd.s32 $0xFFFFFF80  }
0x92: {  	_ =	swait.ge [sflag:s22], $0x80  }
0x93: {  	[sflag:s22] =	ssyncset.done $0x0  }
0x94: {  	[sflag:s22] =	ssyncadd.s32 $0xFFFFFF80  }
0x95: {  	_ =	swait.ge [sflag:s23], $0x80  }
0x96: {  	[sflag:s23] =	ssyncset.done $0x0  }
0x97: {  	[sflag:s23] =	ssyncadd.s32 $0xFFFFFF80  }
0x98: {  	_ =	swait.ge [sflag:s24], $0x80  }
0x99: {  	[sflag:s24] =	ssyncset.done $0x0  }
0x9a: {  	[sflag:s24] =	ssyncadd.s32 $0xFFFFFF80  }
0x9b: {  	[bflag:$0x0] =	sbarrier.arrive $0xFFFF  }
0x9c: {  	s31 =	sadd.s32 $0x1, s31;
	s10 =	rddreg [dreg:$0x7]  }
0x9d: {  	[tilespmem:s26], [sflag:$0x7] =	stream.linear.gather [spmem:s10], $0x280, $0x38;
	[tilespmem:$0x2D80] =	vst v63  }
0x9e: {  	p1 =	sne.s32 s31, s12;
	_ =	swait.ge [sflag:s28], $0x280  }
0x9f: {  	s30 =	simm.s32 $0x100;
	s29 =	simm.s32 $0x80;
	[sflag:s28] =	ssyncset.done $0x0  }
.Ltmp2:
0xa0: {  	s11 =	rddreg [dreg:$0x8];
	[sflag:s28] =	ssyncadd.s32 $0xFFFFFD80;
	(pc) =	sbr.rel @p1 .LBB2_1-.Ltmp2, $4  }
0xa1: {  	[hbm4b:s11+s29] =	stream.strided.scatter [tilespmem:s26], [sflag:$0x7], $0x280, s30, s29, $0x38;
	[tilespmem:$0x2D80] =	vst v63  }
0xa2: {  	_ =	swait.ge [sflag:s28], $0x280  }
0xa3: {  	[sflag:s28] =	ssyncset.done $0x0  }
0xa4: {  	[sflag:s28] =	ssyncadd.s32 $0xFFFFFD80  }
0xa5: {  	_ =	sfence.sel $0x180000  }
0xa6: {  	[bflag:$0x0] =	sbarrier.arrive $0xFFFF  }
0xa7: {  	_ =	strace $0x90000047  }
0xa8: {  	[bflag:$0x2] =	sbarrier.arrive $0xFFFF  }
0xa9: {  	s0 =	rddreg [dreg:$0x2]  }
0xaa: {  	s0 =	sadd.s32 @!p0 $0x100000, s0  }
0xab: {  	[sflag:s0] =	ssyncadd.tile.s32 @!p0 $0x1;
	_ =	shalt  }
.Lfunc_end2:
_tile_overlayer_lowered:
.L_overlay_start_2:
0xac: {  	(tag) =	ssettag $0x2  }
0xad: {  	s0 =	rddreg [dreg:$0x0];
	s2 =	stileid.u32  }
0xae: {  	s1 =	rddreg [dreg:$0x1];
	p0 =	sne.s32 s2, $0x0  }
0xaf: {  	s3 =	rddreg [dreg:$0x2];
	[bflag:$0x3] =	sbarrier.arrive $0xFFFF;
	s2 =	simm.s32 @!p0 $0x1C07  }
0xb0: {  	[timem:s3], [sflag:s2] =	dma.local @!p0 [hbm:s0], s1  }
0xb1: {  	s0 =	simm.s32 @!p0 $0x7  }
0xb2: {  	_ =	swait.ge @!p0 [sflag:s0], s1  }
0xb3: {  	s1 =	ssub.s32 @!p0 $0x0, s1;
	[sflag:s0] =	ssyncset.done @!p0 $0x0  }
0xb4: {  	[sflag:s0] =	ssyncadd.s32 @!p0 s1  }
0xb5: {  	[bflag:$0x3] =	sbarrier.arrive $0xFFFF  }
0xb6: {  	_ =	shalt  }

// kernel: kernel.8.cloned.1.call-start
scs
__scs_entry_jumppad:
0x0: {  	(pc) =	sbr.rel $0x88, $3  }
0x1: {  	(tag) =	ssettag $0x0;
	lr =	simm.s32 $0x1  }
0x2: {  	[smem:$0x3F96] =	sst lr;
	_ =	strace $0xD0000000  }
0x3: {  	_ = 	snop  }
0x4: {  	_ = 	snop  }
0x5: {  	_ = 	snop  }
0x6: {  	_ = 	snop  }
0x7: {  	_ = 	snop  }
__scs_overlays_trampoline_lowered:
0x8: {  	[smem:$0x3FA5] =	sst s0  }
0x9: {  	[smem:$0x3FA6] =	sst s1  }
0xa: {  	[smem:$0x3FA7] =	sst s2  }
0xb: {  	[smem:$0x3FA8] =	sst s3  }
0xc: {  	[smem:$0x3FA9] =	sst s4  }
0xd: {  	[smem:$0x3FAA] =	sst s5  }
0xe: {  	[smem:$0x3FAB] =	sst s6  }
0xf: {  	[smem:$0x3FAC] =	sst s7  }
0x10: {  	[smem:$0x3FAD] =	sst s8  }
0x11: {  	[smem:$0x3FAE] =	sst s9;
	s0 =	simm.s32 @!p0 $0x0  }
0x12: {  	s1 =	sld [smem:$0x3F94];
	s0 =	simm.s32 @p0 $0x1  }
0x13: {  	[smem:$0x3FAF] =	sst s0;
	s0 =	simm.s32 @!p1 $0x0  }
0x14: {  	s2 =	sld [smem:$0x3F93];
	s0 =	simm.s32 @p1 $0x1  }
0x15: {  	[smem:$0x3FB0] =	sst s0;
	s0 =	simm.s32 @!p2 $0x0  }
0x16: {  	s3 =	sld [smem:$0x3FDB];
	s0 =	simm.s32 @p2 $0x1  }
0x17: {  	s4 =	simm.s32 $0x1BF5;
	[smem:$0x3FB2] =	sst s0  }
0x18: {  	s0 =	sld [smem:$0x3F95];
	_ =	swait.ge [sflag:s4], $0x0  }
0x19: {  	s7 =	sld [smem:$0x3F96]  }
0x1a: {  	s8 =	sadd.s32 $0xFFFFE003, lr  }
0x1b: {  	s9 =	sadd.s32 $0xFFFFFEF7, lr;
	s5 =	simm.s32 $0xFFFFFFFF;
	p2 =	slt.u32 s8, $0xFFFFF086  }
0x1c: {  	p1 =	slt.u32 s9, $0xF7A;
	s5 =	simm.s32 @!p2 $0x0  }
0x1d: {  	s5 =	simm.s32 @p1 $0x1;
	p0 =	seq.s32 s7, s2  }
0x1e: {  	s7 =	smul.u32 @!p0 $0xF7A, s2;
	p2 =	seq.s32 @!p0 s5, $0x0  }
0x1f: {  	s9 =	smul.u32 $0xF7A, s1;
	s8 =	simm.s32 @!p0 $0x1BF5;
	p2 =	por !p2, p0  }
0x20: {  	[sflag:s8] =	ssyncset.s32 @!p0 $0xFFFFF086;
	s6 =	sadd.s32 @!p0 s3, s7;
	s7 =	simm.s32 @!p0 $0x108  }
0x21: {  	s3 =	sadd.s32 s3, s9;
	s6 =	sadd.s32 @!p0 $0x88, s6;
	s7 =	simm.s32 @p2 $0x1082  }
0x22: {  	[simem:s7], [sflag:s8] =	dma.local @!p0 [hbm:s6], $0xF7A  }
0x23: {  	s9 =	sor.u32 $0xD0000000, s2;
	s6 =	simm.s32 $0x108;
	_ =	swait.ge @!p0 [sflag:s8], $0x0  }
0x24: {  	s3 =	sadd.s32 $0x88, s3;
	s6 =	simm.s32 @!p1 $0x1082;
	[sflag:s4] =	ssyncset.s32 $0xFFFFF086  }
0x25: {  	[simem:s6], [sflag:s4] =	dma.local [hbm:s3], $0xF7A  }
0x26: {  	[smem:$0x3F96] =	sst s1;
	(tag) =	ssettag s2;
	_ =	strace s9  }
0x27: {  	s1 =	sld [smem:$0x3FA6]  }
0x28: {  	s2 =	sld [smem:$0x3FA7]  }
0x29: {  	s4 =	sld [smem:$0x3FA9]  }
0x2a: {  	p0 =	seq.s32 s5, $0x0;
	s5 =	sld [smem:$0x3FAA]  }
0x2b: {  	s6 =	sld [smem:$0x3FAB]  }
0x2c: {  	s7 =	sld [smem:$0x3FAC]  }
0x2d: {  	s3 =	simm.s32 $0x108;
	s8 =	sld [smem:$0x3FAD]  }
0x2e: {  	s3 =	simm.s32 @!p0 $0x1082;
	s9 =	sld [smem:$0x3FAE]  }
0x2f: {  	lr =	sadd.s32 s0, s3;
	s0 =	sld [smem:$0x3FA5]  }
0x30: {  	s3 =	sld [smem:$0x3FA8]  }
0x31: {  	[smem:$0x3FB1] =	sst s10  }
0x32: {  	s10 =	sld [smem:$0x3FAF];
	_ =	sdelay $0x3  }
0x33: {  	p0 =	seq.s32 s10, $0x1;
	s10 =	sld [smem:$0x3FB1];
	_ =	sdelay $0x3  }
0x34: {  	[smem:$0x3FB1] =	sst s10  }
0x35: {  	s10 =	sld [smem:$0x3FB0];
	_ =	sdelay $0x3  }
0x36: {  	p1 =	seq.s32 s10, $0x1;
	s10 =	sld [smem:$0x3FB1];
	_ =	sdelay $0x3  }
0x37: {  	[smem:$0x3FB1] =	sst s10  }
0x38: {  	s10 =	sld [smem:$0x3FB2]  }
0x39: {  	_ = 	snop;
	(pc) =	sbr.ind lr, $3  }
0x3a: {  	_ = 	snop  }
0x3b: {  	_ = 	snop  }
0x3c: {  	p2 =	seq.s32 s10, $0x1;
	s10 =	sld [smem:$0x3FB1]  }
0x3d: {  	_ =	shalt  }
0x3e: {  	_ =	shalt  }
0x3f: {  	_ =	shalt  }
0x40: {  	_ =	shalt  }
0x41: {  	_ =	shalt  }
0x42: {  	_ =	shalt  }
0x43: {  	_ =	shalt  }
0x44: {  	_ =	shalt  }
0x45: {  	_ =	shalt  }
0x46: {  	_ =	shalt  }
0x47: {  	_ =	shalt  }
0x48: {  	_ =	shalt  }
0x49: {  	_ =	shalt  }
0x4a: {  	_ =	shalt  }
0x4b: {  	_ =	shalt  }
0x4c: {  	_ =	shalt  }
0x4d: {  	_ =	shalt  }
0x4e: {  	_ =	shalt  }
0x4f: {  	_ =	shalt  }
0x50: {  	_ =	shalt  }
0x51: {  	_ =	shalt  }
0x52: {  	_ =	shalt  }
0x53: {  	_ =	shalt  }
0x54: {  	_ =	shalt  }
0x55: {  	_ =	shalt  }
0x56: {  	_ =	shalt  }
0x57: {  	_ =	shalt  }
0x58: {  	_ =	shalt  }
0x59: {  	_ =	shalt  }
0x5a: {  	_ =	shalt  }
0x5b: {  	_ =	shalt  }
0x5c: {  	_ =	shalt  }
0x5d: {  	_ =	shalt  }
0x5e: {  	_ =	shalt  }
0x5f: {  	_ =	shalt  }
0x60: {  	_ =	shalt  }
0x61: {  	_ =	shalt  }
0x62: {  	_ =	shalt  }
0x63: {  	_ =	shalt  }
0x64: {  	_ =	shalt  }
0x65: {  	_ =	shalt  }
0x66: {  	_ =	shalt  }
0x67: {  	_ =	shalt  }
0x68: {  	_ =	shalt  }
0x69: {  	_ =	shalt  }
0x6a: {  	_ =	shalt  }
0x6b: {  	_ =	shalt  }
0x6c: {  	_ =	shalt  }
0x6d: {  	_ =	shalt  }
0x6e: {  	_ =	shalt  }
0x6f: {  	_ =	shalt  }
0x70: {  	_ =	shalt  }
0x71: {  	_ =	shalt  }
0x72: {  	_ =	shalt  }
0x73: {  	_ =	shalt  }
0x74: {  	_ =	shalt  }
0x75: {  	_ =	shalt  }
0x76: {  	_ =	shalt  }
0x77: {  	_ =	shalt  }
0x78: {  	_ =	shalt  }
0x79: {  	_ =	shalt  }
0x7a: {  	_ =	shalt  }
0x7b: {  	_ =	shalt  }
0x7c: {  	_ =	shalt  }
0x7d: {  	_ =	shalt  }
0x7e: {  	_ =	shalt  }
0x7f: {  	_ =	shalt  }
0x80: {  	_ =	shalt  }
0x81: {  	_ =	shalt  }
0x82: {  	_ =	shalt  }
0x83: {  	_ =	shalt  }
0x84: {  	_ =	shalt  }
0x85: {  	_ =	shalt  }
0x86: {  	_ =	shalt  }
0x87: {  	_ =	shalt  }
.Lfunc_end0:
.L_simem_size_0:
called_computation_lowered:
.L_overlay_start_0:
0x88: {  	s2 =	sld [smem:$0x3FD9]  }
0x89: {  	s3 =	sld [smem:$0x3FFE];
	_ =	sdelay $0x1  }
0x8a: {  	s1 =	srdreg.scid  }
0x8b: {  	s0 =	sand.u32 $0x1, s1  }
0x8c: {  	s17 =	sshll.u32 s0, $0xA;
	s2 =	sadd.s32 s3, s2  }
0x8d: {  	s2 =	sadd.s32 s2, s17  }
0x8e: {  	[smem:$0x3FBD] =	sst s2  }
0x8f: {  	_ = 	snop  }
0x90: {  	s18 =	sld [smem:$0x3FD0];
	(tm) =	ssettm $0x1  }
0x91: {  	s19 =	sld [smem:$0x3FFB];
	_ =	sdelay $0x3  }
0x92: {  	_ =	strace s19  }
0x93: {  	s2 =	sld [smem:$0x3FFC];
	_ =	sdelay $0x3  }
0x94: {  	_ =	strace s2  }
0x95: {  	s2 =	sld [smem:$0x3FFD];
	_ =	sdelay $0x3  }
0x96: {  	_ =	strace s2  }
0x97: {  	_ =	strace $0x8FFFFFFF  }
0x98: {  	s20 =	sld [smem:$0x3FDB];
	_ =	sdelay $0x1  }
0x99: {  	s4 =	simm.s32 $_scs_section_size  }
0x9a: {  	s5 =	simm.s32 $_size__tile_overlayer_lowered;
	s6 =	simm.s32 $_tile_overlayer_lowered  }
0x9b: {  	s7 =	simm.s32 $0x1BFF;
	s21 =	sshll.u32 s6, $0x1;
	s4 =	sadd.s32 s4, s20  }
0x9c: {  	s22 =	simm.s32 $0x0;
	s5 =	sshll.u32 s5, $0x1;
	s6 =	sadd.s32 s21, s4  }
0x9d: {  	[timem:s22], [sflag:s7] =	dma.local [hbm:s6], s5  }
0x9e: {  	_ =	swait.ge [sflag:s7], s5  }
0x9f: {  	s5 =	ssub.s32 $0x0, s5;
	[sflag:s7] =	ssyncset.done $0x0  }
0xa0: {  	[sflag:s7] =	ssyncadd.s32 s5;
	_ =	sdelay $0x1  }
0xa1: {  	s23 =	simm.s32 $0x1B8B  }
0xa2: {  	_ =	swait.ge [sflag:s23], $0x1  }
0xa3: {  	[sflag:s23] =	ssyncset.done $0x0  }
0xa4: {  	[sflag:s23] =	ssyncadd.s32 $0xFFFFFFFF  }
0xa5: {  	s5 =	sld [smem:$0x0]  }
0xa6: {  	s6 =	sand.u32 $0xFFFFFFFE, s1  }
0xa7: {  	p0 =	sne.s32 s1, s6  }
0xa8: {  	s6 =	sshll.u32 @p0 s6, $0xE  }
0xa9: {  	s6 =	sadd.s32 @p0 $0x11B8D, s6;
	s7 =	sshll.u32 @p0 s5, $0x11  }
0xaa: {  	s6 =	sor.u32 @p0 s7, s6  }
0xab: {  	[sflag:s6] =	ssyncadd.remote.s32 @p0 $0x1;
	_ =	sdelay $0x1  }
0xac: {  	s6 =	simm.s32 @p0 $0x1B8D  }
0xad: {  	_ =	swait.eq @p0 [sflag:s6], $0x1  }
0xae: {  	[sflag:s6] =	ssyncadd.s32 @p0 $0xFFFFFFFF  }
0xaf: {  	s7 =	sshll.u32 @!p0 s1, $0xE  }
0xb0: {  	s7 =	sor.u32 @!p0 $0x4000, s7;
	s6 =	simm.s32 @!p0 $0x1B8D  }
0xb1: {  	s5 =	sshll.u32 @!p0 s5, $0x11;
	s7 =	sadd.s32 @!p0 $0x11B8D, s7;
	_ =	swait.eq @!p0 [sflag:s6], $0x1  }
0xb2: {  	s5 =	sor.u32 @!p0 s5, s7;
	[sflag:s6] =	ssyncadd.s32 @!p0 $0xFFFFFFFF  }
0xb3: {  	s25 =	simm.s32 $0x1B8E;
	s24 =	sld [smem:$0x3FFE];
	[sflag:s5] =	ssyncadd.remote.s32 @!p0 $0x1  }
0xb4: {  	s26 =	simm.s32 $execute0_lowered;
	[smem:$0x3FD2] =	sst s25  }
0xb5: {  	s6 =	sshll.u32 s26, $0x1;
	_ =	strace $0x80000049;
	[dreg:$0x1] =	wrdreg $0xFFFFFFFF  }
0xb6: {  	s28 =	simm.s32 $_size_execute0_lowered;
	s4 =	sadd.s32 s4, s6;
	[dreg:$0x0] =	wrdreg $0x0  }
0xb7: {  	s6 =	sshll.u32 s28, $0x1;
	[dreg:$0x2] =	wrdreg s4  }
0xb8: {  	[dreg:$0x3] =	wrdreg s6  }
0xb9: {  	[dreg:$0x4] =	wrdreg $0xC0  }
0xba: {  	_ =	task [dreg:s22], $0x5FFFF  }
0xbb: {  	[dreg:$0x1] =	wrdreg $0xFFFFFFFF  }
0xbc: {  	[dreg:$0x0] =	wrdreg $0x60  }
0xbd: {  	[dreg:$0x2] =	wrdreg s24  }
0xbe: {  	[dreg:$0x3] =	wrdreg s18  }
0xbf: {  	[dreg:$0x4] =	wrdreg $0x0  }
0xc0: {  	[dreg:$0x5] =	wrdreg $0x9  }
0xc1: {  	_ =	task.clear_ibuf [dreg:s22], $0x6FFFF;
	_ =	strace $0x90000049  }
0xc2: {  	s29 =	simm.s32 $0x9;
	_ =	strace $0x8000004B  }
0xc3: {  	_ =	swait.ge [sflag:s29], $0x1  }
0xc4: {  	[sflag:s29] =	ssyncadd.s32 $0xFFFFFFFF  }
0xc5: {  	_ =	strace $0x9000004B  }
0xc6: {  	_ =	sfence  }
0xc7: {  	s30 =	sld [smem:$0x0];
	_ =	sdelay $0x2  }
0xc8: {  	s31 =	sshll.u32 s1, $0xD;
	s1 =	sshrl.u32 s1, $0x2  }
0xc9: {  	s4 =	sand.u32 $0x4000, s31;
	s1 =	sadd.s32 s1, s30  }
0xca: {  	s0 =	sor.u32 s4, s0;
	s1 =	sshll.u32 s1, $0x11  }
0xcb: {  	s0 =	sor.u32 s1, s0  }
0xcc: {  	s0 =	sadd.s32 $0x8F2B, s0  }
0xcd: {  	[sflag:s0] =	ssyncadd.remote.s32 $0x1  }
0xce: {  	_ =	sfence.sel $0xFFFF  }
0xcf: {  	[dreg:$0x0] =	wrdreg $0xFFFFFFFF;
	(pc) =	sbr.abs _section_cstart, $3  }
0xd0: {  	[dreg:$0x1] =	wrdreg $0xFFFFFFFF  }
0xd1: {  	_ =	task.clear_ibuf [dreg:s22], $0x2FFFF;
	_ =	strace $0x9FFFFFFF  }
0xd2: {  	(tm) =	ssettm $0x7FFFFFFF  }
0xd3: {  	_ =	shalt  }
tec
execute0_lowered:
.L_overlay_start_1:
0x0: {  	(tag) =	ssettag $0x1  }
0x1: {  	s0 =	rddreg [dreg:$0x0]  }
0x2: {  	s1 =	rddreg [dreg:$0x1]  }
0x3: {  	s2 =	rddreg [dreg:$0x2];
	s3 =	simm.s32 $0x0;
	s4 =	srdreg.scid  }
0x4: {  	s11 =	stileid.u32;
	s28 =	simm.s32 $0x1BA00;
	s29 =	simm.s32 $0x3  }
0x5: {  	[smem:$0x7FF] =	sst s3;
	s5 =	sadd.s32 $0x22C00, s0;
	s8 =	smul.u32 $0x50000, s11  }
0x6: {  	s4 =	sand.u32 $0x1, s4;
	s10 =	sshll.u32 s11, $0x1;
	s11 =	smul.u32 $0x14000, s11  }
0x7: {  	s6 =	sadd.s32 $0x504C00, s0;
	_ =	strace $0x8000004A;
	s7 =	ssub.s32 $0x2, s4  }
0x8: {  	s9 =	sshrl.u32 s7, $0x1;
	s12 =	sadd.s32 $0x5000, s11;
	s13 =	sadd.s32 $0x7800, s11  }
0x9: {  	s16 =	sadd.s32 $0xA000, s11;
	s17 =	sadd.s32 $0xC800, s11;
	s18 =	sadd.s32 $0xF000, s11  }
0xa: {  	s26 =	sshrl.u32 s8, $0x2;
	s7 =	ssub.s32 s7, s9;
	s9 =	sor.u32 s4, s10  }
0xb: {  	s4 =	smul.u32 $0x140000, s4;
	s10 =	sor.u32 $0x2800, s11;
	s8 =	sadd.s32 s17, s2  }
0xc: {  	[dreg:$0x10] =	wrdreg s8;
	s30 =	sshll.u32 s9, $0xE;
	s31 =	smul.u32 $0x7D, s9  }
0xd: {  	s8 =	simm.s32 $0x14000;
	s14 =	sadd.s32 s11, s4;
	s15 =	sadd.s32 s4, s10  }
0xe: {  	s11 =	sadd.s32 $0x11800, s11;
	s19 =	sadd.s32 s4, s12;
	s20 =	sadd.s32 s4, s13  }
0xf: {  	s24 =	sadd.s32 s4, s18;
	s18 =	sadd.s32 s18, s2;
	s14 =	sshrl.u32 s14, $0x3  }
0x10: {  	s15 =	sshrl.u32 s15, $0x3;
	[dreg:$0x11] =	wrdreg s18;
	s14 =	sadd.s32 s6, s14  }
0x11: {  	s23 =	sadd.s32 s4, s17;
	[dreg:$0x4] =	wrdreg s14;
	s14 =	sadd.s32 s6, s15  }
0x12: {  	s15 =	sshrl.u32 s20, $0x3;
	s20 =	sadd.s32 s10, s2;
	s10 =	smul.u32 $0x27100, s9  }
0x13: {  	[dreg:$0x5] =	wrdreg s14;
	s14 =	sshrl.u32 s19, $0x3;
	s19 =	sadd.s32 s4, s16  }
0x14: {  	s21 =	sadd.s32 s6, s15;
	s15 =	sshrl.u32 s24, $0x3;
	[dreg:$0xc] =	wrdreg s20  }
0x15: {  	s4 =	sadd.s32 s4, s11;
	s14 =	sadd.s32 s6, s14;
	[dreg:$0x7] =	wrdreg s21  }
0x16: {  	s22 =	sshrl.u32 s19, $0x3;
	s25 =	sadd.s32 s6, s15;
	s4 =	sshrl.u32 s4, $0x3  }
0x17: {  	s15 =	sadd.s32 $0x2200, s0;
	s19 =	sadd.s32 s26, s2;
	[dreg:$0x6] =	wrdreg s14  }
0x18: {  	s21 =	sadd.s32 s12, s2;
	s12 =	sadd.s32 s11, s2;
	[dreg:$0xa] =	wrdreg s25  }
0x19: {  	s26 =	smax.u32 s7, $0x1;
	s7 =	simm.s32 $0x5;
	[dreg:$0x12] =	wrdreg s12  }
0x1a: {  	s11 =	simm.s32 $0x14100;
	s14 =	sadd.s32 s6, s22;
	[dreg:$0x19] =	wrdreg s26  }
0x1b: {  	s4 =	sadd.s32 s6, s4;
	s22 =	sadd.s32 s13, s2;
	[dreg:$0xd] =	wrdreg s21  }
0x1c: {  	s13 =	sshll.u32 s9, $0xB;
	s12 =	simm.s32 $0x14180;
	[dreg:$0x8] =	wrdreg s14  }
0x1d: {  	s26 =	simm.s32 $0x2;
	s14 =	sshrl.u32 s23, $0x3;
	[dreg:$0xb] =	wrdreg s4  }
0x1e: {  	s23 =	sadd.s32 s15, s13;
	s4 =	sor.u32 $0x10, s13;
	[dreg:$0xe] =	wrdreg s22  }
0x1f: {  	s14 =	sadd.s32 s6, s14;
	s6 =	sadd.s32 s16, s2;
	[dreg:$0x14] =	wrdreg s23  }
0x20: {  	s16 =	smul.u32 $0x138800, s9;
	s9 =	simm.s32 $0x14080;
	[dreg:$0x9] =	wrdreg s14  }
0x21: {  	s14 =	sadd.s32 $0x12C00, s0;
	[dreg:$0xf] =	wrdreg s6;
	s0 =	sadd.s32 s5, s10  }
0x22: {  	s6 =	simm.s32 $0x19200;
	s17 =	sadd.s32 s14, s13;
	[dreg:$0x15] =	wrdreg s0  }
0x23: {  	s10 =	simm.s32 $0x14200;
	s25 =	sadd.s32 s14, s4;
	[dreg:$0x13] =	wrdreg s17  }
0x24: {  	s24 =	sshrl.u32 s16, $0x3;
	s4 =	sadd.s32 s15, s4;
	[dreg:$0x16] =	wrdreg s25  }
0x25: {  	s13 =	simm.s32 $0x16A00;
	[dreg:$0x17] =	wrdreg s4;
	s0 =	sadd.s32 s5, s24  }
0x26: {  	s24 =	simm.s32 $0x1;
	s25 =	simm.s32 $0x50;
	s0 =	sadd.s32 $0x500, s0  }
0x27: {  	v0 =	vimm.f32 $0.0e+00;
	s4 =	simm.s32 $0x0;
	[dreg:$0x18] =	wrdreg s0;
	s0 =	simm.s32 $0x4  }
.LBB2_1:
0x28: {  	s16 =	simm.s32 $0x0;
	s17 =	simm.s32 $0x200  }
.LBB2_2:
0x29: {  	p0 =	sne.s32 s17, $0x9E00;
	[tilespmem:s16+$0x19270] =	vst v0  }
0x2a: {  	[tilespmem:s16+$0x19200] =	vst v0  }
0x2b: {  	[tilespmem:s16+$0x19210] =	vst v0  }
.Ltmp0:
0x2c: {  	[tilespmem:s16+$0x19220] =	vst v0;
	(pc) =	sbr.rel @p0 .LBB2_2-.Ltmp0, $4  }
0x2d: {  	[tilespmem:s16+$0x19230] =	vst v0  }
0x2e: {  	[tilespmem:s16+$0x19240] =	vst v0  }
0x2f: {  	[tilespmem:s16+$0x19250] =	vst v0  }
0x30: {  	[tilespmem:s16+$0x19260] =	vst v0;
	s16 =	sshra.s32 s17, $0x2;
	s17 =	sadd.s32 $0x200, s17  }
0x31: {  	[tilespmem:s16+$0x19270] =	vst v0  }
0x32: {  	[tilespmem:s16+$0x19200] =	vst v0  }
0x33: {  	[tilespmem:s16+$0x19210] =	vst v0  }
0x34: {  	[tilespmem:s16+$0x19220] =	vst v0  }
0x35: {  	[tilespmem:s16+$0x19230] =	vst v0  }
0x36: {  	[tilespmem:s16+$0x19240] =	vst v0  }
0x37: {  	[tilespmem:s16+$0x19250] =	vst v0  }
0x38: {  	[tilespmem:s16+$0x19260] =	vst v0  }
0x39: {  	[spmem:s19] =	stream.linear.scatter [tilespmem:s6], [sflag:$0x5], $0x2800, $0x38;
	[tilespmem:$0x1E200] =	vst v63  }
0x3a: {  	_ =	swait.ge [sflag:s7], $0x2800  }
0x3b: {  	[sflag:s7] =	ssyncset.done $0x0  }
0x3c: {  	[sflag:s7] =	ssyncadd.s32 $0xFFFFD800  }
0x3d: {  	[spmem:s20] =	stream.linear.scatter [tilespmem:s6], [sflag:$0x5], $0x2800, $0x38;
	[tilespmem:$0x1E200] =	vst v63  }
0x3e: {  	_ =	swait.ge [sflag:s7], $0x2800  }
0x3f: {  	[sflag:s7] =	ssyncset.done $0x0  }
0x40: {  	[sflag:s7] =	ssyncadd.s32 $0xFFFFD800  }
0x41: {  	[spmem:s21] =	stream.linear.scatter [tilespmem:s6], [sflag:$0x5], $0x2800, $0x38;
	[tilespmem:$0x1E200] =	vst v63  }
0x42: {  	_ =	swait.ge [sflag:s7], $0x2800  }
0x43: {  	[sflag:s7] =	ssyncset.done $0x0  }
0x44: {  	[sflag:s7] =	ssyncadd.s32 $0xFFFFD800  }
0x45: {  	[spmem:s22] =	stream.linear.scatter [tilespmem:s6], [sflag:$0x5], $0x2800, $0x38;
	[tilespmem:$0x1E200] =	vst v63  }
0x46: {  	_ =	swait.ge [sflag:s7], $0x2800  }
0x47: {  	[sflag:s7] =	ssyncset.done $0x0  }
0x48: {  	s21 =	rddreg [dreg:$0xf];
	[sflag:s7] =	ssyncadd.s32 $0xFFFFD800  }
0x49: {  	[spmem:s21] =	stream.linear.scatter [tilespmem:s6], [sflag:$0x5], $0x2800, $0x38;
	[tilespmem:$0x1E200] =	vst v63  }
0x4a: {  	_ =	swait.ge [sflag:s7], $0x2800  }
0x4b: {  	[sflag:s7] =	ssyncset.done $0x0  }
0x4c: {  	s22 =	rddreg [dreg:$0x10];
	[sflag:s7] =	ssyncadd.s32 $0xFFFFD800  }
0x4d: {  	[spmem:s22] =	stream.linear.scatter [tilespmem:s6], [sflag:$0x5], $0x2800, $0x38;
	[tilespmem:$0x1E200] =	vst v63  }
0x4e: {  	_ =	swait.ge [sflag:s7], $0x2800  }
0x4f: {  	[sflag:s7] =	ssyncset.done $0x0  }
0x50: {  	[sflag:s7] =	ssyncadd.s32 $0xFFFFD800  }
0x51: {  	[spmem:s18] =	stream.linear.scatter [tilespmem:s6], [sflag:$0x5], $0x2800, $0x38;
	[tilespmem:$0x1E200] =	vst v63  }
0x52: {  	_ =	swait.ge [sflag:s7], $0x2800  }
0x53: {  	[sflag:s7] =	ssyncset.done $0x0  }
0x54: {  	s17 =	rddreg [dreg:$0x12];
	[sflag:s7] =	ssyncadd.s32 $0xFFFFD800  }
0x55: {  	[spmem:s17] =	stream.linear.scatter [tilespmem:s6], [sflag:$0x5], $0x2800, $0x38;
	[tilespmem:$0x1E200] =	vst v63  }
0x56: {  	_ =	swait.ge [sflag:s7], $0x2800  }
0x57: {  	[sflag:s7] =	ssyncset.done $0x0  }
0x58: {  	[sflag:s7] =	ssyncadd.s32 $0xFFFFD800  }
0x59: {  	[bflag:$0x0] =	sbarrier.arrive $0xFFFF  }
0x5a: {  	s16 =	simm.s32 $0x0;
	s17 =	rddreg [dreg:$0x13]  }
0x5b: {  	[tilespmem:s8], [sflag:$0x1] =	stream.linear.gather [hbm4b:s17+s16], $0x80, $0x38;
	[tilespmem:$0x1E200] =	vst v63  }
0x5c: {  	s18 =	rddreg [dreg:$0x14]  }
0x5d: {  	[tilespmem:s9], [sflag:$0x1] =	stream.linear.gather [hbm4b:s18+s16], $0x80, $0x38;
	[tilespmem:$0x1E200] =	vst v63  }
0x5e: {  	s23 =	smov.u32 s19;
	s19 =	rddreg [dreg:$0x15]  }
0x5f: {  	[tilespmem:s10], [sflag:$0x1] =	stream.linear.gather [hbm4b:s19+s16], $0x2800, $0x38;
	[tilespmem:$0x1E200] =	vst v63  }
0x60: {  	s20 =	rddreg [dreg:$0x16]  }
0x61: {  	[tilespmem:s11], [sflag:$0x2] =	stream.linear.gather [hbm4b:s20+s16], $0x80, $0x38;
	[tilespmem:$0x1E200] =	vst v63  }
0x62: {  	s21 =	rddreg [dreg:$0x17]  }
0x63: {  	[tilespmem:s12], [sflag:$0x2] =	stream.linear.gather [hbm4b:s21+s16], $0x80, $0x38;
	[tilespmem:$0x1E200] =	vst v63  }
0x64: {  	s22 =	rddreg [dreg:$0x18]  }
0x65: {  	[tilespmem:s13], [sflag:$0x2] =	stream.linear.gather [hbm4b:s22+s16], $0x2800, $0x38;
	[tilespmem:$0x1E200] =	vst v63  }
0x66: {  	_ =	swait.ge [sflag:s24], $0x80  }
0x67: {  	[sflag:s24] =	ssyncset.done $0x0  }
0x68: {  	[sflag:s24] =	ssyncadd.s32 $0xFFFFFF80  }
0x69: {  	_ =	swait.ge [sflag:s24], $0x80  }
0x6a: {  	[sflag:s24] =	ssyncset.done $0x0  }
0x6b: {  	[sflag:s24] =	ssyncadd.s32 $0xFFFFFF80  }
0x6c: {  	_ =	swait.ge [sflag:s24], $0x2800  }
0x6d: {  	[sflag:s24] =	ssyncset.done $0x0  }
0x6e: {  	[sflag:s24] =	ssyncadd.s32 $0xFFFFD800  }
0x6f: {  	[tilespmem:s6], [sflag:$0x3] =	stream.indirect.gather [hbm4b:s1+s25], $0x80, s8, s25, $0xb8;
	[tilespmem:$0x1E200] =	vst v63  }
.LBB2_4:
0x70: {  	_ =	swait.ge [sflag:s26], $0x80  }
0x71: {  	[sflag:s26] =	ssyncset.done $0x0  }
0x72: {  	[sflag:s26] =	ssyncadd.s32 $0xFFFFFF80  }
0x73: {  	_ =	swait.ge [sflag:s26], $0x80  }
0x74: {  	[sflag:s26] =	ssyncset.done $0x0  }
0x75: {  	[sflag:s26] =	ssyncadd.s32 $0xFFFFFF80  }
0x76: {  	_ =	swait.ge [sflag:s26], $0x2800  }
0x77: {  	[sflag:s26] =	ssyncset.done $0x0  }
0x78: {  	[sflag:s26] =	ssyncadd.s32 $0xFFFFD800  }
0x79: {  	[tilespmem:s28], [sflag:$0x4] =	stream.indirect.gather [hbm4b:s1+s25], $0x80, s11, s25, $0xb8;
	[tilespmem:$0x1E200] =	vst v63  }
0x7a: {  	_ =	swait.ge [sflag:s29], $0x2800  }
0x7b: {  	[sflag:s29] =	ssyncset.done $0x0  }
0x7c: {  	s17 =	simm.s32 $0x19300;
	[sflag:s29] =	ssyncadd.s32 $0xFFFFD800  }
0x7d: {  	s18 =	simm.s32 $0x14300;
	v1 =	vld [tilespmem:s17+$0x80]  }
0x7e: {  	v2 =	vld [tilespmem:s18+$0x80]  }
0x7f: {  	v3 =	vld [tilespmem:s18+$0xFFFFFF00]  }
0x80: {  	v4 =	vld [tilespmem:s17+$0xFFFFFF80]  }
0x81: {  	v5 =	vld [tilespmem:s18+$0xFFFFFF80]  }
0x82: {  	v6 =	vld [tilespmem:s18+$0x0]  }
0x83: {  	v1 =	vadd.f32 v2, v1;
	v2 =	vld [tilespmem:s17+$0x0]  }
0x84: {  	v7 =	vld [tilespmem:s17+$0xFFFFFF00]  }
0x85: {  	v1 =	vmax.f32 v1, $0.0e+00  }
0x86: {  	v4 =	vadd.f32 v5, v4;
	[tilespmem:s17+$0x80] =	vst v1;
	v1 =	vld [tilespmem:s17+$0x90]  }
0x87: {  	v8 =	vld [tilespmem:s18+$0x90]  }
0x88: {  	v9 =	vld [tilespmem:s17+$0xFFFFFF90];
	v4 =	vmax.f32 v4, $0.0e+00;
	v2 =	vadd.f32 v6, v2  }
0x89: {  	v5 =	vld [tilespmem:s17+$0xFFFFFF10];
	v3 =	vadd.f32 v3, v7;
	[tilespmem:s17+$0xFFFFFF80] =	vst v4  }
0x8a: {  	v6 =	vld [tilespmem:s18+$0xFFFFFF90];
	v2 =	vmax.f32 v2, $0.0e+00  }
0x8b: {  	v3 =	vmax.f32 v3, $0.0e+00;
	v4 =	vld [tilespmem:s17+$0x10];
	[tilespmem:s17+$0x0] =	vst v2  }
0x8c: {  	[tilespmem:s17+$0xFFFFFF00] =	vst v3;
	v1 =	vadd.f32 v8, v1;
	v2 =	vld [tilespmem:s18+$0x10]  }
0x8d: {  	v3 =	vld [tilespmem:s18+$0xFFFFFF10]  }
0x8e: {  	v1 =	vmax.f32 v1, $0.0e+00  }
0x8f: {  	v6 =	vadd.f32 v6, v9;
	[tilespmem:s17+$0x90] =	vst v1;
	v1 =	vld [tilespmem:s17+$0xA0]  }
0x90: {  	v8 =	vld [tilespmem:s18+$0xA0]  }
0x91: {  	v7 =	vld [tilespmem:s17+$0xFFFFFF20];
	v6 =	vmax.f32 v6, $0.0e+00;
	v2 =	vadd.f32 v2, v4  }
0x92: {  	v3 =	vadd.f32 v3, v5;
	v9 =	vld [tilespmem:s17+$0xFFFFFFA0];
	[tilespmem:s17+$0xFFFFFF90] =	vst v6  }
0x93: {  	v5 =	vld [tilespmem:s18+$0xFFFFFFA0];
	v2 =	vmax.f32 v2, $0.0e+00  }
0x94: {  	v3 =	vmax.f32 v3, $0.0e+00;
	v4 =	vld [tilespmem:s17+$0x20];
	[tilespmem:s17+$0x10] =	vst v2  }
0x95: {  	[tilespmem:s17+$0xFFFFFF10] =	vst v3;
	v1 =	vadd.f32 v8, v1;
	v2 =	vld [tilespmem:s18+$0x20]  }
0x96: {  	v3 =	vld [tilespmem:s18+$0xFFFFFF20]  }
0x97: {  	v1 =	vmax.f32 v1, $0.0e+00  }
0x98: {  	v5 =	vadd.f32 v5, v9;
	[tilespmem:s17+$0xA0] =	vst v1;
	v1 =	vld [tilespmem:s17+$0xB0]  }
0x99: {  	v8 =	vld [tilespmem:s18+$0xB0]  }
0x9a: {  	v10 =	vld [tilespmem:s17+$0x30];
	v5 =	vmax.f32 v5, $0.0e+00;
	v2 =	vadd.f32 v2, v4  }
0x9b: {  	v3 =	vadd.f32 v3, v7;
	v9 =	vld [tilespmem:s17+$0xFFFFFFB0];
	[tilespmem:s17+$0xFFFFFFA0] =	vst v5  }
0x9c: {  	v4 =	vld [tilespmem:s18+$0xFFFFFFB0];
	v2 =	vmax.f32 v2, $0.0e+00  }
0x9d: {  	v6 =	vld [tilespmem:s17+$0xFFFFFF30];
	[tilespmem:s17+$0x20] =	vst v2;
	v2 =	vmax.f32 v3, $0.0e+00  }
0x9e: {  	v1 =	vadd.f32 v8, v1;
	[tilespmem:s17+$0xFFFFFF20] =	vst v2;
	v2 =	vld [tilespmem:s18+$0x30]  }
0x9f: {  	v7 =	vld [tilespmem:s18+$0xFFFFFF30]  }
0xa0: {  	v11 =	vld [tilespmem:s17+$0xFFFFFF40];
	v1 =	vmax.f32 v1, $0.0e+00  }
0xa1: {  	v4 =	vadd.f32 v4, v9;
	[tilespmem:s17+$0xB0] =	vst v1;
	v1 =	vld [tilespmem:s17+$0xC0]  }
0xa2: {  	v8 =	vld [tilespmem:s18+$0xC0]  }
0xa3: {  	v12 =	vld [tilespmem:s17+$0xFFFFFFD0];
	v4 =	vmax.f32 v4, $0.0e+00;
	v2 =	vadd.f32 v2, v10  }
0xa4: {  	v5 =	vld [tilespmem:s17+$0xFFFFFFC0];
	[tilespmem:s17+$0xFFFFFFB0] =	vst v4;
	v6 =	vadd.f32 v7, v6  }
0xa5: {  	v7 =	vld [tilespmem:s18+$0xFFFFFFC0];
	v2 =	vmax.f32 v2, $0.0e+00  }
0xa6: {  	v3 =	vld [tilespmem:s17+$0x40];
	[tilespmem:s17+$0x30] =	vst v2;
	v2 =	vmax.f32 v6, $0.0e+00  }
0xa7: {  	v1 =	vadd.f32 v8, v1;
	v6 =	vld [tilespmem:s18+$0x40];
	[tilespmem:s17+$0xFFFFFF30] =	vst v2  }
0xa8: {  	v2 =	vld [tilespmem:s18+$0xFFFFFF40]  }
0xa9: {  	v9 =	vld [tilespmem:s17+$0xFFFFFF50];
	v1 =	vmax.f32 v1, $0.0e+00  }
0xaa: {  	[tilespmem:s17+$0xC0] =	vst v1;
	v1 =	vadd.f32 v7, v5;
	v7 =	vld [tilespmem:s17+$0xD0]  }
0xab: {  	v8 =	vld [tilespmem:s18+$0xD0]  }
0xac: {  	v4 =	vld [tilespmem:s17+$0xFFFFFF60];
	v1 =	vmax.f32 v1, $0.0e+00;
	v3 =	vadd.f32 v6, v3  }
0xad: {  	v10 =	vld [tilespmem:s17+$0x50];
	[tilespmem:s17+$0xFFFFFFC0] =	vst v1;
	v1 =	vadd.f32 v2, v11  }
0xae: {  	v2 =	vld [tilespmem:s18+$0xFFFFFFD0];
	v3 =	vmax.f32 v3, $0.0e+00  }
0xaf: {  	v5 =	vld [tilespmem:s17+$0xFFFFFFE0];
	[tilespmem:s17+$0x40] =	vst v3;
	v1 =	vmax.f32 v1, $0.0e+00  }
0xb0: {  	v3 =	vld [tilespmem:s18+$0x50];
	v7 =	vadd.f32 v8, v7;
	[tilespmem:s17+$0xFFFFFF40] =	vst v1  }
0xb1: {  	v1 =	vld [tilespmem:s18+$0xFFFFFF50]  }
0xb2: {  	v6 =	vld [tilespmem:s17+$0x60];
	v7 =	vmax.f32 v7, $0.0e+00  }
0xb3: {  	v2 =	vadd.f32 v2, v12;
	[tilespmem:s17+$0xD0] =	vst v7;
	v7 =	vld [tilespmem:s17+$0xE0]  }
0xb4: {  	v11 =	vld [tilespmem:s18+$0xE0]  }
0xb5: {  	v2 =	vmax.f32 v2, $0.0e+00;
	v8 =	vadd.f32 v3, v10;
	v3 =	vld [tilespmem:s17+$0xFFFFFF70]  }
0xb6: {  	[tilespmem:s17+$0xFFFFFFD0] =	vst v2;
	v1 =	vadd.f32 v1, v9;
	v2 =	vld [tilespmem:s17+$0xFFFFFFF0]  }
0xb7: {  	v9 =	vmax.f32 v8, $0.0e+00;
	v8 =	vld [tilespmem:s18+$0xFFFFFFE0]  }
0xb8: {  	[tilespmem:s17+$0x50] =	vst v9;
	v9 =	vmax.f32 v1, $0.0e+00;
	v1 =	vld [tilespmem:s17+$0x70]  }
0xb9: {  	[tilespmem:s17+$0xFFFFFF50] =	vst v9;
	v9 =	vld [tilespmem:s18+$0x60];
	v7 =	vadd.f32 v11, v7  }
0xba: {  	v10 =	vld [tilespmem:s18+$0xFFFFFF60]  }
0xbb: {  	s19 =	simm.s32 $0x0;
	s20 =	simm.s32 $0x19500;
	s21 =	simm.s32 $0x14300;
	v11 =	vmax.f32 v7, $0.0e+00;
	v7 =	vld [tilespmem:s17+$0xF0]  }
.LBB2_5:
0xbc: {  	v12 =	vld [tilespmem:s20+$0x80];
	v5 =	vadd.f32 v8, v5;
	[tilespmem:s17+$0xE0] =	vst v11  }
0xbd: {  	s21 =	sadd.s32 $0x200, s21;
	v8 =	vld [tilespmem:s18+$0xF0]  }
0xbe: {  	s19 =	sadd.s32 $0x4, s19;
	v11 =	vld [tilespmem:s21+$0x80];
	v5 =	vmax.f32 v5, $0.0e+00;
	v6 =	vadd.f32 v9, v6  }
0xbf: {  	p0 =	slt.u32 s19, $0x4C;
	v9 =	vld [tilespmem:s21+$0xFFFFFF00];
	v4 =	vadd.f32 v10, v4;
	[tilespmem:s17+$0xFFFFFFE0] =	vst v5  }
0xc0: {  	v5 =	vld [tilespmem:s20+$0xFFFFFF80];
	v6 =	vmax.f32 v6, $0.0e+00  }
0xc1: {  	v10 =	vld [tilespmem:s21+$0xFFFFFF80];
	v4 =	vmax.f32 v4, $0.0e+00;
	[tilespmem:s17+$0x60] =	vst v6  }
0xc2: {  	v6 =	vld [tilespmem:s20+$0x0];
	[tilespmem:s17+$0xFFFFFF60] =	vst v4;
	v4 =	vadd.f32 v8, v7  }
0xc3: {  	v7 =	vld [tilespmem:s21+$0x0];
	v8 =	vadd.f32 v11, v12  }
0xc4: {  	v11 =	vld [tilespmem:s20+$0xFFFFFF00];
	v4 =	vmax.f32 v4, $0.0e+00  }
0xc5: {  	v12 =	vld [tilespmem:s20+$0xFFFFFF10];
	v8 =	vmax.f32 v8, $0.0e+00;
	[tilespmem:s17+$0xF0] =	vst v4  }
0xc6: {  	v4 =	vadd.f32 v10, v5;
	[tilespmem:s20+$0x80] =	vst v8;
	v5 =	vld [tilespmem:s20+$0x90]  }
0xc7: {  	v8 =	vld [tilespmem:s21+$0x90]  }
0xc8: {  	v4 =	vmax.f32 v4, $0.0e+00;
	v10 =	vld [tilespmem:s20+$0xFFFFFF90];
	v6 =	vadd.f32 v7, v6  }
0xc9: {  	v7 =	vadd.f32 v9, v11;
	[tilespmem:s20+$0xFFFFFF80] =	vst v4;
	v4 =	vld [tilespmem:s20+$0x10]  }
0xca: {  	v9 =	vld [tilespmem:s21+$0xFFFFFF90];
	v6 =	vmax.f32 v6, $0.0e+00  }
0xcb: {  	v7 =	vmax.f32 v7, $0.0e+00;
	v11 =	vld [tilespmem:s20+$0xFFFFFF20];
	[tilespmem:s20+$0x0] =	vst v6  }
0xcc: {  	[tilespmem:s20+$0xFFFFFF00] =	vst v7;
	v6 =	vld [tilespmem:s21+$0x10];
	v5 =	vadd.f32 v8, v5  }
0xcd: {  	v7 =	vld [tilespmem:s21+$0xFFFFFF10]  }
0xce: {  	v8 =	vld [tilespmem:s20+$0xFFFFFFA0];
	v5 =	vmax.f32 v5, $0.0e+00  }
0xcf: {  	v9 =	vadd.f32 v9, v10;
	[tilespmem:s20+$0x90] =	vst v5;
	v5 =	vld [tilespmem:s20+$0xA0]  }
0xd0: {  	v10 =	vld [tilespmem:s21+$0xA0]  }
0xd1: {  	v9 =	vmax.f32 v9, $0.0e+00;
	v4 =	vadd.f32 v6, v4;
	v6 =	vld [tilespmem:s20+$0x20]  }
0xd2: {  	v7 =	vadd.f32 v7, v12;
	v12 =	vld [tilespmem:s20+$0xFFFFFF30];
	[tilespmem:s20+$0xFFFFFF90] =	vst v9  }
0xd3: {  	v9 =	vld [tilespmem:s21+$0xFFFFFFA0];
	v4 =	vmax.f32 v4, $0.0e+00  }
0xd4: {  	v7 =	vmax.f32 v7, $0.0e+00;
	v13 =	vld [tilespmem:s20+$0xFFFFFFB0];
	[tilespmem:s20+$0x10] =	vst v4  }
0xd5: {  	[tilespmem:s20+$0xFFFFFF10] =	vst v7;
	v4 =	vld [tilespmem:s21+$0x20];
	v5 =	vadd.f32 v10, v5  }
0xd6: {  	v7 =	vld [tilespmem:s21+$0xFFFFFF20]  }
0xd7: {  	v10 =	vld [tilespmem:s20+$0x30];
	v5 =	vmax.f32 v5, $0.0e+00  }
0xd8: {  	v8 =	vadd.f32 v9, v8;
	[tilespmem:s20+$0xA0] =	vst v5;
	v5 =	vld [tilespmem:s20+$0xB0]  }
0xd9: {  	v9 =	vld [tilespmem:s21+$0xB0]  }
0xda: {  	v14 =	vld [tilespmem:s20+$0xFFFFFF40];
	v8 =	vmax.f32 v8, $0.0e+00;
	v4 =	vadd.f32 v4, v6  }
0xdb: {  	v6 =	vadd.f32 v7, v11;
	[tilespmem:s20+$0xFFFFFFA0] =	vst v8;
	v7 =	vld [tilespmem:s20+$0xFFFFFFC0]  }
0xdc: {  	v8 =	vld [tilespmem:s21+$0xFFFFFFB0];
	v4 =	vmax.f32 v4, $0.0e+00  }
0xdd: {  	v6 =	vmax.f32 v6, $0.0e+00;
	[tilespmem:s20+$0x20] =	vst v4;
	v11 =	vld [tilespmem:s20+$0x40]  }
0xde: {  	[tilespmem:s20+$0xFFFFFF20] =	vst v6;
	v4 =	vld [tilespmem:s21+$0x30];
	v5 =	vadd.f32 v9, v5  }
0xdf: {  	v6 =	vld [tilespmem:s21+$0xFFFFFF30]  }
0xe0: {  	v9 =	vld [tilespmem:s20+$0xFFFFFF50];
	v5 =	vmax.f32 v5, $0.0e+00  }
0xe1: {  	v8 =	vadd.f32 v8, v13;
	[tilespmem:s20+$0xB0] =	vst v5;
	v5 =	vld [tilespmem:s20+$0xC0]  }
0xe2: {  	v13 =	vld [tilespmem:s21+$0xC0]  }
0xe3: {  	v8 =	vmax.f32 v8, $0.0e+00;
	v15 =	vld [tilespmem:s20+$0xFFFFFFD0];
	v4 =	vadd.f32 v4, v10  }
0xe4: {  	v6 =	vadd.f32 v6, v12;
	[tilespmem:s20+$0xFFFFFFB0] =	vst v8;
	v8 =	vld [tilespmem:s20+$0x50]  }
0xe5: {  	v10 =	vld [tilespmem:s21+$0xFFFFFFC0];
	v12 =	vmax.f32 v4, $0.0e+00  }
0xe6: {  	v6 =	vmax.f32 v6, $0.0e+00;
	v4 =	vld [tilespmem:s20+$0xFFFFFF60];
	[tilespmem:s20+$0x30] =	vst v12  }
0xe7: {  	[tilespmem:s20+$0xFFFFFF30] =	vst v6;
	v6 =	vld [tilespmem:s21+$0x40];
	v12 =	vadd.f32 v13, v5  }
0xe8: {  	v13 =	vld [tilespmem:s21+$0xFFFFFF40]  }
0xe9: {  	v5 =	vld [tilespmem:s20+$0xFFFFFFE0];
	v12 =	vmax.f32 v12, $0.0e+00  }
0xea: {  	v7 =	vadd.f32 v10, v7;
	[tilespmem:s20+$0xC0] =	vst v12;
	v10 =	vld [tilespmem:s20+$0xD0]  }
0xeb: {  	v12 =	vld [tilespmem:s21+$0xD0]  }
0xec: {  	v7 =	vmax.f32 v7, $0.0e+00;
	v11 =	vadd.f32 v6, v11;
	v6 =	vld [tilespmem:s20+$0x60]  }
0xed: {  	v13 =	vadd.f32 v13, v14;
	[tilespmem:s20+$0xFFFFFFC0] =	vst v7;
	v7 =	vld [tilespmem:s18+$0xFFFFFF70]  }
0xee: {  	v14 =	vld [tilespmem:s21+$0xFFFFFFD0];
	v11 =	vmax.f32 v11, $0.0e+00  }
0xef: {  	v13 =	vmax.f32 v13, $0.0e+00;
	[tilespmem:s20+$0x40] =	vst v11;
	v11 =	vld [tilespmem:s18+$0xFFFFFFF0]  }
0xf0: {  	[tilespmem:s20+$0xFFFFFF40] =	vst v13;
	v13 =	vld [tilespmem:s21+$0x50];
	v10 =	vadd.f32 v12, v10  }
0xf1: {  	v12 =	vld [tilespmem:s21+$0xFFFFFF50]  }
0xf2: {  	v10 =	vmax.f32 v10, $0.0e+00;
	v3 =	vadd.f32 v7, v3;
	v7 =	vld [tilespmem:s18+$0x70];
	s18 =	smov.u32 s21  }
0xf3: {  	v14 =	vadd.f32 v14, v15;
	[tilespmem:s20+$0xD0] =	vst v10;
	v10 =	vld [tilespmem:s20+$0xE0]  }
0xf4: {  	v15 =	vld [tilespmem:s21+$0xE0];
	v16 =	vmax.f32 v3, $0.0e+00;
	v11 =	vadd.f32 v11, v2  }
0xf5: {  	v3 =	vld [tilespmem:s20+$0xFFFFFF70];
	v2 =	vmax.f32 v14, $0.0e+00;
	v13 =	vadd.f32 v13, v8;
	[tilespmem:s17+$0xFFFFFF70] =	vst v16  }
0xf6: {  	v9 =	vadd.f32 v12, v9;
	[tilespmem:s20+$0xFFFFFFD0] =	vst v2;
	v2 =	vld [tilespmem:s20+$0xFFFFFFF0];
	v11 =	vmax.f32 v11, $0.0e+00  }
.Ltmp1:
0xf7: {  	v8 =	vld [tilespmem:s21+$0xFFFFFFE0];
	v12 =	vmax.f32 v13, $0.0e+00;
	[tilespmem:s17+$0xFFFFFFF0] =	vst v11;
	v7 =	vadd.f32 v7, v1;
	(pc) =	sbr.rel @p0 .LBB2_5-.Ltmp1, $4  }
0xf8: {  	v9 =	vmax.f32 v9, $0.0e+00;
	[tilespmem:s20+$0x50] =	vst v12;
	v1 =	vld [tilespmem:s20+$0x70]  }
0xf9: {  	[tilespmem:s20+$0xFFFFFF50] =	vst v9;
	v9 =	vld [tilespmem:s21+$0x60];
	v11 =	vadd.f32 v15, v10;
	v7 =	vmax.f32 v7, $0.0e+00  }
0xfa: {  	v10 =	vld [tilespmem:s21+$0xFFFFFF60];
	[tilespmem:s17+$0x70] =	vst v7;
	s17 =	smov.u32 s20  }
0xfb: {  	s20 =	sadd.s32 $0x200, s20;
	v11 =	vmax.f32 v11, $0.0e+00;
	v7 =	vld [tilespmem:s17+$0xF0]  }
0xfc: {  	_ =	sdelay $0x2  }
0xfd: {  	v4 =	vadd.f32 v10, v4  }
0xfe: {  	v5 =	vadd.f32 v8, v5  }
0xff: {  	[tilespmem:s17+$0xE0] =	vst v11;
	v6 =	vadd.f32 v9, v6;
	v4 =	vmax.f32 v4, $0.0e+00  }
0x100: {  	v8 =	vld [tilespmem:s18+$0xF0];
	v5 =	vmax.f32 v5, $0.0e+00;
	[tilespmem:s17+$0xFFFFFF60] =	vst v4  }
0x101: {  	[tilespmem:s17+$0xFFFFFFE0] =	vst v5;
	v4 =	vmax.f32 v6, $0.0e+00;
	v5 =	vld [tilespmem:s18+$0xFFFFFF70]  }
0x102: {  	[tilespmem:s17+$0x60] =	vst v4;
	v4 =	vld [tilespmem:s18+$0xFFFFFFF0]  }
0x103: {  	v6 =	vld [tilespmem:s18+$0x70];
	_ =	sdelay $0x1  }
0x104: {  	v7 =	vadd.f32 v8, v7  }
0x105: {  	v3 =	vadd.f32 v5, v3  }
0x106: {  	v5 =	vmax.f32 v7, $0.0e+00;
	v2 =	vadd.f32 v4, v2  }
0x107: {  	[tilespmem:s17+$0xF0] =	vst v5;
	v1 =	vadd.f32 v6, v1;
	v3 =	vmax.f32 v3, $0.0e+00  }
0x108: {  	v2 =	vmax.f32 v2, $0.0e+00;
	[tilespmem:s17+$0xFFFFFF70] =	vst v3  }
0x109: {  	[tilespmem:s17+$0xFFFFFFF0] =	vst v2;
	v1 =	vmax.f32 v1, $0.0e+00  }
0x10a: {  	[tilespmem:s17+$0x70] =	vst v1;
	s17 =	sshll.u32 s16, $0x1  }
0x10b: {  	[spmem:s2] =	stream.indirect.scatter.add.f32 [tilespmem:s6], [sflag:$0x5], $0x80, s9, s25, $0xb8;
	[tilespmem:$0x1E200] =	vst v63  }
0x10c: {  	s21 =	sadd.s32 $0x2, s17  }
0x10d: {  	s19 =	sshll.u32 s21, $0x7  }
0x10e: {  	s20 =	sand.u32 $0x7C00, s19  }
0x10f: {  	s19 =	sand.u32 $0x300, s19;
	s20 =	sadd.s32 s30, s20  }
0x110: {  	_ =	swait.ge [sflag:s7], $0x2800;
	s19 =	sor.u32 s19, s20  }
0x111: {  	[sflag:s7] =	ssyncset.done $0x0;
	s19 =	sshrl.u32 s19, $0x3  }
0x112: {  	s18 =	sadd.s32 s31, s21;
	[sflag:s7] =	ssyncadd.s32 $0xFFFFD800;
	s22 =	sadd.s32 s14, s19  }
0x113: {  	[tilespmem:s8], [sflag:$0x1] =	stream.linear.gather [hbm4b:s22+s3], $0x80, $0x38;
	[tilespmem:$0x1E200] =	vst v63  }
0x114: {  	s18 =	smul.u32 $0x500, s18;
	s19 =	sadd.s32 s15, s19  }
0x115: {  	[tilespmem:s9], [sflag:$0x1] =	stream.linear.gather [hbm4b:s19+s3], $0x80, $0x38;
	[tilespmem:$0x1E200] =	vst v63  }
0x116: {  	s18 =	sadd.s32 s5, s18  }
0x117: {  	[tilespmem:s10], [sflag:$0x1] =	stream.linear.gather [hbm4b:s18+s3], $0x2800, $0x38;
	[tilespmem:$0x1E200] =	vst v63  }
0x118: {  	_ =	swait.ge [sflag:s0], $0x2800  }
0x119: {  	[sflag:s0] =	ssyncset.done $0x0  }
0x11a: {  	s18 =	simm.s32 $0x1BB00;
	[sflag:s0] =	ssyncadd.s32 $0xFFFFD800  }
0x11b: {  	s19 =	simm.s32 $0x16B00;
	v1 =	vld [tilespmem:s18+$0x80]  }
0x11c: {  	v2 =	vld [tilespmem:s19+$0x80]  }
0x11d: {  	v3 =	vld [tilespmem:s19+$0xFFFFFF00]  }
0x11e: {  	v4 =	vld [tilespmem:s18+$0xFFFFFF80]  }
0x11f: {  	v5 =	vld [tilespmem:s19+$0xFFFFFF80]  }
0x120: {  	v6 =	vld [tilespmem:s19+$0x0]  }
0x121: {  	v1 =	vadd.f32 v2, v1;
	v2 =	vld [tilespmem:s18+$0x0]  }
0x122: {  	v7 =	vld [tilespmem:s18+$0xFFFFFF00]  }
0x123: {  	v1 =	vmax.f32 v1, $0.0e+00  }
0x124: {  	v4 =	vadd.f32 v5, v4;
	[tilespmem:s18+$0x80] =	vst v1;
	v1 =	vld [tilespmem:s18+$0x90]  }
0x125: {  	v8 =	vld [tilespmem:s19+$0x90]  }
0x126: {  	v9 =	vld [tilespmem:s18+$0xFFFFFF90];
	v4 =	vmax.f32 v4, $0.0e+00;
	v2 =	vadd.f32 v6, v2  }
0x127: {  	v5 =	vld [tilespmem:s18+$0xFFFFFF10];
	v3 =	vadd.f32 v3, v7;
	[tilespmem:s18+$0xFFFFFF80] =	vst v4  }
0x128: {  	v6 =	vld [tilespmem:s19+$0xFFFFFF90];
	v2 =	vmax.f32 v2, $0.0e+00  }
0x129: {  	v3 =	vmax.f32 v3, $0.0e+00;
	v4 =	vld [tilespmem:s18+$0x10];
	[tilespmem:s18+$0x0] =	vst v2  }
0x12a: {  	[tilespmem:s18+$0xFFFFFF00] =	vst v3;
	v1 =	vadd.f32 v8, v1;
	v2 =	vld [tilespmem:s19+$0x10]  }
0x12b: {  	v3 =	vld [tilespmem:s19+$0xFFFFFF10]  }
0x12c: {  	v1 =	vmax.f32 v1, $0.0e+00  }
0x12d: {  	v6 =	vadd.f32 v6, v9;
	[tilespmem:s18+$0x90] =	vst v1;
	v1 =	vld [tilespmem:s18+$0xA0]  }
0x12e: {  	v8 =	vld [tilespmem:s19+$0xA0]  }
0x12f: {  	v7 =	vld [tilespmem:s18+$0xFFFFFF20];
	v6 =	vmax.f32 v6, $0.0e+00;
	v2 =	vadd.f32 v2, v4  }
0x130: {  	v3 =	vadd.f32 v3, v5;
	v9 =	vld [tilespmem:s18+$0xFFFFFFA0];
	[tilespmem:s18+$0xFFFFFF90] =	vst v6  }
0x131: {  	v5 =	vld [tilespmem:s19+$0xFFFFFFA0];
	v2 =	vmax.f32 v2, $0.0e+00  }
0x132: {  	v3 =	vmax.f32 v3, $0.0e+00;
	v4 =	vld [tilespmem:s18+$0x20];
	[tilespmem:s18+$0x10] =	vst v2  }
0x133: {  	[tilespmem:s18+$0xFFFFFF10] =	vst v3;
	v1 =	vadd.f32 v8, v1;
	v2 =	vld [tilespmem:s19+$0x20]  }
0x134: {  	v3 =	vld [tilespmem:s19+$0xFFFFFF20]  }
0x135: {  	v1 =	vmax.f32 v1, $0.0e+00  }
0x136: {  	v5 =	vadd.f32 v5, v9;
	[tilespmem:s18+$0xA0] =	vst v1;
	v1 =	vld [tilespmem:s18+$0xB0]  }
0x137: {  	v8 =	vld [tilespmem:s19+$0xB0]  }
0x138: {  	v10 =	vld [tilespmem:s18+$0x30];
	v5 =	vmax.f32 v5, $0.0e+00;
	v2 =	vadd.f32 v2, v4  }
0x139: {  	v3 =	vadd.f32 v3, v7;
	v9 =	vld [tilespmem:s18+$0xFFFFFFB0];
	[tilespmem:s18+$0xFFFFFFA0] =	vst v5  }
0x13a: {  	v4 =	vld [tilespmem:s19+$0xFFFFFFB0];
	v2 =	vmax.f32 v2, $0.0e+00  }
0x13b: {  	v6 =	vld [tilespmem:s18+$0xFFFFFF30];
	[tilespmem:s18+$0x20] =	vst v2;
	v2 =	vmax.f32 v3, $0.0e+00  }
0x13c: {  	v1 =	vadd.f32 v8, v1;
	[tilespmem:s18+$0xFFFFFF20] =	vst v2;
	v2 =	vld [tilespmem:s19+$0x30]  }
0x13d: {  	v7 =	vld [tilespmem:s19+$0xFFFFFF30]  }
0x13e: {  	v11 =	vld [tilespmem:s18+$0xFFFFFF40];
	v1 =	vmax.f32 v1, $0.0e+00  }
0x13f: {  	v4 =	vadd.f32 v4, v9;
	[tilespmem:s18+$0xB0] =	vst v1;
	v1 =	vld [tilespmem:s18+$0xC0]  }
0x140: {  	v8 =	vld [tilespmem:s19+$0xC0]  }
0x141: {  	v12 =	vld [tilespmem:s18+$0xFFFFFFD0];
	v4 =	vmax.f32 v4, $0.0e+00;
	v2 =	vadd.f32 v2, v10  }
0x142: {  	v5 =	vld [tilespmem:s18+$0xFFFFFFC0];
	[tilespmem:s18+$0xFFFFFFB0] =	vst v4;
	v6 =	vadd.f32 v7, v6  }
0x143: {  	v7 =	vld [tilespmem:s19+$0xFFFFFFC0];
	v2 =	vmax.f32 v2, $0.0e+00  }
0x144: {  	v3 =	vld [tilespmem:s18+$0x40];
	[tilespmem:s18+$0x30] =	vst v2;
	v2 =	vmax.f32 v6, $0.0e+00  }
0x145: {  	v1 =	vadd.f32 v8, v1;
	v6 =	vld [tilespmem:s19+$0x40];
	[tilespmem:s18+$0xFFFFFF30] =	vst v2  }
0x146: {  	v2 =	vld [tilespmem:s19+$0xFFFFFF40]  }
0x147: {  	v9 =	vld [tilespmem:s18+$0xFFFFFF50];
	v1 =	vmax.f32 v1, $0.0e+00  }
0x148: {  	[tilespmem:s18+$0xC0] =	vst v1;
	v1 =	vadd.f32 v7, v5;
	v7 =	vld [tilespmem:s18+$0xD0]  }
0x149: {  	v8 =	vld [tilespmem:s19+$0xD0]  }
0x14a: {  	v4 =	vld [tilespmem:s18+$0xFFFFFF60];
	v1 =	vmax.f32 v1, $0.0e+00;
	v3 =	vadd.f32 v6, v3  }
0x14b: {  	v10 =	vld [tilespmem:s18+$0x50];
	[tilespmem:s18+$0xFFFFFFC0] =	vst v1;
	v1 =	vadd.f32 v2, v11  }
0x14c: {  	v2 =	vld [tilespmem:s19+$0xFFFFFFD0];
	v3 =	vmax.f32 v3, $0.0e+00  }
0x14d: {  	v5 =	vld [tilespmem:s18+$0xFFFFFFE0];
	[tilespmem:s18+$0x40] =	vst v3;
	v1 =	vmax.f32 v1, $0.0e+00  }
0x14e: {  	v3 =	vld [tilespmem:s19+$0x50];
	v7 =	vadd.f32 v8, v7;
	[tilespmem:s18+$0xFFFFFF40] =	vst v1  }
0x14f: {  	v1 =	vld [tilespmem:s19+$0xFFFFFF50]  }
0x150: {  	v6 =	vld [tilespmem:s18+$0x60];
	v7 =	vmax.f32 v7, $0.0e+00  }
0x151: {  	v2 =	vadd.f32 v2, v12;
	[tilespmem:s18+$0xD0] =	vst v7;
	v7 =	vld [tilespmem:s18+$0xE0]  }
0x152: {  	v11 =	vld [tilespmem:s19+$0xE0]  }
0x153: {  	v2 =	vmax.f32 v2, $0.0e+00;
	v8 =	vadd.f32 v3, v10;
	v3 =	vld [tilespmem:s18+$0xFFFFFF70]  }
0x154: {  	[tilespmem:s18+$0xFFFFFFD0] =	vst v2;
	v1 =	vadd.f32 v1, v9;
	v2 =	vld [tilespmem:s18+$0xFFFFFFF0]  }
0x155: {  	v9 =	vmax.f32 v8, $0.0e+00;
	v8 =	vld [tilespmem:s19+$0xFFFFFFE0]  }
0x156: {  	[tilespmem:s18+$0x50] =	vst v9;
	v9 =	vmax.f32 v1, $0.0e+00;
	v1 =	vld [tilespmem:s18+$0x70]  }
0x157: {  	[tilespmem:s18+$0xFFFFFF50] =	vst v9;
	v9 =	vld [tilespmem:s19+$0x60];
	v7 =	vadd.f32 v11, v7  }
0x158: {  	v10 =	vld [tilespmem:s19+$0xFFFFFF60]  }
0x159: {  	s21 =	simm.s32 $0x1BD00;
	s20 =	simm.s32 $0x0;
	s22 =	simm.s32 $0x16B00;
	v11 =	vmax.f32 v7, $0.0e+00;
	v7 =	vld [tilespmem:s18+$0xF0]  }
.LBB2_7:
0x15a: {  	v12 =	vld [tilespmem:s21+$0x80];
	v5 =	vadd.f32 v8, v5;
	[tilespmem:s18+$0xE0] =	vst v11  }
0x15b: {  	s22 =	sadd.s32 $0x200, s22;
	v8 =	vld [tilespmem:s19+$0xF0]  }
0x15c: {  	s20 =	sadd.s32 $0x4, s20;
	v11 =	vld [tilespmem:s22+$0x80];
	v5 =	vmax.f32 v5, $0.0e+00;
	v6 =	vadd.f32 v9, v6  }
0x15d: {  	p0 =	slt.u32 s20, $0x4C;
	v9 =	vld [tilespmem:s22+$0xFFFFFF00];
	v4 =	vadd.f32 v10, v4;
	[tilespmem:s18+$0xFFFFFFE0] =	vst v5  }
0x15e: {  	v5 =	vld [tilespmem:s21+$0xFFFFFF80];
	v6 =	vmax.f32 v6, $0.0e+00  }
0x15f: {  	v10 =	vld [tilespmem:s22+$0xFFFFFF80];
	v4 =	vmax.f32 v4, $0.0e+00;
	[tilespmem:s18+$0x60] =	vst v6  }
0x160: {  	v6 =	vld [tilespmem:s21+$0x0];
	[tilespmem:s18+$0xFFFFFF60] =	vst v4;
	v4 =	vadd.f32 v8, v7  }
0x161: {  	v7 =	vld [tilespmem:s22+$0x0];
	v8 =	vadd.f32 v11, v12  }
0x162: {  	v11 =	vld [tilespmem:s21+$0xFFFFFF00];
	v4 =	vmax.f32 v4, $0.0e+00  }
0x163: {  	v12 =	vld [tilespmem:s21+$0xFFFFFF10];
	v8 =	vmax.f32 v8, $0.0e+00;
	[tilespmem:s18+$0xF0] =	vst v4  }
0x164: {  	v4 =	vadd.f32 v10, v5;
	[tilespmem:s21+$0x80] =	vst v8;
	v5 =	vld [tilespmem:s21+$0x90]  }
0x165: {  	v8 =	vld [tilespmem:s22+$0x90]  }
0x166: {  	v4 =	vmax.f32 v4, $0.0e+00;
	v10 =	vld [tilespmem:s21+$0xFFFFFF90];
	v6 =	vadd.f32 v7, v6  }
0x167: {  	v7 =	vadd.f32 v9, v11;
	[tilespmem:s21+$0xFFFFFF80] =	vst v4;
	v4 =	vld [tilespmem:s21+$0x10]  }
0x168: {  	v9 =	vld [tilespmem:s22+$0xFFFFFF90];
	v6 =	vmax.f32 v6, $0.0e+00  }
0x169: {  	v7 =	vmax.f32 v7, $0.0e+00;
	v11 =	vld [tilespmem:s21+$0xFFFFFF20];
	[tilespmem:s21+$0x0] =	vst v6  }
0x16a: {  	[tilespmem:s21+$0xFFFFFF00] =	vst v7;
	v6 =	vld [tilespmem:s22+$0x10];
	v5 =	vadd.f32 v8, v5  }
0x16b: {  	v7 =	vld [tilespmem:s22+$0xFFFFFF10]  }
0x16c: {  	v8 =	vld [tilespmem:s21+$0xFFFFFFA0];
	v5 =	vmax.f32 v5, $0.0e+00  }
0x16d: {  	v9 =	vadd.f32 v9, v10;
	[tilespmem:s21+$0x90] =	vst v5;
	v5 =	vld [tilespmem:s21+$0xA0]  }
0x16e: {  	v10 =	vld [tilespmem:s22+$0xA0]  }
0x16f: {  	v9 =	vmax.f32 v9, $0.0e+00;
	v4 =	vadd.f32 v6, v4;
	v6 =	vld [tilespmem:s21+$0x20]  }
0x170: {  	v7 =	vadd.f32 v7, v12;
	v12 =	vld [tilespmem:s21+$0xFFFFFF30];
	[tilespmem:s21+$0xFFFFFF90] =	vst v9  }
0x171: {  	v9 =	vld [tilespmem:s22+$0xFFFFFFA0];
	v4 =	vmax.f32 v4, $0.0e+00  }
0x172: {  	v7 =	vmax.f32 v7, $0.0e+00;
	v13 =	vld [tilespmem:s21+$0xFFFFFFB0];
	[tilespmem:s21+$0x10] =	vst v4  }
0x173: {  	[tilespmem:s21+$0xFFFFFF10] =	vst v7;
	v4 =	vld [tilespmem:s22+$0x20];
	v5 =	vadd.f32 v10, v5  }
0x174: {  	v7 =	vld [tilespmem:s22+$0xFFFFFF20]  }
0x175: {  	v10 =	vld [tilespmem:s21+$0x30];
	v5 =	vmax.f32 v5, $0.0e+00  }
0x176: {  	v8 =	vadd.f32 v9, v8;
	[tilespmem:s21+$0xA0] =	vst v5;
	v5 =	vld [tilespmem:s21+$0xB0]  }
0x177: {  	v9 =	vld [tilespmem:s22+$0xB0]  }
0x178: {  	v14 =	vld [tilespmem:s21+$0xFFFFFF40];
	v8 =	vmax.f32 v8, $0.0e+00;
	v4 =	vadd.f32 v4, v6  }
0x179: {  	v6 =	vadd.f32 v7, v11;
	[tilespmem:s21+$0xFFFFFFA0] =	vst v8;
	v7 =	vld [tilespmem:s21+$0xFFFFFFC0]  }
0x17a: {  	v8 =	vld [tilespmem:s22+$0xFFFFFFB0];
	v4 =	vmax.f32 v4, $0.0e+00  }
0x17b: {  	v6 =	vmax.f32 v6, $0.0e+00;
	[tilespmem:s21+$0x20] =	vst v4;
	v11 =	vld [tilespmem:s21+$0x40]  }
0x17c: {  	[tilespmem:s21+$0xFFFFFF20] =	vst v6;
	v4 =	vld [tilespmem:s22+$0x30];
	v5 =	vadd.f32 v9, v5  }
0x17d: {  	v6 =	vld [tilespmem:s22+$0xFFFFFF30]  }
0x17e: {  	v9 =	vld [tilespmem:s21+$0xFFFFFF50];
	v5 =	vmax.f32 v5, $0.0e+00  }
0x17f: {  	v8 =	vadd.f32 v8, v13;
	[tilespmem:s21+$0xB0] =	vst v5;
	v5 =	vld [tilespmem:s21+$0xC0]  }
0x180: {  	v13 =	vld [tilespmem:s22+$0xC0]  }
0x181: {  	v8 =	vmax.f32 v8, $0.0e+00;
	v15 =	vld [tilespmem:s21+$0xFFFFFFD0];
	v4 =	vadd.f32 v4, v10  }
0x182: {  	v6 =	vadd.f32 v6, v12;
	[tilespmem:s21+$0xFFFFFFB0] =	vst v8;
	v8 =	vld [tilespmem:s21+$0x50]  }
0x183: {  	v10 =	vld [tilespmem:s22+$0xFFFFFFC0];
	v12 =	vmax.f32 v4, $0.0e+00  }
0x184: {  	v6 =	vmax.f32 v6, $0.0e+00;
	v4 =	vld [tilespmem:s21+$0xFFFFFF60];
	[tilespmem:s21+$0x30] =	vst v12  }
0x185: {  	[tilespmem:s21+$0xFFFFFF30] =	vst v6;
	v6 =	vld [tilespmem:s22+$0x40];
	v12 =	vadd.f32 v13, v5  }
0x186: {  	v13 =	vld [tilespmem:s22+$0xFFFFFF40]  }
0x187: {  	v5 =	vld [tilespmem:s21+$0xFFFFFFE0];
	v12 =	vmax.f32 v12, $0.0e+00  }
0x188: {  	v7 =	vadd.f32 v10, v7;
	[tilespmem:s21+$0xC0] =	vst v12;
	v10 =	vld [tilespmem:s21+$0xD0]  }
0x189: {  	v12 =	vld [tilespmem:s22+$0xD0]  }
0x18a: {  	v7 =	vmax.f32 v7, $0.0e+00;
	v11 =	vadd.f32 v6, v11;
	v6 =	vld [tilespmem:s21+$0x60]  }
0x18b: {  	v13 =	vadd.f32 v13, v14;
	[tilespmem:s21+$0xFFFFFFC0] =	vst v7;
	v7 =	vld [tilespmem:s19+$0xFFFFFF70]  }
0x18c: {  	v14 =	vld [tilespmem:s22+$0xFFFFFFD0];
	v11 =	vmax.f32 v11, $0.0e+00  }
0x18d: {  	v13 =	vmax.f32 v13, $0.0e+00;
	[tilespmem:s21+$0x40] =	vst v11;
	v11 =	vld [tilespmem:s19+$0xFFFFFFF0]  }
0x18e: {  	[tilespmem:s21+$0xFFFFFF40] =	vst v13;
	v13 =	vld [tilespmem:s22+$0x50];
	v10 =	vadd.f32 v12, v10  }
0x18f: {  	v12 =	vld [tilespmem:s22+$0xFFFFFF50]  }
0x190: {  	v10 =	vmax.f32 v10, $0.0e+00;
	v3 =	vadd.f32 v7, v3;
	v7 =	vld [tilespmem:s19+$0x70];
	s19 =	smov.u32 s22  }
0x191: {  	v14 =	vadd.f32 v14, v15;
	[tilespmem:s21+$0xD0] =	vst v10;
	v10 =	vld [tilespmem:s21+$0xE0]  }
0x192: {  	v15 =	vld [tilespmem:s22+$0xE0];
	v16 =	vmax.f32 v3, $0.0e+00;
	v11 =	vadd.f32 v11, v2  }
0x193: {  	v3 =	vld [tilespmem:s21+$0xFFFFFF70];
	v2 =	vmax.f32 v14, $0.0e+00;
	v13 =	vadd.f32 v13, v8;
	[tilespmem:s18+$0xFFFFFF70] =	vst v16  }
0x194: {  	v9 =	vadd.f32 v12, v9;
	[tilespmem:s21+$0xFFFFFFD0] =	vst v2;
	v2 =	vld [tilespmem:s21+$0xFFFFFFF0];
	v11 =	vmax.f32 v11, $0.0e+00  }
.Ltmp2:
0x195: {  	v8 =	vld [tilespmem:s22+$0xFFFFFFE0];
	v12 =	vmax.f32 v13, $0.0e+00;
	[tilespmem:s18+$0xFFFFFFF0] =	vst v11;
	v7 =	vadd.f32 v7, v1;
	(pc) =	sbr.rel @p0 .LBB2_7-.Ltmp2, $4  }
0x196: {  	v9 =	vmax.f32 v9, $0.0e+00;
	[tilespmem:s21+$0x50] =	vst v12;
	v1 =	vld [tilespmem:s21+$0x70]  }
0x197: {  	[tilespmem:s21+$0xFFFFFF50] =	vst v9;
	v9 =	vld [tilespmem:s22+$0x60];
	v11 =	vadd.f32 v15, v10;
	v7 =	vmax.f32 v7, $0.0e+00  }
0x198: {  	v10 =	vld [tilespmem:s22+$0xFFFFFF60];
	[tilespmem:s18+$0x70] =	vst v7;
	s18 =	smov.u32 s21  }
0x199: {  	s21 =	sadd.s32 $0x200, s21;
	v11 =	vmax.f32 v11, $0.0e+00;
	v7 =	vld [tilespmem:s18+$0xF0]  }
0x19a: {  	_ = 	snop  }
0x19b: {  	v5 =	vadd.f32 v8, v5  }
0x19c: {  	v6 =	vadd.f32 v9, v6  }
0x19d: {  	[tilespmem:s18+$0xE0] =	vst v11;
	v5 =	vmax.f32 v5, $0.0e+00;
	v4 =	vadd.f32 v10, v4  }
0x19e: {  	v58 =	vld [tilespmem:s19+$0xF0];
	[tilespmem:s18+$0xFFFFFFE0] =	vst v5;
	v59 =	vmax.f32 v6, $0.0e+00  }
0x19f: {  	v61 =	vld [tilespmem:s19+$0xFFFFFFF0];
	v4 =	vmax.f32 v4, $0.0e+00;
	[tilespmem:s18+$0x60] =	vst v59  }
0x1a0: {  	[tilespmem:s18+$0xFFFFFF60] =	vst v4;
	v62 =	vld [tilespmem:s19+$0x70]  }
0x1a1: {  	v60 =	vld [tilespmem:s19+$0xFFFFFF70];
	_ =	sdelay $0x1  }
0x1a2: {  	v7 =	vadd.f32 v58, v7  }
0x1a3: {  	v2 =	vadd.f32 v61, v2  }
0x1a4: {  	s17 =	smin.u32 s17, $0x79;
	v63 =	vmax.f32 v7, $0.0e+00;
	v1 =	vadd.f32 v62, v1  }
0x1a5: {  	s17 =	sadd.s32 $0x3, s17;
	[tilespmem:s18+$0xF0] =	vst v63;
	v2 =	vmax.f32 v2, $0.0e+00;
	v3 =	vadd.f32 v60, v3  }
0x1a6: {  	s20 =	sshll.u32 s17, $0x7;
	[tilespmem:s18+$0xFFFFFFF0] =	vst v2;
	v1 =	vmax.f32 v1, $0.0e+00  }
0x1a7: {  	s21 =	sand.u32 $0x7C00, s20;
	v3 =	vmax.f32 v3, $0.0e+00;
	[tilespmem:s18+$0x70] =	vst v1  }
0x1a8: {  	s19 =	sadd.s32 s30, s21;
	[tilespmem:s18+$0xFFFFFF70] =	vst v3;
	s18 =	sand.u32 $0x380, s20  }
0x1a9: {  	[spmem:s2] =	stream.indirect.scatter.add.f32 [tilespmem:s28], [sflag:$0x5], $0x80, s12, s25, $0xb8;
	[tilespmem:$0x1E200] =	vst v63  }
0x1aa: {  	s18 =	sor.u32 s18, s19;
	_ =	swait.ge [sflag:s7], $0x2800  }
0x1ab: {  	s18 =	sshrl.u32 s18, $0x3;
	[sflag:s7] =	ssyncset.done $0x0  }
0x1ac: {  	s17 =	sadd.s32 s31, s17;
	s22 =	sadd.s32 s14, s18;
	[sflag:s7] =	ssyncadd.s32 $0xFFFFD800  }
0x1ad: {  	[tilespmem:s11], [sflag:$0x2] =	stream.linear.gather [hbm4b:s22+s3], $0x80, $0x38;
	[tilespmem:$0x1E200] =	vst v63  }
0x1ae: {  	s17 =	smul.u32 $0x500, s17;
	s18 =	sadd.s32 s15, s18  }
0x1af: {  	[tilespmem:s12], [sflag:$0x2] =	stream.linear.gather [hbm4b:s18+s3], $0x80, $0x38;
	[tilespmem:$0x1E200] =	vst v63  }
0x1b0: {  	s17 =	sadd.s32 s5, s17  }
0x1b1: {  	[tilespmem:s13], [sflag:$0x2] =	stream.linear.gather [hbm4b:s17+s3], $0x2800, $0x38;
	[tilespmem:$0x1E200] =	vst v63  }
0x1b2: {  	_ =	swait.ge [sflag:s24], $0x80  }
0x1b3: {  	[sflag:s24] =	ssyncset.done $0x0  }
0x1b4: {  	[sflag:s24] =	ssyncadd.s32 $0xFFFFFF80  }
0x1b5: {  	s16 =	sadd.s32 $0x1, s16;
	_ =	swait.ge [sflag:s24], $0x80  }
0x1b6: {  	p0 =	sne.s32 s16, $0x3E;
	[sflag:s24] =	ssyncset.done $0x0  }
.Ltmp3:
0x1b7: {  	[sflag:s24] =	ssyncadd.s32 $0xFFFFFF80;
	(pc) =	sbr.rel @p0 .LBB2_4-.Ltmp3, $4  }
0x1b8: {  	_ =	swait.ge [sflag:s24], $0x2800  }
0x1b9: {  	[sflag:s24] =	ssyncset.done $0x0  }
0x1ba: {  	[sflag:s24] =	ssyncadd.s32 $0xFFFFD800  }
0x1bb: {  	[tilespmem:s6], [sflag:$0x3] =	stream.indirect.gather [hbm4b:s1+s25], $0x80, s8, s25, $0xb8;
	[tilespmem:$0x1E200] =	vst v63  }
0x1bc: {  	_ =	swait.ge [sflag:s29], $0x2800  }
0x1bd: {  	[sflag:s29] =	ssyncset.done $0x0  }
0x1be: {  	s16 =	simm.s32 $0x19300;
	[sflag:s29] =	ssyncadd.s32 $0xFFFFD800  }
0x1bf: {  	s17 =	simm.s32 $0x14300;
	v1 =	vld [tilespmem:s16+$0x80]  }
0x1c0: {  	v2 =	vld [tilespmem:s17+$0x80]  }
0x1c1: {  	v3 =	vld [tilespmem:s17+$0xFFFFFF00]  }
0x1c2: {  	v4 =	vld [tilespmem:s16+$0xFFFFFF80]  }
0x1c3: {  	v5 =	vld [tilespmem:s17+$0xFFFFFF80]  }
0x1c4: {  	v6 =	vld [tilespmem:s17+$0x0]  }
0x1c5: {  	v1 =	vadd.f32 v2, v1;
	v2 =	vld [tilespmem:s16+$0x0]  }
0x1c6: {  	v7 =	vld [tilespmem:s16+$0xFFFFFF00]  }
0x1c7: {  	v1 =	vmax.f32 v1, $0.0e+00  }
0x1c8: {  	v4 =	vadd.f32 v5, v4;
	[tilespmem:s16+$0x80] =	vst v1;
	v1 =	vld [tilespmem:s16+$0x90]  }
0x1c9: {  	v8 =	vld [tilespmem:s17+$0x90]  }
0x1ca: {  	v9 =	vld [tilespmem:s16+$0xFFFFFF90];
	v4 =	vmax.f32 v4, $0.0e+00;
	v2 =	vadd.f32 v6, v2  }
0x1cb: {  	v5 =	vld [tilespmem:s16+$0xFFFFFF10];
	v3 =	vadd.f32 v3, v7;
	[tilespmem:s16+$0xFFFFFF80] =	vst v4  }
0x1cc: {  	v6 =	vld [tilespmem:s17+$0xFFFFFF90];
	v2 =	vmax.f32 v2, $0.0e+00  }
0x1cd: {  	v3 =	vmax.f32 v3, $0.0e+00;
	v4 =	vld [tilespmem:s16+$0x10];
	[tilespmem:s16+$0x0] =	vst v2  }
0x1ce: {  	[tilespmem:s16+$0xFFFFFF00] =	vst v3;
	v1 =	vadd.f32 v8, v1;
	v2 =	vld [tilespmem:s17+$0x10]  }
0x1cf: {  	v3 =	vld [tilespmem:s17+$0xFFFFFF10]  }
0x1d0: {  	v1 =	vmax.f32 v1, $0.0e+00  }
0x1d1: {  	v6 =	vadd.f32 v6, v9;
	[tilespmem:s16+$0x90] =	vst v1;
	v1 =	vld [tilespmem:s16+$0xA0]  }
0x1d2: {  	v8 =	vld [tilespmem:s17+$0xA0]  }
0x1d3: {  	v7 =	vld [tilespmem:s16+$0xFFFFFF20];
	v6 =	vmax.f32 v6, $0.0e+00;
	v2 =	vadd.f32 v2, v4  }
0x1d4: {  	v3 =	vadd.f32 v3, v5;
	v9 =	vld [tilespmem:s16+$0xFFFFFFA0];
	[tilespmem:s16+$0xFFFFFF90] =	vst v6  }
0x1d5: {  	v5 =	vld [tilespmem:s17+$0xFFFFFFA0];
	v2 =	vmax.f32 v2, $0.0e+00  }
0x1d6: {  	v3 =	vmax.f32 v3, $0.0e+00;
	v4 =	vld [tilespmem:s16+$0x20];
	[tilespmem:s16+$0x10] =	vst v2  }
0x1d7: {  	[tilespmem:s16+$0xFFFFFF10] =	vst v3;
	v1 =	vadd.f32 v8, v1;
	v2 =	vld [tilespmem:s17+$0x20]  }
0x1d8: {  	v3 =	vld [tilespmem:s17+$0xFFFFFF20]  }
0x1d9: {  	v1 =	vmax.f32 v1, $0.0e+00  }
0x1da: {  	v5 =	vadd.f32 v5, v9;
	[tilespmem:s16+$0xA0] =	vst v1;
	v1 =	vld [tilespmem:s16+$0xB0]  }
0x1db: {  	v8 =	vld [tilespmem:s17+$0xB0]  }
0x1dc: {  	v10 =	vld [tilespmem:s16+$0x30];
	v5 =	vmax.f32 v5, $0.0e+00;
	v2 =	vadd.f32 v2, v4  }
0x1dd: {  	v3 =	vadd.f32 v3, v7;
	v9 =	vld [tilespmem:s16+$0xFFFFFFB0];
	[tilespmem:s16+$0xFFFFFFA0] =	vst v5  }
0x1de: {  	v4 =	vld [tilespmem:s17+$0xFFFFFFB0];
	v2 =	vmax.f32 v2, $0.0e+00  }
0x1df: {  	v6 =	vld [tilespmem:s16+$0xFFFFFF30];
	[tilespmem:s16+$0x20] =	vst v2;
	v2 =	vmax.f32 v3, $0.0e+00  }
0x1e0: {  	v1 =	vadd.f32 v8, v1;
	[tilespmem:s16+$0xFFFFFF20] =	vst v2;
	v2 =	vld [tilespmem:s17+$0x30]  }
0x1e1: {  	v7 =	vld [tilespmem:s17+$0xFFFFFF30]  }
0x1e2: {  	v11 =	vld [tilespmem:s16+$0xFFFFFF40];
	v1 =	vmax.f32 v1, $0.0e+00  }
0x1e3: {  	v4 =	vadd.f32 v4, v9;
	[tilespmem:s16+$0xB0] =	vst v1;
	v1 =	vld [tilespmem:s16+$0xC0]  }
0x1e4: {  	v8 =	vld [tilespmem:s17+$0xC0]  }
0x1e5: {  	v12 =	vld [tilespmem:s16+$0xFFFFFFD0];
	v4 =	vmax.f32 v4, $0.0e+00;
	v2 =	vadd.f32 v2, v10  }
0x1e6: {  	v5 =	vld [tilespmem:s16+$0xFFFFFFC0];
	[tilespmem:s16+$0xFFFFFFB0] =	vst v4;
	v6 =	vadd.f32 v7, v6  }
0x1e7: {  	v7 =	vld [tilespmem:s17+$0xFFFFFFC0];
	v2 =	vmax.f32 v2, $0.0e+00  }
0x1e8: {  	v3 =	vld [tilespmem:s16+$0x40];
	[tilespmem:s16+$0x30] =	vst v2;
	v2 =	vmax.f32 v6, $0.0e+00  }
0x1e9: {  	v1 =	vadd.f32 v8, v1;
	v6 =	vld [tilespmem:s17+$0x40];
	[tilespmem:s16+$0xFFFFFF30] =	vst v2  }
0x1ea: {  	v2 =	vld [tilespmem:s17+$0xFFFFFF40]  }
0x1eb: {  	v9 =	vld [tilespmem:s16+$0xFFFFFF50];
	v1 =	vmax.f32 v1, $0.0e+00  }
0x1ec: {  	[tilespmem:s16+$0xC0] =	vst v1;
	v1 =	vadd.f32 v7, v5;
	v7 =	vld [tilespmem:s16+$0xD0]  }
0x1ed: {  	v8 =	vld [tilespmem:s17+$0xD0]  }
0x1ee: {  	v4 =	vld [tilespmem:s16+$0xFFFFFF60];
	v1 =	vmax.f32 v1, $0.0e+00;
	v3 =	vadd.f32 v6, v3  }
0x1ef: {  	v10 =	vld [tilespmem:s16+$0x50];
	[tilespmem:s16+$0xFFFFFFC0] =	vst v1;
	v1 =	vadd.f32 v2, v11  }
0x1f0: {  	v2 =	vld [tilespmem:s17+$0xFFFFFFD0];
	v3 =	vmax.f32 v3, $0.0e+00  }
0x1f1: {  	v5 =	vld [tilespmem:s16+$0xFFFFFFE0];
	[tilespmem:s16+$0x40] =	vst v3;
	v1 =	vmax.f32 v1, $0.0e+00  }
0x1f2: {  	v3 =	vld [tilespmem:s17+$0x50];
	v7 =	vadd.f32 v8, v7;
	[tilespmem:s16+$0xFFFFFF40] =	vst v1  }
0x1f3: {  	v1 =	vld [tilespmem:s17+$0xFFFFFF50]  }
0x1f4: {  	v6 =	vld [tilespmem:s16+$0x60];
	v7 =	vmax.f32 v7, $0.0e+00  }
0x1f5: {  	v2 =	vadd.f32 v2, v12;
	[tilespmem:s16+$0xD0] =	vst v7;
	v7 =	vld [tilespmem:s16+$0xE0]  }
0x1f6: {  	v11 =	vld [tilespmem:s17+$0xE0]  }
0x1f7: {  	v2 =	vmax.f32 v2, $0.0e+00;
	v8 =	vadd.f32 v3, v10;
	v3 =	vld [tilespmem:s16+$0xFFFFFF70]  }
0x1f8: {  	[tilespmem:s16+$0xFFFFFFD0] =	vst v2;
	v1 =	vadd.f32 v1, v9;
	v2 =	vld [tilespmem:s16+$0xFFFFFFF0]  }
0x1f9: {  	v9 =	vmax.f32 v8, $0.0e+00;
	v8 =	vld [tilespmem:s17+$0xFFFFFFE0]  }
0x1fa: {  	[tilespmem:s16+$0x50] =	vst v9;
	v9 =	vmax.f32 v1, $0.0e+00;
	v1 =	vld [tilespmem:s16+$0x70]  }
0x1fb: {  	[tilespmem:s16+$0xFFFFFF50] =	vst v9;
	v9 =	vld [tilespmem:s17+$0x60];
	v7 =	vadd.f32 v11, v7  }
0x1fc: {  	v10 =	vld [tilespmem:s17+$0xFFFFFF60]  }
0x1fd: {  	s18 =	simm.s32 $0x0;
	s19 =	simm.s32 $0x19500;
	s20 =	simm.s32 $0x14300;
	v11 =	vmax.f32 v7, $0.0e+00;
	v7 =	vld [tilespmem:s16+$0xF0]  }
.LBB2_10:
0x1fe: {  	v12 =	vld [tilespmem:s19+$0x80];
	v5 =	vadd.f32 v8, v5;
	[tilespmem:s16+$0xE0] =	vst v11  }
0x1ff: {  	s20 =	sadd.s32 $0x200, s20;
	v8 =	vld [tilespmem:s17+$0xF0]  }
0x200: {  	s18 =	sadd.s32 $0x4, s18;
	v11 =	vld [tilespmem:s20+$0x80];
	v5 =	vmax.f32 v5, $0.0e+00;
	v6 =	vadd.f32 v9, v6  }
0x201: {  	p0 =	slt.u32 s18, $0x4C;
	v9 =	vld [tilespmem:s20+$0xFFFFFF00];
	v4 =	vadd.f32 v10, v4;
	[tilespmem:s16+$0xFFFFFFE0] =	vst v5  }
0x202: {  	v5 =	vld [tilespmem:s19+$0xFFFFFF80];
	v6 =	vmax.f32 v6, $0.0e+00  }
0x203: {  	v10 =	vld [tilespmem:s20+$0xFFFFFF80];
	v4 =	vmax.f32 v4, $0.0e+00;
	[tilespmem:s16+$0x60] =	vst v6  }
0x204: {  	v6 =	vld [tilespmem:s19+$0x0];
	[tilespmem:s16+$0xFFFFFF60] =	vst v4;
	v4 =	vadd.f32 v8, v7  }
0x205: {  	v7 =	vld [tilespmem:s20+$0x0];
	v8 =	vadd.f32 v11, v12  }
0x206: {  	v11 =	vld [tilespmem:s19+$0xFFFFFF00];
	v4 =	vmax.f32 v4, $0.0e+00  }
0x207: {  	v12 =	vld [tilespmem:s19+$0xFFFFFF10];
	v8 =	vmax.f32 v8, $0.0e+00;
	[tilespmem:s16+$0xF0] =	vst v4  }
0x208: {  	v4 =	vadd.f32 v10, v5;
	[tilespmem:s19+$0x80] =	vst v8;
	v5 =	vld [tilespmem:s19+$0x90]  }
0x209: {  	v8 =	vld [tilespmem:s20+$0x90]  }
0x20a: {  	v4 =	vmax.f32 v4, $0.0e+00;
	v10 =	vld [tilespmem:s19+$0xFFFFFF90];
	v6 =	vadd.f32 v7, v6  }
0x20b: {  	v7 =	vadd.f32 v9, v11;
	[tilespmem:s19+$0xFFFFFF80] =	vst v4;
	v4 =	vld [tilespmem:s19+$0x10]  }
0x20c: {  	v9 =	vld [tilespmem:s20+$0xFFFFFF90];
	v6 =	vmax.f32 v6, $0.0e+00  }
0x20d: {  	v7 =	vmax.f32 v7, $0.0e+00;
	v11 =	vld [tilespmem:s19+$0xFFFFFF20];
	[tilespmem:s19+$0x0] =	vst v6  }
0x20e: {  	[tilespmem:s19+$0xFFFFFF00] =	vst v7;
	v6 =	vld [tilespmem:s20+$0x10];
	v5 =	vadd.f32 v8, v5  }
0x20f: {  	v7 =	vld [tilespmem:s20+$0xFFFFFF10]  }
0x210: {  	v8 =	vld [tilespmem:s19+$0xFFFFFFA0];
	v5 =	vmax.f32 v5, $0.0e+00  }
0x211: {  	v9 =	vadd.f32 v9, v10;
	[tilespmem:s19+$0x90] =	vst v5;
	v5 =	vld [tilespmem:s19+$0xA0]  }
0x212: {  	v10 =	vld [tilespmem:s20+$0xA0]  }
0x213: {  	v9 =	vmax.f32 v9, $0.0e+00;
	v4 =	vadd.f32 v6, v4;
	v6 =	vld [tilespmem:s19+$0x20]  }
0x214: {  	v7 =	vadd.f32 v7, v12;
	v12 =	vld [tilespmem:s19+$0xFFFFFF30];
	[tilespmem:s19+$0xFFFFFF90] =	vst v9  }
0x215: {  	v9 =	vld [tilespmem:s20+$0xFFFFFFA0];
	v4 =	vmax.f32 v4, $0.0e+00  }
0x216: {  	v7 =	vmax.f32 v7, $0.0e+00;
	v13 =	vld [tilespmem:s19+$0xFFFFFFB0];
	[tilespmem:s19+$0x10] =	vst v4  }
0x217: {  	[tilespmem:s19+$0xFFFFFF10] =	vst v7;
	v4 =	vld [tilespmem:s20+$0x20];
	v5 =	vadd.f32 v10, v5  }
0x218: {  	v7 =	vld [tilespmem:s20+$0xFFFFFF20]  }
0x219: {  	v10 =	vld [tilespmem:s19+$0x30];
	v5 =	vmax.f32 v5, $0.0e+00  }
0x21a: {  	v8 =	vadd.f32 v9, v8;
	[tilespmem:s19+$0xA0] =	vst v5;
	v5 =	vld [tilespmem:s19+$0xB0]  }
0x21b: {  	v9 =	vld [tilespmem:s20+$0xB0]  }
0x21c: {  	v14 =	vld [tilespmem:s19+$0xFFFFFF40];
	v8 =	vmax.f32 v8, $0.0e+00;
	v4 =	vadd.f32 v4, v6  }
0x21d: {  	v6 =	vadd.f32 v7, v11;
	[tilespmem:s19+$0xFFFFFFA0] =	vst v8;
	v7 =	vld [tilespmem:s19+$0xFFFFFFC0]  }
0x21e: {  	v8 =	vld [tilespmem:s20+$0xFFFFFFB0];
	v4 =	vmax.f32 v4, $0.0e+00  }
0x21f: {  	v6 =	vmax.f32 v6, $0.0e+00;
	[tilespmem:s19+$0x20] =	vst v4;
	v11 =	vld [tilespmem:s19+$0x40]  }
0x220: {  	[tilespmem:s19+$0xFFFFFF20] =	vst v6;
	v4 =	vld [tilespmem:s20+$0x30];
	v5 =	vadd.f32 v9, v5  }
0x221: {  	v6 =	vld [tilespmem:s20+$0xFFFFFF30]  }
0x222: {  	v9 =	vld [tilespmem:s19+$0xFFFFFF50];
	v5 =	vmax.f32 v5, $0.0e+00  }
0x223: {  	v8 =	vadd.f32 v8, v13;
	[tilespmem:s19+$0xB0] =	vst v5;
	v5 =	vld [tilespmem:s19+$0xC0]  }
0x224: {  	v13 =	vld [tilespmem:s20+$0xC0]  }
0x225: {  	v8 =	vmax.f32 v8, $0.0e+00;
	v15 =	vld [tilespmem:s19+$0xFFFFFFD0];
	v4 =	vadd.f32 v4, v10  }
0x226: {  	v6 =	vadd.f32 v6, v12;
	[tilespmem:s19+$0xFFFFFFB0] =	vst v8;
	v8 =	vld [tilespmem:s19+$0x50]  }
0x227: {  	v10 =	vld [tilespmem:s20+$0xFFFFFFC0];
	v12 =	vmax.f32 v4, $0.0e+00  }
0x228: {  	v6 =	vmax.f32 v6, $0.0e+00;
	v4 =	vld [tilespmem:s19+$0xFFFFFF60];
	[tilespmem:s19+$0x30] =	vst v12  }
0x229: {  	[tilespmem:s19+$0xFFFFFF30] =	vst v6;
	v6 =	vld [tilespmem:s20+$0x40];
	v12 =	vadd.f32 v13, v5  }
0x22a: {  	v13 =	vld [tilespmem:s20+$0xFFFFFF40]  }
0x22b: {  	v5 =	vld [tilespmem:s19+$0xFFFFFFE0];
	v12 =	vmax.f32 v12, $0.0e+00  }
0x22c: {  	v7 =	vadd.f32 v10, v7;
	[tilespmem:s19+$0xC0] =	vst v12;
	v10 =	vld [tilespmem:s19+$0xD0]  }
0x22d: {  	v12 =	vld [tilespmem:s20+$0xD0]  }
0x22e: {  	v7 =	vmax.f32 v7, $0.0e+00;
	v11 =	vadd.f32 v6, v11;
	v6 =	vld [tilespmem:s19+$0x60]  }
0x22f: {  	v13 =	vadd.f32 v13, v14;
	[tilespmem:s19+$0xFFFFFFC0] =	vst v7;
	v7 =	vld [tilespmem:s17+$0xFFFFFF70]  }
0x230: {  	v14 =	vld [tilespmem:s20+$0xFFFFFFD0];
	v11 =	vmax.f32 v11, $0.0e+00  }
0x231: {  	v13 =	vmax.f32 v13, $0.0e+00;
	[tilespmem:s19+$0x40] =	vst v11;
	v11 =	vld [tilespmem:s17+$0xFFFFFFF0]  }
0x232: {  	[tilespmem:s19+$0xFFFFFF40] =	vst v13;
	v13 =	vld [tilespmem:s20+$0x50];
	v10 =	vadd.f32 v12, v10  }
0x233: {  	v12 =	vld [tilespmem:s20+$0xFFFFFF50]  }
0x234: {  	v10 =	vmax.f32 v10, $0.0e+00;
	v3 =	vadd.f32 v7, v3;
	v7 =	vld [tilespmem:s17+$0x70];
	s17 =	smov.u32 s20  }
0x235: {  	v14 =	vadd.f32 v14, v15;
	[tilespmem:s19+$0xD0] =	vst v10;
	v10 =	vld [tilespmem:s19+$0xE0]  }
0x236: {  	v15 =	vld [tilespmem:s20+$0xE0];
	v16 =	vmax.f32 v3, $0.0e+00;
	v11 =	vadd.f32 v11, v2  }
0x237: {  	v3 =	vld [tilespmem:s19+$0xFFFFFF70];
	v2 =	vmax.f32 v14, $0.0e+00;
	v13 =	vadd.f32 v13, v8;
	[tilespmem:s16+$0xFFFFFF70] =	vst v16  }
0x238: {  	v9 =	vadd.f32 v12, v9;
	[tilespmem:s19+$0xFFFFFFD0] =	vst v2;
	v2 =	vld [tilespmem:s19+$0xFFFFFFF0];
	v11 =	vmax.f32 v11, $0.0e+00  }
.Ltmp4:
0x239: {  	v8 =	vld [tilespmem:s20+$0xFFFFFFE0];
	v12 =	vmax.f32 v13, $0.0e+00;
	[tilespmem:s16+$0xFFFFFFF0] =	vst v11;
	v7 =	vadd.f32 v7, v1;
	(pc) =	sbr.rel @p0 .LBB2_10-.Ltmp4, $4  }
0x23a: {  	v9 =	vmax.f32 v9, $0.0e+00;
	[tilespmem:s19+$0x50] =	vst v12;
	v1 =	vld [tilespmem:s19+$0x70]  }
0x23b: {  	[tilespmem:s19+$0xFFFFFF50] =	vst v9;
	v9 =	vld [tilespmem:s20+$0x60];
	v11 =	vadd.f32 v15, v10;
	v7 =	vmax.f32 v7, $0.0e+00  }
0x23c: {  	v10 =	vld [tilespmem:s20+$0xFFFFFF60];
	[tilespmem:s16+$0x70] =	vst v7;
	s16 =	smov.u32 s19  }
0x23d: {  	s19 =	sadd.s32 $0x200, s19;
	v11 =	vmax.f32 v11, $0.0e+00;
	v7 =	vld [tilespmem:s16+$0xF0]  }
0x23e: {  	_ = 	snop  }
0x23f: {  	v5 =	vadd.f32 v8, v5  }
0x240: {  	v6 =	vadd.f32 v9, v6  }
0x241: {  	[tilespmem:s16+$0xE0] =	vst v11;
	v5 =	vmax.f32 v5, $0.0e+00;
	v4 =	vadd.f32 v10, v4  }
0x242: {  	v58 =	vld [tilespmem:s17+$0xF0];
	[tilespmem:s16+$0xFFFFFFE0] =	vst v5;
	v59 =	vmax.f32 v6, $0.0e+00  }
0x243: {  	v61 =	vld [tilespmem:s17+$0xFFFFFFF0];
	v4 =	vmax.f32 v4, $0.0e+00;
	[tilespmem:s16+$0x60] =	vst v59  }
0x244: {  	[tilespmem:s16+$0xFFFFFF60] =	vst v4;
	v62 =	vld [tilespmem:s17+$0x70]  }
0x245: {  	v60 =	vld [tilespmem:s17+$0xFFFFFF70];
	_ =	sdelay $0x1  }
0x246: {  	v7 =	vadd.f32 v58, v7  }
0x247: {  	v2 =	vadd.f32 v61, v2  }
0x248: {  	v63 =	vmax.f32 v7, $0.0e+00;
	v1 =	vadd.f32 v62, v1  }
0x249: {  	[tilespmem:s16+$0xF0] =	vst v63;
	v2 =	vmax.f32 v2, $0.0e+00;
	v3 =	vadd.f32 v60, v3  }
0x24a: {  	[tilespmem:s16+$0xFFFFFFF0] =	vst v2;
	v1 =	vmax.f32 v1, $0.0e+00  }
0x24b: {  	v3 =	vmax.f32 v3, $0.0e+00;
	[tilespmem:s16+$0x70] =	vst v1  }
0x24c: {  	[tilespmem:s16+$0xFFFFFF70] =	vst v3  }
0x24d: {  	[spmem:s2] =	stream.indirect.scatter.add.f32 [tilespmem:s6], [sflag:$0x5], $0x80, s9, s25, $0xb8;
	[tilespmem:$0x1E200] =	vst v63  }
0x24e: {  	_ =	swait.ge [sflag:s7], $0x2800  }
0x24f: {  	[sflag:s7] =	ssyncset.done $0x0  }
0x250: {  	[sflag:s7] =	ssyncadd.s32 $0xFFFFD800  }
0x251: {  	_ =	swait.ge [sflag:s26], $0x80  }
0x252: {  	[sflag:s26] =	ssyncset.done $0x0  }
0x253: {  	[sflag:s26] =	ssyncadd.s32 $0xFFFFFF80  }
0x254: {  	_ =	swait.ge [sflag:s26], $0x80  }
0x255: {  	[sflag:s26] =	ssyncset.done $0x0  }
0x256: {  	[sflag:s26] =	ssyncadd.s32 $0xFFFFFF80  }
0x257: {  	_ =	swait.ge [sflag:s26], $0x2800  }
0x258: {  	[sflag:s26] =	ssyncset.done $0x0  }
0x259: {  	[sflag:s26] =	ssyncadd.s32 $0xFFFFD800  }
0x25a: {  	[bflag:$0x0] =	sbarrier.arrive $0xFFFF  }
0x25b: {  	[tilespmem:s6], [sflag:$0x5] =	stream.linear.gather [spmem:s23], $0x2800, $0x38;
	[tilespmem:$0x1E200] =	vst v63  }
0x25c: {  	_ =	swait.ge [sflag:s7], $0x2800  }
0x25d: {  	[sflag:s7] =	ssyncset.done $0x0  }
0x25e: {  	s22 =	rddreg [dreg:$0x4];
	[sflag:s7] =	ssyncadd.s32 $0xFFFFD800  }
0x25f: {  	[hbm4b:s22+s3] =	stream.linear.scatter [tilespmem:s6], [sflag:$0x5], $0x2800, $0x38;
	[tilespmem:$0x1E200] =	vst v63  }
0x260: {  	_ =	swait.ge [sflag:s7], $0x2800  }
0x261: {  	[sflag:s7] =	ssyncset.done $0x0  }
0x262: {  	s20 =	rddreg [dreg:$0xc];
	[sflag:s7] =	ssyncadd.s32 $0xFFFFD800  }
0x263: {  	[tilespmem:s6], [sflag:$0x5] =	stream.linear.gather [spmem:s20], $0x2800, $0x38;
	[tilespmem:$0x1E200] =	vst v63  }
0x264: {  	_ =	swait.ge [sflag:s7], $0x2800  }
0x265: {  	[sflag:s7] =	ssyncset.done $0x0  }
0x266: {  	s19 =	smov.u32 s23;
	s23 =	rddreg [dreg:$0x5];
	[sflag:s7] =	ssyncadd.s32 $0xFFFFD800  }
0x267: {  	[hbm4b:s23+s3] =	stream.linear.scatter [tilespmem:s6], [sflag:$0x5], $0x2800, $0x38;
	[tilespmem:$0x1E200] =	vst v63  }
0x268: {  	_ =	swait.ge [sflag:s7], $0x2800  }
0x269: {  	[sflag:s7] =	ssyncset.done $0x0  }
0x26a: {  	s21 =	rddreg [dreg:$0xd];
	[sflag:s7] =	ssyncadd.s32 $0xFFFFD800  }
0x26b: {  	[tilespmem:s6], [sflag:$0x5] =	stream.linear.gather [spmem:s21], $0x2800, $0x38;
	[tilespmem:$0x1E200] =	vst v63  }
0x26c: {  	_ =	swait.ge [sflag:s7], $0x2800  }
0x26d: {  	[sflag:s7] =	ssyncset.done $0x0  }
0x26e: {  	s17 =	rddreg [dreg:$0x6];
	[sflag:s7] =	ssyncadd.s32 $0xFFFFD800  }
0x26f: {  	[hbm4b:s17+s3] =	stream.linear.scatter [tilespmem:s6], [sflag:$0x5], $0x2800, $0x38;
	[tilespmem:$0x1E200] =	vst v63  }
0x270: {  	_ =	swait.ge [sflag:s7], $0x2800  }
0x271: {  	[sflag:s7] =	ssyncset.done $0x0  }
0x272: {  	s22 =	rddreg [dreg:$0xe];
	[sflag:s7] =	ssyncadd.s32 $0xFFFFD800  }
0x273: {  	[tilespmem:s6], [sflag:$0x5] =	stream.linear.gather [spmem:s22], $0x2800, $0x38;
	[tilespmem:$0x1E200] =	vst v63  }
0x274: {  	_ =	swait.ge [sflag:s7], $0x2800  }
0x275: {  	[sflag:s7] =	ssyncset.done $0x0  }
0x276: {  	s18 =	rddreg [dreg:$0x7];
	[sflag:s7] =	ssyncadd.s32 $0xFFFFD800  }
0x277: {  	[hbm4b:s18+s3] =	stream.linear.scatter [tilespmem:s6], [sflag:$0x5], $0x2800, $0x38;
	[tilespmem:$0x1E200] =	vst v63  }
0x278: {  	_ =	swait.ge [sflag:s7], $0x2800  }
0x279: {  	[sflag:s7] =	ssyncset.done $0x0  }
0x27a: {  	s23 =	rddreg [dreg:$0xf];
	[sflag:s7] =	ssyncadd.s32 $0xFFFFD800  }
0x27b: {  	[tilespmem:s6], [sflag:$0x5] =	stream.linear.gather [spmem:s23], $0x2800, $0x38;
	[tilespmem:$0x1E200] =	vst v63  }
0x27c: {  	_ =	swait.ge [sflag:s7], $0x2800  }
0x27d: {  	[sflag:s7] =	ssyncset.done $0x0  }
0x27e: {  	s17 =	rddreg [dreg:$0x8];
	[sflag:s7] =	ssyncadd.s32 $0xFFFFD800  }
0x27f: {  	[hbm4b:s17+s3] =	stream.linear.scatter [tilespmem:s6], [sflag:$0x5], $0x2800, $0x38;
	[tilespmem:$0x1E200] =	vst v63  }
0x280: {  	_ =	swait.ge [sflag:s7], $0x2800  }
0x281: {  	[sflag:s7] =	ssyncset.done $0x0  }
0x282: {  	s18 =	rddreg [dreg:$0x10];
	[sflag:s7] =	ssyncadd.s32 $0xFFFFD800  }
0x283: {  	[tilespmem:s6], [sflag:$0x5] =	stream.linear.gather [spmem:s18], $0x2800, $0x38;
	[tilespmem:$0x1E200] =	vst v63  }
0x284: {  	_ =	swait.ge [sflag:s7], $0x2800  }
0x285: {  	[sflag:s7] =	ssyncset.done $0x0  }
0x286: {  	s23 =	rddreg [dreg:$0x9];
	[sflag:s7] =	ssyncadd.s32 $0xFFFFD800  }
0x287: {  	[hbm4b:s23+s3] =	stream.linear.scatter [tilespmem:s6], [sflag:$0x5], $0x2800, $0x38;
	[tilespmem:$0x1E200] =	vst v63  }
0x288: {  	_ =	swait.ge [sflag:s7], $0x2800  }
0x289: {  	[sflag:s7] =	ssyncset.done $0x0  }
0x28a: {  	s18 =	rddreg [dreg:$0x11];
	[sflag:s7] =	ssyncadd.s32 $0xFFFFD800  }
0x28b: {  	[tilespmem:s6], [sflag:$0x5] =	stream.linear.gather [spmem:s18], $0x2800, $0x38;
	[tilespmem:$0x1E200] =	vst v63  }
0x28c: {  	_ =	swait.ge [sflag:s7], $0x2800  }
0x28d: {  	[sflag:s7] =	ssyncset.done $0x0  }
0x28e: {  	s17 =	rddreg [dreg:$0xa];
	[sflag:s7] =	ssyncadd.s32 $0xFFFFD800  }
0x28f: {  	[hbm4b:s17+s3] =	stream.linear.scatter [tilespmem:s6], [sflag:$0x5], $0x2800, $0x38;
	[tilespmem:$0x1E200] =	vst v63  }
0x290: {  	_ =	swait.ge [sflag:s7], $0x2800  }
0x291: {  	[sflag:s7] =	ssyncset.done $0x0  }
0x292: {  	s23 =	rddreg [dreg:$0x12];
	[sflag:s7] =	ssyncadd.s32 $0xFFFFD800  }
0x293: {  	[tilespmem:s6], [sflag:$0x5] =	stream.linear.gather [spmem:s23], $0x2800, $0x38;
	[tilespmem:$0x1E200] =	vst v63  }
0x294: {  	_ =	swait.ge [sflag:s7], $0x2800  }
0x295: {  	[sflag:s7] =	ssyncset.done $0x0  }
0x296: {  	s17 =	rddreg [dreg:$0xb];
	[sflag:s7] =	ssyncadd.s32 $0xFFFFD800  }
0x297: {  	[hbm4b:s17+s3] =	stream.linear.scatter [tilespmem:s6], [sflag:$0x5], $0x2800, $0x38;
	[tilespmem:$0x1E200] =	vst v63  }
0x298: {  	_ =	swait.ge [sflag:s7], $0x2800  }
0x299: {  	s4 =	sadd.s32 $0x1, s4;
	s23 =	rddreg [dreg:$0x19]  }
0x29a: {  	p0 =	sne.s32 s4, s23  }
.Ltmp5:
0x29b: {  	_ = 	snop;
	(pc) =	sbr.rel @p0 .LBB2_1-.Ltmp5, $3  }
0x29c: {  	_ =	sdelay $0x1  }
0x29d: {  	[sflag:s7] =	ssyncset.done $0x0  }
0x29e: {  	[sflag:s7] =	ssyncadd.s32 $0xFFFFD800  }
0x29f: {  	_ =	sfence.sel $0x180000  }
0x2a0: {  	[bflag:$0x0] =	sbarrier.arrive $0xFFFF  }
0x2a1: {  	_ =	strace $0x9000004A  }
0x2a2: {  	s0 =	stileid.u32;
	[bflag:$0x2] =	sbarrier.arrive $0xFFFF  }
0x2a3: {  	p0 =	sne.s32 s0, $0x0;
	s0 =	rddreg [dreg:$0x3]  }
0x2a4: {  	s0 =	sadd.s32 @!p0 $0x100000, s0  }
0x2a5: {  	[sflag:s0] =	ssyncadd.tile.s32 @!p0 $0x1;
	_ =	shalt  }
.Lfunc_end2:
_tile_overlayer_lowered:
.L_overlay_start_2:
0x2a6: {  	(tag) =	ssettag $0x2  }
0x2a7: {  	s0 =	rddreg [dreg:$0x0];
	s2 =	stileid.u32  }
0x2a8: {  	s1 =	rddreg [dreg:$0x1];
	p0 =	sne.s32 s2, $0x0  }
0x2a9: {  	s3 =	rddreg [dreg:$0x2];
	[bflag:$0x3] =	sbarrier.arrive $0xFFFF;
	s2 =	simm.s32 @!p0 $0x1C05  }
0x2aa: {  	[timem:s3], [sflag:s2] =	dma.local @!p0 [hbm:s0], s1  }
0x2ab: {  	s0 =	simm.s32 @!p0 $0x5  }
0x2ac: {  	_ =	swait.ge @!p0 [sflag:s0], s1  }
0x2ad: {  	s1 =	ssub.s32 @!p0 $0x0, s1;
	[sflag:s0] =	ssyncset.done @!p0 $0x0  }
0x2ae: {  	[sflag:s0] =	ssyncadd.s32 @!p0 s1  }
0x2af: {  	[bflag:$0x3] =	sbarrier.arrive $0xFFFF  }
0x2b0: {  	_ =	shalt  }

</sc_bundles>
